<compile_context>
chip_gen: v7x
topology: tpu7x:2x2x1
jax: 0.10.2.dev20260603
libtpu: 0.0.44.dev20260713+nightly
codegen_flags: <defaults>
</compile_context>

<pallas_src>
import functools

import jax
import jax.numpy as jnp
from jax import lax
from jax.experimental import pallas as pl
from jax.experimental.pallas import tpu as pltpu
from jax.experimental.pallas import tpu_sc as plsc

N = 10000
NP = 10240
D = 128
H = 128
C = 40
E = 320000
CW = 48
NSC = 2
NTILE = 16
WORKERS = NSC * NTILE
G = 128
CH = 80
NPH = 2
CHP = CH // NPH
EPW = CH * G
EPAD = WORKERS * EPW
RPT = NP // NTILE


def _make_segsum(width, with_count, tc_tiling, g, nph):
  ch = EPW // g
  chp = ch // nph
  mesh = plsc.VectorSubcoreMesh(core_axis_name="c", subcore_axis_name="s")
  out_type = [jax.ShapeDtypeStruct((NSC, NP, width), jnp.float32)]
  scratch = [
      pltpu.VMEM((chp, g), jnp.int32),
      pltpu.VMEM((chp, g), jnp.int32),
      pltpu.VMEM((2, g, width), jnp.float32),
      pltpu.VMEM_SHARED((NP, width), jnp.float32),
      pltpu.SemaphoreType.DMA,
  ]
  if with_count:
    out_type.append(jax.ShapeDtypeStruct((NSC, NP), jnp.float32))
    scratch.append(pltpu.VMEM((g,), jnp.float32))
    scratch.append(pltpu.VMEM_SHARED((NP,), jnp.float32))

  @functools.partial(
      pl.kernel, out_type=out_type, mesh=mesh, scratch_types=scratch,
      compiler_params=pltpu.CompilerParams(use_tc_tiling_on_sc=tc_tiling))
  def seg(y_hbm, src_hbm, dst_hbm, z_hbm, zc_hbm, *refs):
    if with_count:
      out_hbm, outc_hbm, src_v, dst_v, rows_v, acc_sh, sem, ones_v, cnt_sh = refs
    else:
      out_hbm, src_v, dst_v, rows_v, acc_sh, sem = refs
    c = lax.axis_index("c")
    s = lax.axis_index("s")
    wid = c * NTILE + s

    pltpu.sync_copy(z_hbm, acc_sh.at[pl.ds(s * RPT, RPT)])
    if with_count:
      pltpu.sync_copy(zc_hbm, cnt_sh.at[pl.ds(s * RPT, RPT)])
      for i in range(g // 16):
        ones_v[pl.ds(i * 16, 16)] = jnp.ones((16,), jnp.float32)

    def g_start(jj, b):
      pltpu.make_async_copy(y_hbm.at[src_v.at[jj]], rows_v.at[b], sem).start()

    def g_wait(jj, b):
      pltpu.make_async_copy(y_hbm.at[src_v.at[jj]], rows_v.at[b], sem).wait()

    def body(t, carry):
      j0 = 2 * t
      j1 = j0 + 1
      g_wait(j0, 0)
      g_start(j1, 1)
      pltpu.sync_copy(rows_v.at[0], acc_sh.at[dst_v.at[j0]], add=True)
      if with_count:
        pltpu.sync_copy(ones_v, cnt_sh.at[dst_v.at[j0]], add=True)
      g_wait(j1, 1)

      @pl.when(t < chp // 2 - 1)
      def _():
        g_start(j0 + 2, 0)

      pltpu.sync_copy(rows_v.at[1], acc_sh.at[dst_v.at[j1]], add=True)
      if with_count:
        pltpu.sync_copy(ones_v, cnt_sh.at[dst_v.at[j1]], add=True)
      return carry

    for ph in range(nph):
      chunks = pl.ds(ph * chp, chp)
      pltpu.sync_copy(src_hbm.at[wid].at[chunks], src_v)
      pltpu.sync_copy(dst_hbm.at[wid].at[chunks], dst_v)
      g_start(0, 0)
      if ph == 0:
        plsc.subcore_barrier()
      lax.fori_loop(0, chp // 2, body, 0)
    plsc.subcore_barrier()
    rows = pl.ds(s * RPT, RPT)
    pltpu.sync_copy(acc_sh.at[rows], out_hbm.at[c].at[rows])
    if with_count:
      pltpu.sync_copy(cnt_sh.at[rows], outc_hbm.at[c].at[rows])

  return seg


G2 = 512
_segsum_cnt = _make_segsum(H, True, True, G, NPH)
_segsum48 = _make_segsum(CW, False, False, G2, 1)


def _k0_body(e_ref, s_ref, d_ref):
  i = pl.program_id(0)
  row = jax.lax.broadcasted_iota(jnp.int32, (256, 128), 0) + i * 256
  flat = row * 128 + jax.lax.broadcasted_iota(jnp.int32, (256, 128), 1)
  padv = N + jnp.remainder(flat - E, NP - N)
  real = flat < E
  s_ref[...] = jnp.where(real, e_ref[0], padv)
  d_ref[...] = jnp.where(real, e_ref[1], padv)


def _k1a_body(x_ref, wl_ref, y_ref):
  y_ref[...] = jnp.dot(x_ref[...], wl_ref[...],
                       preferred_element_type=jnp.float32)


def _k1b_body(x_ref, wr_ref, b_ref, xr_ref):
  xr_ref[...] = jnp.dot(x_ref[...], wr_ref[...],
                        preferred_element_type=jnp.float32) + b_ref[...]


def _k2a_body(p_ref, cnt_ref, xr_ref, wl_ref, h_ref, y2_ref):
  sums = p_ref[0] + p_ref[1]
  cnt = cnt_ref[0] + cnt_ref[1]
  mean = sums / jnp.maximum(cnt, 1.0)
  h = jnp.maximum(mean + xr_ref[...], 0.0)
  h_ref[...] = h
  y2_ref[...] = jnp.dot(h, wl_ref[...], preferred_element_type=jnp.float32)


def _k2b_body(h_ref, wr_ref, b_ref, hr_ref):
  hr_ref[...] = jnp.dot(h_ref[...], wr_ref[...],
                        preferred_element_type=jnp.float32) + b_ref[...]


def _k3_body(p2_ref, cnt_ref, hr_ref, o_ref):
  sums = p2_ref[0] + p2_ref[1]
  cnt = cnt_ref[0] + cnt_ref[1]
  o = sums / jnp.maximum(cnt, 1.0) + hr_ref[...]
  o_ref[...] = o[:, :C]





def kernel(x, edge_index, W1l, W1r, b1, W2l, W2r, b2):
  f32 = jnp.float32
  ev = edge_index.reshape(2, E // 128, 128)
  src_o, dst_o = pl.pallas_call(
      _k0_body,
      grid=(EPAD // (256 * 128),),
      in_specs=[pl.BlockSpec((2, 256, 128), lambda i: (0, i, 0))],
      out_specs=[
          pl.BlockSpec((256, 128), lambda i: (i, 0)),
          pl.BlockSpec((256, 128), lambda i: (i, 0)),
      ],
      out_shape=[
          jax.ShapeDtypeStruct((EPAD // 128, 128), jnp.int32),
          jax.ShapeDtypeStruct((EPAD // 128, 128), jnp.int32),
      ],
  )(ev)
  src_p = src_o.reshape(WORKERS, CH, G)
  dst_p = dst_o.reshape(WORKERS, CH, G)

  w1lt = W1l.T
  w1rt = W1r.T
  b1r = b1.reshape(1, H)
  w2lt = jnp.concatenate([W2l.T, jnp.zeros((H, CW - C), f32)], axis=1)
  w2rt = jnp.concatenate([W2r.T, jnp.zeros((H, CW - C), f32)], axis=1)
  b2r = jnp.concatenate([b2, jnp.zeros((CW - C,), f32)]).reshape(1, CW)
  z1 = jnp.zeros((RPT, H), f32)
  z2 = jnp.zeros((RPT, CW), f32)
  zc = jnp.zeros((RPT,), f32)

  bm = 1024
  y1 = pl.pallas_call(
      _k1a_body,
      grid=(NP // bm,),
      in_specs=[
          pl.BlockSpec((bm, D), lambda i: (i, 0)),
          pl.BlockSpec((D, H), lambda i: (0, 0)),
      ],
      out_specs=pl.BlockSpec((bm, H), lambda i: (i, 0)),
      out_shape=jax.ShapeDtypeStruct((NP, H), f32),
  )(x, w1lt)

  p1, cnt = _segsum_cnt(y1, src_p, dst_p, z1, zc)
  cnt = cnt.reshape(NSC, NP, 1)

  xr = pl.pallas_call(
      _k1b_body,
      grid=(NP // bm,),
      in_specs=[
          pl.BlockSpec((bm, D), lambda i: (i, 0)),
          pl.BlockSpec((D, H), lambda i: (0, 0)),
          pl.BlockSpec((1, H), lambda i: (0, 0)),
      ],
      out_specs=pl.BlockSpec((bm, H), lambda i: (i, 0)),
      out_shape=jax.ShapeDtypeStruct((NP, H), f32),
  )(x, w1rt, b1r)

  h, y2 = pl.pallas_call(
      _k2a_body,
      grid=(NP // bm,),
      in_specs=[
          pl.BlockSpec((NSC, bm, H), lambda i: (0, i, 0)),
          pl.BlockSpec((NSC, bm, 1), lambda i: (0, i, 0)),
          pl.BlockSpec((bm, H), lambda i: (i, 0)),
          pl.BlockSpec((H, CW), lambda i: (0, 0)),
      ],
      out_specs=[
          pl.BlockSpec((bm, H), lambda i: (i, 0)),
          pl.BlockSpec((bm, CW), lambda i: (i, 0)),
      ],
      out_shape=[
          jax.ShapeDtypeStruct((NP, H), f32),
          jax.ShapeDtypeStruct((NP, CW), f32),
      ],
  )(p1, cnt, xr, w2lt)

  src_p2 = src_p.reshape(WORKERS, EPW // G2, G2)
  dst_p2 = dst_p.reshape(WORKERS, EPW // G2, G2)
  p2 = _segsum48(y2, src_p2, dst_p2, z2, zc)[0]

  hr = pl.pallas_call(
      _k2b_body,
      grid=(NP // bm,),
      in_specs=[
          pl.BlockSpec((bm, H), lambda i: (i, 0)),
          pl.BlockSpec((H, CW), lambda i: (0, 0)),
          pl.BlockSpec((1, CW), lambda i: (0, 0)),
      ],
      out_specs=pl.BlockSpec((bm, CW), lambda i: (i, 0)),
      out_shape=jax.ShapeDtypeStruct((NP, CW), f32),
  )(h, w2rt, b2r)

  bm3 = 2000
  out = pl.pallas_call(
      _k3_body,
      grid=(N // bm3,),
      in_specs=[
          pl.BlockSpec((NSC, bm3, CW), lambda i: (0, i, 0)),
          pl.BlockSpec((NSC, bm3, 1), lambda i: (0, i, 0)),
          pl.BlockSpec((bm3, CW), lambda i: (i, 0)),
      ],
      out_specs=pl.BlockSpec((bm3, C), lambda i: (i, 0)),
      out_shape=jax.ShapeDtypeStruct((N, C), f32),
  )(p2, cnt, hr)
  return out

# --- scband reference (transcript-rebuilt; emitter-appended) ---
"""Pipeline reference for scband-graph-sageclassifier-32134945308965 (READ-ONLY COPY).

The authoritative reference and input builder live on the scoring server;
editing this copy changes nothing except your own understanding.
"""

import jax, jax.numpy as jnp
import numpy as np

N = 10000
E = 320000
D = 128
H = 128
C = 40


def setup_inputs(seed: int = 0) -> dict:
    key = jax.random.key(seed)
    ks = jax.random.split(key, 9)
    x = jax.random.normal(ks[0], (N, D), dtype=jnp.float32)
    edge_index = jax.random.randint(ks[1], (2, E), 0, N, dtype=jnp.int32)
    sD = 1.0 / np.sqrt(D)
    sH = 1.0 / np.sqrt(H)
    W1l = jax.random.normal(ks[2], (H, D), dtype=jnp.float32) * sD
    W1r = jax.random.normal(ks[3], (H, D), dtype=jnp.float32) * sD
    b1 = jnp.zeros((H,), dtype=jnp.float32)
    W2l = jax.random.normal(ks[4], (C, H), dtype=jnp.float32) * sH
    W2r = jax.random.normal(ks[5], (C, H), dtype=jnp.float32) * sH
    b2 = jnp.zeros((C,), dtype=jnp.float32)
    return {"x": x, "edge_index": edge_index, "W1l": W1l, "W1r": W1r, "b1": b1, "W2l": W2l, "W2r": W2r, "b2": b2}


def _sage_conv(x, edge_index, Wl, Wr, b):
    # PyG SAGEConv with mean aggregation:
    # out = lin_l(mean_{j in N(i)} x_j) + lin_r(x_i)
    src = edge_index[0]
    dst = edge_index[1]
    msg = x[src]  # gather: [E, d]
    summed = jax.ops.segment_sum(msg, dst, num_segments=N)
    cnt = jax.ops.segment_sum(jnp.ones((msg.shape[0], 1), dtype=x.dtype), dst, num_segments=N)
    mean = summed / jnp.maximum(cnt, 1.0)
    return mean @ Wl.T + x @ Wr.T + b


def reference(x, edge_index, W1l, W1r, b1, W2l, W2r, b2):
    h = _sage_conv(x, edge_index, W1l, W1r, b1)
    h = jax.nn.relu(h)
    # dropout is identity in eval mode
    out = _sage_conv(h, edge_index, W2l, W2r, b2)
    return out

if __name__ == "__main__":
    import jax
    _d = setup_inputs()
    print(jax.jit(kernel)(*tuple(_d.values())))

</pallas_src>

<mosaic_0001>
#map = affine_map<(d0, d1) -> (0, 0)>
#map1 = affine_map<(d0, d1) -> (0, 0, 0)>
#map2 = affine_map<(d0, d1) -> (0)>
module attributes {stable_mosaic.version = 14 : i64} {
  func.func @seg(%arg0: i32, %arg1: i32, %arg2: memref<10240x128xf32, #tpu.memory_space<hbm>>, %arg3: memref<32x80x128xi32, #tpu.memory_space<hbm>>, %arg4: memref<32x80x128xi32, #tpu.memory_space<hbm>>, %arg5: memref<640x128xf32, #tpu.memory_space<hbm>>, %arg6: memref<640xf32, #tpu.memory_space<hbm>>, %arg7: memref<2x10240x128xf32, #tpu.memory_space<hbm>>, %arg8: memref<2x10240xf32, #tpu.memory_space<hbm>>, %arg9: memref<40x128xi32, #tpu.memory_space<vmem>>, %arg10: memref<40x128xi32, #tpu.memory_space<vmem>>, %arg11: memref<2x128x128xf32, #tpu.memory_space<vmem>>, %arg12: memref<10240x128xf32, #tpu.memory_space<vmem_shared>>, %arg13: memref<!tpu.dma_semaphore, #tpu.memory_space<semaphore_mem>>, %arg14: memref<128xf32, #tpu.memory_space<vmem>>, %arg15: memref<10240xf32, #tpu.memory_space<vmem_shared>>) attributes {dimension_semantics = [#tpu.dimension_semantics<core_parallel>, #tpu.dimension_semantics<subcore_parallel>], iteration_bounds = array<i64: 2, 16>, scalar_prefetch = 0 : i64, scratch_operands = 7 : i64, tpu.core_type = #tpu.core_type<sc_vector_subcore>, window_params = [{transform_indices = #map}, {transform_indices = #map1}, {transform_indices = #map1}, {transform_indices = #map}, {transform_indices = #map2}, {transform_indices = #map1}, {transform_indices = #map}]} {
    %mul3A = arith.constant 16 : i32
    %mul3A_0 = arith.muli %arg0, %mul3A : i32
    %add3A = arith.addi %mul3A_0, %arg1 : i32
    %mul3A_1 = arith.constant 640 : i32
    %mul3A_2 = arith.muli %arg1, %mul3A_1 : i32
    "tpu.region"() ({
      %run_scoped3A = tpu.sem_alloc : memref<!tpu.dma_semaphore, #tpu.memory_space<semaphore_mem>>
      %dma_start3A_88 = arith.constant 0 : i32
      %dma_start3A_89 = tpu.memref_slice %arg12[%mul3A_2, %dma_start3A_88] : memref<10240x128xf32, #tpu.memory_space<vmem_shared>> -> memref<640x128xf32, #tpu.memory_space<vmem_shared>>
      tpu.enqueue_dma source(%arg5 : memref<640x128xf32, #tpu.memory_space<hbm>>) target(%dma_start3A_89 : memref<640x128xf32, #tpu.memory_space<vmem_shared>>) target_semaphore(%run_scoped3A : memref<!tpu.dma_semaphore, #tpu.memory_space<semaphore_mem>>)
      %dma_wait3A = arith.constant 0 : i32
      %dma_wait3A_90 = tpu.memref_slice %arg12[%mul3A_2, %dma_wait3A] : memref<10240x128xf32, #tpu.memory_space<vmem_shared>> -> memref<640x128xf32, #tpu.memory_space<vmem_shared>>
      tpu.wait_dma2 semaphore(%run_scoped3A : memref<!tpu.dma_semaphore, #tpu.memory_space<semaphore_mem>>) src(%arg5 : memref<640x128xf32, #tpu.memory_space<hbm>>) dst(%dma_wait3A_90 : memref<640x128xf32, #tpu.memory_space<vmem_shared>>)
      tpu.yield
    }) : () -> ()
    %mul3A_3 = arith.constant 640 : i32
    %mul3A_4 = arith.muli %arg1, %mul3A_3 : i32
    "tpu.region"() ({
      %run_scoped3A = tpu.sem_alloc : memref<!tpu.dma_semaphore, #tpu.memory_space<semaphore_mem>>
      %dma_start3A_88 = tpu.memref_slice %arg15[%mul3A_4] : memref<10240xf32, #tpu.memory_space<vmem_shared>> -> memref<640xf32, #tpu.memory_space<vmem_shared>>
      tpu.enqueue_dma source(%arg6 : memref<640xf32, #tpu.memory_space<hbm>>) target(%dma_start3A_88 : memref<640xf32, #tpu.memory_space<vmem_shared>>) target_semaphore(%run_scoped3A : memref<!tpu.dma_semaphore, #tpu.memory_space<semaphore_mem>>)
      %dma_wait3A = tpu.memref_slice %arg15[%mul3A_4] : memref<10240xf32, #tpu.memory_space<vmem_shared>> -> memref<640xf32, #tpu.memory_space<vmem_shared>>
      tpu.wait_dma2 semaphore(%run_scoped3A : memref<!tpu.dma_semaphore, #tpu.memory_space<semaphore_mem>>) src(%arg6 : memref<640xf32, #tpu.memory_space<hbm>>) dst(%dma_wait3A : memref<640xf32, #tpu.memory_space<vmem_shared>>)
      tpu.yield
    }) : () -> ()
    %broadcast_in_dim3A = arith.constant 1.000000e+00 : f32
    %broadcast_in_dim3A_5 = vector.broadcast %broadcast_in_dim3A : f32 to vector<16xf32>
    %swap3A = arith.constant 0 : index
    %swap3A_6 = tpu.vector_load %arg14[%swap3A] {strides = array<i32>} : memref<128xf32, #tpu.memory_space<vmem>>, vector<16xf32>,
    %swap3A_7 = vector.shape_cast %swap3A_6 : vector<16xf32> to vector<16xf32>
    %swap3A_8 = vector.shape_cast %broadcast_in_dim3A_5 : vector<16xf32> to vector<16xf32>
    tpu.vector_store %arg14[%swap3A], %swap3A_8 {strides = array<i32>} : memref<128xf32, #tpu.memory_space<vmem>>, vector<16xf32>,
    %broadcast_in_dim3A_9 = arith.constant 1.000000e+00 : f32
    %broadcast_in_dim3A_10 = vector.broadcast %broadcast_in_dim3A_9 : f32 to vector<16xf32>
    %swap3A_11 = arith.constant 16 : index
    %swap3A_12 = tpu.vector_load %arg14[%swap3A_11] {strides = array<i32>} : memref<128xf32, #tpu.memory_space<vmem>>, vector<16xf32>,
    %swap3A_13 = vector.shape_cast %swap3A_12 : vector<16xf32> to vector<16xf32>
    %swap3A_14 = vector.shape_cast %broadcast_in_dim3A_10 : vector<16xf32> to vector<16xf32>
    tpu.vector_store %arg14[%swap3A_11], %swap3A_14 {strides = array<i32>} : memref<128xf32, #tpu.memory_space<vmem>>, vector<16xf32>,
    %broadcast_in_dim3A_15 = arith.constant 1.000000e+00 : f32
    %broadcast_in_dim3A_16 = vector.broadcast %broadcast_in_dim3A_15 : f32 to vector<16xf32>
    %swap3A_17 = arith.constant 32 : index
    %swap3A_18 = tpu.vector_load %arg14[%swap3A_17] {strides = array<i32>} : memref<128xf32, #tpu.memory_space<vmem>>, vector<16xf32>,
    %swap3A_19 = vector.shape_cast %swap3A_18 : vector<16xf32> to vector<16xf32>
    %swap3A_20 = vector.shape_cast %broadcast_in_dim3A_16 : vector<16xf32> to vector<16xf32>
    tpu.vector_store %arg14[%swap3A_17], %swap3A_20 {strides = array<i32>} : memref<128xf32, #tpu.memory_space<vmem>>, vector<16xf32>,
    %broadcast_in_dim3A_21 = arith.constant 1.000000e+00 : f32
    %broadcast_in_dim3A_22 = vector.broadcast %broadcast_in_dim3A_21 : f32 to vector<16xf32>
    %swap3A_23 = arith.constant 48 : index
    %swap3A_24 = tpu.vector_load %arg14[%swap3A_23] {strides = array<i32>} : memref<128xf32, #tpu.memory_space<vmem>>, vector<16xf32>,
    %swap3A_25 = vector.shape_cast %swap3A_24 : vector<16xf32> to vector<16xf32>
    %swap3A_26 = vector.shape_cast %broadcast_in_dim3A_22 : vector<16xf32> to vector<16xf32>
    tpu.vector_store %arg14[%swap3A_23], %swap3A_26 {strides = array<i32>} : memref<128xf32, #tpu.memory_space<vmem>>, vector<16xf32>,
    %broadcast_in_dim3A_27 = arith.constant 1.000000e+00 : f32
    %broadcast_in_dim3A_28 = vector.broadcast %broadcast_in_dim3A_27 : f32 to vector<16xf32>
    %swap3A_29 = arith.constant 64 : index
    %swap3A_30 = tpu.vector_load %arg14[%swap3A_29] {strides = array<i32>} : memref<128xf32, #tpu.memory_space<vmem>>, vector<16xf32>,
    %swap3A_31 = vector.shape_cast %swap3A_30 : vector<16xf32> to vector<16xf32>
    %swap3A_32 = vector.shape_cast %broadcast_in_dim3A_28 : vector<16xf32> to vector<16xf32>
    tpu.vector_store %arg14[%swap3A_29], %swap3A_32 {strides = array<i32>} : memref<128xf32, #tpu.memory_space<vmem>>, vector<16xf32>,
    %broadcast_in_dim3A_33 = arith.constant 1.000000e+00 : f32
    %broadcast_in_dim3A_34 = vector.broadcast %broadcast_in_dim3A_33 : f32 to vector<16xf32>
    %swap3A_35 = arith.constant 80 : index
    %swap3A_36 = tpu.vector_load %arg14[%swap3A_35] {strides = array<i32>} : memref<128xf32, #tpu.memory_space<vmem>>, vector<16xf32>,
    %swap3A_37 = vector.shape_cast %swap3A_36 : vector<16xf32> to vector<16xf32>
    %swap3A_38 = vector.shape_cast %broadcast_in_dim3A_34 : vector<16xf32> to vector<16xf32>
    tpu.vector_store %arg14[%swap3A_35], %swap3A_38 {strides = array<i32>} : memref<128xf32, #tpu.memory_space<vmem>>, vector<16xf32>,
    %broadcast_in_dim3A_39 = arith.constant 1.000000e+00 : f32
    %broadcast_in_dim3A_40 = vector.broadcast %broadcast_in_dim3A_39 : f32 to vector<16xf32>
    %swap3A_41 = arith.constant 96 : index
    %swap3A_42 = tpu.vector_load %arg14[%swap3A_41] {strides = array<i32>} : memref<128xf32, #tpu.memory_space<vmem>>, vector<16xf32>,
    %swap3A_43 = vector.shape_cast %swap3A_42 : vector<16xf32> to vector<16xf32>
    %swap3A_44 = vector.shape_cast %broadcast_in_dim3A_40 : vector<16xf32> to vector<16xf32>
    tpu.vector_store %arg14[%swap3A_41], %swap3A_44 {strides = array<i32>} : memref<128xf32, #tpu.memory_space<vmem>>, vector<16xf32>,
    %broadcast_in_dim3A_45 = arith.constant 1.000000e+00 : f32
    %broadcast_in_dim3A_46 = vector.broadcast %broadcast_in_dim3A_45 : f32 to vector<16xf32>
    %swap3A_47 = arith.constant 112 : index
    %swap3A_48 = tpu.vector_load %arg14[%swap3A_47] {strides = array<i32>} : memref<128xf32, #tpu.memory_space<vmem>>, vector<16xf32>,
    %swap3A_49 = vector.shape_cast %swap3A_48 : vector<16xf32> to vector<16xf32>
    %swap3A_50 = vector.shape_cast %broadcast_in_dim3A_46 : vector<16xf32> to vector<16xf32>
    tpu.vector_store %arg14[%swap3A_47], %swap3A_50 {strides = array<i32>} : memref<128xf32, #tpu.memory_space<vmem>>, vector<16xf32>,
    "tpu.region"() ({
      %run_scoped3A = tpu.sem_alloc : memref<!tpu.dma_semaphore, #tpu.memory_space<semaphore_mem>>
      %dma_start3A_88 = arith.constant 0 : i32
      %dma_start3A_89 = arith.constant 0 : i32
      %dma_start3A_90 = tpu.memref_slice %arg3[%add3A, %dma_start3A_88, %dma_start3A_89] : memref<32x80x128xi32, #tpu.memory_space<hbm>> -> memref<1x80x128xi32, #tpu.memory_space<hbm>>
      %dma_start3A_91 = tpu.memref_squeeze %dma_start3A_90 : memref<1x80x128xi32, #tpu.memory_space<hbm>> -> memref<80x128xi32, #tpu.memory_space<hbm>>
      %dma_start3A_92 = arith.constant 0 : i32
      %dma_start3A_93 = arith.constant 0 : i32
      %dma_start3A_94 = tpu.memref_slice %dma_start3A_91[%dma_start3A_92, %dma_start3A_93] : memref<80x128xi32, #tpu.memory_space<hbm>> -> memref<40x128xi32, #tpu.memory_space<hbm>>
      %dma_start3A_95 = arith.constant 0 : i32
      %dma_start3A_96 = arith.constant 0 : i32
      %dma_start3A_97 = tpu.memref_slice %arg3[%add3A, %dma_start3A_95, %dma_start3A_96] : memref<32x80x128xi32, #tpu.memory_space<hbm>> -> memref<1x80x128xi32, #tpu.memory_space<hbm>>
      %dma_start3A_98 = tpu.memref_squeeze %dma_start3A_97 : memref<1x80x128xi32, #tpu.memory_space<hbm>> -> memref<80x128xi32, #tpu.memory_space<hbm>>
      %dma_start3A_99 = arith.constant 0 : i32
      %dma_start3A_100 = arith.constant 0 : i32
      %dma_start3A_101 = tpu.memref_slice %dma_start3A_98[%dma_start3A_99, %dma_start3A_100] : memref<80x128xi32, #tpu.memory_space<hbm>> -> memref<40x128xi32, #tpu.memory_space<hbm>>
      tpu.enqueue_dma source(%dma_start3A_101 : memref<40x128xi32, #tpu.memory_space<hbm>>) target(%arg9 : memref<40x128xi32, #tpu.memory_space<vmem>>) target_semaphore(%run_scoped3A : memref<!tpu.dma_semaphore, #tpu.memory_space<semaphore_mem>>)
      %dma_wait3A = arith.constant 0 : i32
      %dma_wait3A_102 = arith.constant 0 : i32
      %dma_wait3A_103 = tpu.memref_slice %arg3[%add3A, %dma_wait3A, %dma_wait3A_102] : memref<32x80x128xi32, #tpu.memory_space<hbm>> -> memref<1x80x128xi32, #tpu.memory_space<hbm>>
      %dma_wait3A_104 = tpu.memref_squeeze %dma_wait3A_103 : memref<1x80x128xi32, #tpu.memory_space<hbm>> -> memref<80x128xi32, #tpu.memory_space<hbm>>
      %dma_wait3A_105 = arith.constant 0 : i32
      %dma_wait3A_106 = arith.constant 0 : i32
      %dma_wait3A_107 = tpu.memref_slice %dma_wait3A_104[%dma_wait3A_105, %dma_wait3A_106] : memref<80x128xi32, #tpu.memory_space<hbm>> -> memref<40x128xi32, #tpu.memory_space<hbm>>
      %dma_wait3A_108 = arith.constant 0 : i32
      %dma_wait3A_109 = arith.constant 0 : i32
      %dma_wait3A_110 = tpu.memref_slice %arg3[%add3A, %dma_wait3A_108, %dma_wait3A_109] : memref<32x80x128xi32, #tpu.memory_space<hbm>> -> memref<1x80x128xi32, #tpu.memory_space<hbm>>
      %dma_wait3A_111 = tpu.memref_squeeze %dma_wait3A_110 : memref<1x80x128xi32, #tpu.memory_space<hbm>> -> memref<80x128xi32, #tpu.memory_space<hbm>>
      %dma_wait3A_112 = arith.constant 0 : i32
      %dma_wait3A_113 = arith.constant 0 : i32
      %dma_wait3A_114 = tpu.memref_slice %dma_wait3A_111[%dma_wait3A_112, %dma_wait3A_113] : memref<80x128xi32, #tpu.memory_space<hbm>> -> memref<40x128xi32, #tpu.memory_space<hbm>>
      tpu.wait_dma2 semaphore(%run_scoped3A : memref<!tpu.dma_semaphore, #tpu.memory_space<semaphore_mem>>) src(%dma_wait3A_114 : memref<40x128xi32, #tpu.memory_space<hbm>>) dst(%arg9 : memref<40x128xi32, #tpu.memory_space<vmem>>)
      tpu.yield
    }) : () -> ()
    "tpu.region"() ({
      %run_scoped3A = tpu.sem_alloc : memref<!tpu.dma_semaphore, #tpu.memory_space<semaphore_mem>>
      %dma_start3A_88 = arith.constant 0 : i32
      %dma_start3A_89 = arith.constant 0 : i32
      %dma_start3A_90 = tpu.memref_slice %arg4[%add3A, %dma_start3A_88, %dma_start3A_89] : memref<32x80x128xi32, #tpu.memory_space<hbm>> -> memref<1x80x128xi32, #tpu.memory_space<hbm>>
      %dma_start3A_91 = tpu.memref_squeeze %dma_start3A_90 : memref<1x80x128xi32, #tpu.memory_space<hbm>> -> memref<80x128xi32, #tpu.memory_space<hbm>>
      %dma_start3A_92 = arith.constant 0 : i32
      %dma_start3A_93 = arith.constant 0 : i32
      %dma_start3A_94 = tpu.memref_slice %dma_start3A_91[%dma_start3A_92, %dma_start3A_93] : memref<80x128xi32, #tpu.memory_space<hbm>> -> memref<40x128xi32, #tpu.memory_space<hbm>>
      %dma_start3A_95 = arith.constant 0 : i32
      %dma_start3A_96 = arith.constant 0 : i32
      %dma_start3A_97 = tpu.memref_slice %arg4[%add3A, %dma_start3A_95, %dma_start3A_96] : memref<32x80x128xi32, #tpu.memory_space<hbm>> -> memref<1x80x128xi32, #tpu.memory_space<hbm>>
      %dma_start3A_98 = tpu.memref_squeeze %dma_start3A_97 : memref<1x80x128xi32, #tpu.memory_space<hbm>> -> memref<80x128xi32, #tpu.memory_space<hbm>>
      %dma_start3A_99 = arith.constant 0 : i32
      %dma_start3A_100 = arith.constant 0 : i32
      %dma_start3A_101 = tpu.memref_slice %dma_start3A_98[%dma_start3A_99, %dma_start3A_100] : memref<80x128xi32, #tpu.memory_space<hbm>> -> memref<40x128xi32, #tpu.memory_space<hbm>>
      tpu.enqueue_dma source(%dma_start3A_101 : memref<40x128xi32, #tpu.memory_space<hbm>>) target(%arg10 : memref<40x128xi32, #tpu.memory_space<vmem>>) target_semaphore(%run_scoped3A : memref<!tpu.dma_semaphore, #tpu.memory_space<semaphore_mem>>)
      %dma_wait3A = arith.constant 0 : i32
      %dma_wait3A_102 = arith.constant 0 : i32
      %dma_wait3A_103 = tpu.memref_slice %arg4[%add3A, %dma_wait3A, %dma_wait3A_102] : memref<32x80x128xi32, #tpu.memory_space<hbm>> -> memref<1x80x128xi32, #tpu.memory_space<hbm>>
      %dma_wait3A_104 = tpu.memref_squeeze %dma_wait3A_103 : memref<1x80x128xi32, #tpu.memory_space<hbm>> -> memref<80x128xi32, #tpu.memory_space<hbm>>
      %dma_wait3A_105 = arith.constant 0 : i32
      %dma_wait3A_106 = arith.constant 0 : i32
      %dma_wait3A_107 = tpu.memref_slice %dma_wait3A_104[%dma_wait3A_105, %dma_wait3A_106] : memref<80x128xi32, #tpu.memory_space<hbm>> -> memref<40x128xi32, #tpu.memory_space<hbm>>
      %dma_wait3A_108 = arith.constant 0 : i32
      %dma_wait3A_109 = arith.constant 0 : i32
      %dma_wait3A_110 = tpu.memref_slice %arg4[%add3A, %dma_wait3A_108, %dma_wait3A_109] : memref<32x80x128xi32, #tpu.memory_space<hbm>> -> memref<1x80x128xi32, #tpu.memory_space<hbm>>
      %dma_wait3A_111 = tpu.memref_squeeze %dma_wait3A_110 : memref<1x80x128xi32, #tpu.memory_space<hbm>> -> memref<80x128xi32, #tpu.memory_space<hbm>>
      %dma_wait3A_112 = arith.constant 0 : i32
      %dma_wait3A_113 = arith.constant 0 : i32
      %dma_wait3A_114 = tpu.memref_slice %dma_wait3A_111[%dma_wait3A_112, %dma_wait3A_113] : memref<80x128xi32, #tpu.memory_space<hbm>> -> memref<40x128xi32, #tpu.memory_space<hbm>>
      tpu.wait_dma2 semaphore(%run_scoped3A : memref<!tpu.dma_semaphore, #tpu.memory_space<semaphore_mem>>) src(%dma_wait3A_114 : memref<40x128xi32, #tpu.memory_space<hbm>>) dst(%arg10 : memref<40x128xi32, #tpu.memory_space<vmem>>)
      tpu.yield
    }) : () -> ()
    %dma_start3A = arith.constant 0 : i32
    %dma_start3A_51 = arith.constant 0 : i32
    %dma_start3A_52 = arith.constant 0 : i32
    %dma_start3A_53 = arith.constant 0 : i32
    %dma_start3A_54 = tpu.memref_slice %arg11[%dma_start3A_51, %dma_start3A_52, %dma_start3A_53] : memref<2x128x128xf32, #tpu.memory_space<vmem>> -> memref<1x128x128xf32, #tpu.memory_space<vmem>>
    %dma_start3A_55 = tpu.memref_squeeze %dma_start3A_54 : memref<1x128x128xf32, #tpu.memory_space<vmem>> -> memref<128x128xf32, #tpu.memory_space<vmem>>
    %dma_start3A_56 = arith.constant 0 : i32
    %dma_start3A_57 = tpu.memref_slice %arg9[%dma_start3A, %dma_start3A_56] : memref<40x128xi32, #tpu.memory_space<vmem>> -> memref<1x128xi32, #tpu.memory_space<vmem>>
    %dma_start3A_58 = tpu.memref_squeeze %dma_start3A_57 : memref<1x128xi32, #tpu.memory_space<vmem>> -> memref<128xi32, #tpu.memory_space<vmem>>
    %dma_start3A_59 = arith.constant 0 : i32
    %dma_start3A_60 = arith.constant 0 : i32
    %dma_start3A_61 = tpu.memref_slice %arg2[%dma_start3A_59, %dma_start3A_60] : memref<10240x128xf32, #tpu.memory_space<hbm>> -> memref<10240x128xf32, #tpu.memory_space<hbm>>
    tpu.enqueue_indirect_dma source(%dma_start3A_61 : memref<10240x128xf32, #tpu.memory_space<hbm>>) target(%dma_start3A_55 : memref<128x128xf32, #tpu.memory_space<vmem>>) offsets(%dma_start3A_58 : memref<128xi32, #tpu.memory_space<vmem>>) semaphore(%arg13 : memref<!tpu.dma_semaphore, #tpu.memory_space<semaphore_mem>>)
    %barrier3A = arith.constant 0 : index
    tpu.barrier barrier_id(%barrier3A)
    %scan3A = arith.constant 0 : i32
    %scan3A_62 = arith.constant 0 : i32
    %scan3A_63 = arith.constant 20 : i32
    %scan3A_64 = arith.addi %scan3A_62, %scan3A_63 : i32
    %scan3A_65 = arith.constant 1 : i32
    scf.for %scan3A_88 = %scan3A_62 to %scan3A_64 step %scan3A_65  : i32 {
      %mul3A_89 = arith.constant 2 : i32
      %mul3A_90 = arith.muli %mul3A_89, %scan3A_88 : i32
      %add3A_91 = arith.constant 1 : i32
      %add3A_92 = arith.addi %mul3A_90, %add3A_91 : i32
      %dma_wait3A = arith.constant 0 : i32
      %dma_wait3A_93 = arith.constant 0 : i32
      %dma_wait3A_94 = arith.constant 0 : i32
      %dma_wait3A_95 = tpu.memref_slice %arg11[%dma_wait3A, %dma_wait3A_93, %dma_wait3A_94] : memref<2x128x128xf32, #tpu.memory_space<vmem>> -> memref<1x128x128xf32, #tpu.memory_space<vmem>>
      %dma_wait3A_96 = tpu.memref_squeeze %dma_wait3A_95 : memref<1x128x128xf32, #tpu.memory_space<vmem>> -> memref<128x128xf32, #tpu.memory_space<vmem>>
      %dma_wait3A_97 = arith.constant 0 : i32
      %dma_wait3A_98 = tpu.memref_slice %arg9[%mul3A_90, %dma_wait3A_97] : memref<40x128xi32, #tpu.memory_space<vmem>> -> memref<1x128xi32, #tpu.memory_space<vmem>>
      %dma_wait3A_99 = tpu.memref_squeeze %dma_wait3A_98 : memref<1x128xi32, #tpu.memory_space<vmem>> -> memref<128xi32, #tpu.memory_space<vmem>>
      %dma_wait3A_100 = arith.constant 0 : i32
      %dma_wait3A_101 = arith.constant 0 : i32
      %dma_wait3A_102 = tpu.memref_slice %arg2[%dma_wait3A_100, %dma_wait3A_101] : memref<10240x128xf32, #tpu.memory_space<hbm>> -> memref<10240x128xf32, #tpu.memory_space<hbm>>
      tpu.wait_indirect_dma semaphore(%arg13 : memref<!tpu.dma_semaphore, #tpu.memory_space<semaphore_mem>>) src(%dma_wait3A_102 : memref<10240x128xf32, #tpu.memory_space<hbm>>) dst(%dma_wait3A_96 : memref<128x128xf32, #tpu.memory_space<vmem>>)
      %dma_start3A_103 = arith.constant 1 : i32
      %dma_start3A_104 = arith.constant 0 : i32
      %dma_start3A_105 = arith.constant 0 : i32
      %dma_start3A_106 = tpu.memref_slice %arg11[%dma_start3A_103, %dma_start3A_104, %dma_start3A_105] : memref<2x128x128xf32, #tpu.memory_space<vmem>> -> memref<1x128x128xf32, #tpu.memory_space<vmem>>
      %dma_start3A_107 = tpu.memref_squeeze %dma_start3A_106 : memref<1x128x128xf32, #tpu.memory_space<vmem>> -> memref<128x128xf32, #tpu.memory_space<vmem>>
      %dma_start3A_108 = arith.constant 0 : i32
      %dma_start3A_109 = tpu.memref_slice %arg9[%add3A_92, %dma_start3A_108] : memref<40x128xi32, #tpu.memory_space<vmem>> -> memref<1x128xi32, #tpu.memory_space<vmem>>
      %dma_start3A_110 = tpu.memref_squeeze %dma_start3A_109 : memref<1x128xi32, #tpu.memory_space<vmem>> -> memref<128xi32, #tpu.memory_space<vmem>>
      %dma_start3A_111 = arith.constant 0 : i32
      %dma_start3A_112 = arith.constant 0 : i32
      %dma_start3A_113 = tpu.memref_slice %arg2[%dma_start3A_111, %dma_start3A_112] : memref<10240x128xf32, #tpu.memory_space<hbm>> -> memref<10240x128xf32, #tpu.memory_space<hbm>>
      tpu.enqueue_indirect_dma source(%dma_start3A_113 : memref<10240x128xf32, #tpu.memory_space<hbm>>) target(%dma_start3A_107 : memref<128x128xf32, #tpu.memory_space<vmem>>) offsets(%dma_start3A_110 : memref<128xi32, #tpu.memory_space<vmem>>) semaphore(%arg13 : memref<!tpu.dma_semaphore, #tpu.memory_space<semaphore_mem>>)
      %run_scoped3A = arith.constant 0 : i32
      "tpu.region"() ({
        %run_scoped3A_128 = tpu.sem_alloc : memref<!tpu.dma_semaphore, #tpu.memory_space<semaphore_mem>>
        %dma_start3A_129 = arith.constant 0 : i32
        %dma_start3A_130 = arith.constant 0 : i32
        %dma_start3A_131 = tpu.memref_slice %arg11[%run_scoped3A, %dma_start3A_129, %dma_start3A_130] : memref<2x128x128xf32, #tpu.memory_space<vmem>> -> memref<1x128x128xf32, #tpu.memory_space<vmem>>
        %dma_start3A_132 = tpu.memref_squeeze %dma_start3A_131 : memref<1x128x128xf32, #tpu.memory_space<vmem>> -> memref<128x128xf32, #tpu.memory_space<vmem>>
        %dma_start3A_133 = arith.constant 0 : i32
        %dma_start3A_134 = tpu.memref_slice %arg10[%mul3A_90, %dma_start3A_133] : memref<40x128xi32, #tpu.memory_space<vmem>> -> memref<1x128xi32, #tpu.memory_space<vmem>>
        %dma_start3A_135 = tpu.memref_squeeze %dma_start3A_134 : memref<1x128xi32, #tpu.memory_space<vmem>> -> memref<128xi32, #tpu.memory_space<vmem>>
        %dma_start3A_136 = arith.constant 0 : i32
        %dma_start3A_137 = arith.constant 0 : i32
        %dma_start3A_138 = tpu.memref_slice %arg12[%dma_start3A_136, %dma_start3A_137] : memref<10240x128xf32, #tpu.memory_space<vmem_shared>> -> memref<10240x128xf32, #tpu.memory_space<vmem_shared>>
        tpu.enqueue_indirect_dma source(%dma_start3A_132 : memref<128x128xf32, #tpu.memory_space<vmem>>) target(%dma_start3A_138 : memref<10240x128xf32, #tpu.memory_space<vmem_shared>>) offsets(%dma_start3A_135 : memref<128xi32, #tpu.memory_space<vmem>>) semaphore(%run_scoped3A_128 : memref<!tpu.dma_semaphore, #tpu.memory_space<semaphore_mem>>) {add = true}
        %dma_wait3A_139 = arith.constant 0 : i32
        %dma_wait3A_140 = arith.constant 0 : i32
        %dma_wait3A_141 = tpu.memref_slice %arg11[%run_scoped3A, %dma_wait3A_139, %dma_wait3A_140] : memref<2x128x128xf32, #tpu.memory_space<vmem>> -> memref<1x128x128xf32, #tpu.memory_space<vmem>>
        %dma_wait3A_142 = tpu.memref_squeeze %dma_wait3A_141 : memref<1x128x128xf32, #tpu.memory_space<vmem>> -> memref<128x128xf32, #tpu.memory_space<vmem>>
        %dma_wait3A_143 = arith.constant 0 : i32
        %dma_wait3A_144 = tpu.memref_slice %arg10[%mul3A_90, %dma_wait3A_143] : memref<40x128xi32, #tpu.memory_space<vmem>> -> memref<1x128xi32, #tpu.memory_space<vmem>>
        %dma_wait3A_145 = tpu.memref_squeeze %dma_wait3A_144 : memref<1x128xi32, #tpu.memory_space<vmem>> -> memref<128xi32, #tpu.memory_space<vmem>>
        %dma_wait3A_146 = arith.constant 0 : i32
        %dma_wait3A_147 = arith.constant 0 : i32
        %dma_wait3A_148 = tpu.memref_slice %arg12[%dma_wait3A_146, %dma_wait3A_147] : memref<10240x128xf32, #tpu.memory_space<vmem_shared>> -> memref<10240x128xf32, #tpu.memory_space<vmem_shared>>
        tpu.wait_indirect_dma semaphore(%run_scoped3A_128 : memref<!tpu.dma_semaphore, #tpu.memory_space<semaphore_mem>>) src(%dma_wait3A_142 : memref<128x128xf32, #tpu.memory_space<vmem>>) dst(%dma_wait3A_148 : memref<10240x128xf32, #tpu.memory_space<vmem_shared>>)
        tpu.yield
      }) : () -> ()
      "tpu.region"() ({
        %run_scoped3A_128 = tpu.sem_alloc : memref<!tpu.dma_semaphore, #tpu.memory_space<semaphore_mem>>
        %dma_start3A_129 = arith.constant 0 : i32
        %dma_start3A_130 = tpu.memref_slice %arg10[%mul3A_90, %dma_start3A_129] : memref<40x128xi32, #tpu.memory_space<vmem>> -> memref<1x128xi32, #tpu.memory_space<vmem>>
        %dma_start3A_131 = tpu.memref_squeeze %dma_start3A_130 : memref<1x128xi32, #tpu.memory_space<vmem>> -> memref<128xi32, #tpu.memory_space<vmem>>
        %dma_start3A_132 = arith.constant 0 : i32
        %dma_start3A_133 = tpu.memref_slice %arg15[%dma_start3A_132] : memref<10240xf32, #tpu.memory_space<vmem_shared>> -> memref<10240xf32, #tpu.memory_space<vmem_shared>>
        tpu.enqueue_indirect_dma source(%arg14 : memref<128xf32, #tpu.memory_space<vmem>>) target(%dma_start3A_133 : memref<10240xf32, #tpu.memory_space<vmem_shared>>) offsets(%dma_start3A_131 : memref<128xi32, #tpu.memory_space<vmem>>) semaphore(%run_scoped3A_128 : memref<!tpu.dma_semaphore, #tpu.memory_space<semaphore_mem>>) {add = true}
        %dma_wait3A_134 = arith.constant 0 : i32
        %dma_wait3A_135 = tpu.memref_slice %arg10[%mul3A_90, %dma_wait3A_134] : memref<40x128xi32, #tpu.memory_space<vmem>> -> memref<1x128xi32, #tpu.memory_space<vmem>>
        %dma_wait3A_136 = tpu.memref_squeeze %dma_wait3A_135 : memref<1x128xi32, #tpu.memory_space<vmem>> -> memref<128xi32, #tpu.memory_space<vmem>>
        %dma_wait3A_137 = arith.constant 0 : i32
        %dma_wait3A_138 = tpu.memref_slice %arg15[%dma_wait3A_137] : memref<10240xf32, #tpu.memory_space<vmem_shared>> -> memref<10240xf32, #tpu.memory_space<vmem_shared>>
        tpu.wait_indirect_dma semaphore(%run_scoped3A_128 : memref<!tpu.dma_semaphore, #tpu.memory_space<semaphore_mem>>) src(%arg14 : memref<128xf32, #tpu.memory_space<vmem>>) dst(%dma_wait3A_138 : memref<10240xf32, #tpu.memory_space<vmem_shared>>)
        tpu.yield
      }) : () -> ()
      %dma_wait3A_114 = arith.constant 1 : i32
      %dma_wait3A_115 = arith.constant 0 : i32
      %dma_wait3A_116 = arith.constant 0 : i32
      %dma_wait3A_117 = tpu.memref_slice %arg11[%dma_wait3A_114, %dma_wait3A_115, %dma_wait3A_116] : memref<2x128x128xf32, #tpu.memory_space<vmem>> -> memref<1x128x128xf32, #tpu.memory_space<vmem>>
      %dma_wait3A_118 = tpu.memref_squeeze %dma_wait3A_117 : memref<1x128x128xf32, #tpu.memory_space<vmem>> -> memref<128x128xf32, #tpu.memory_space<vmem>>
      %dma_wait3A_119 = arith.constant 0 : i32
      %dma_wait3A_120 = tpu.memref_slice %arg9[%add3A_92, %dma_wait3A_119] : memref<40x128xi32, #tpu.memory_space<vmem>> -> memref<1x128xi32, #tpu.memory_space<vmem>>
      %dma_wait3A_121 = tpu.memref_squeeze %dma_wait3A_120 : memref<1x128xi32, #tpu.memory_space<vmem>> -> memref<128xi32, #tpu.memory_space<vmem>>
      %dma_wait3A_122 = arith.constant 0 : i32
      %dma_wait3A_123 = arith.constant 0 : i32
      %dma_wait3A_124 = tpu.memref_slice %arg2[%dma_wait3A_122, %dma_wait3A_123] : memref<10240x128xf32, #tpu.memory_space<hbm>> -> memref<10240x128xf32, #tpu.memory_space<hbm>>
      tpu.wait_indirect_dma semaphore(%arg13 : memref<!tpu.dma_semaphore, #tpu.memory_space<semaphore_mem>>) src(%dma_wait3A_124 : memref<10240x128xf32, #tpu.memory_space<hbm>>) dst(%dma_wait3A_118 : memref<128x128xf32, #tpu.memory_space<vmem>>)
      %lt3A = arith.constant 19 : i32
      %lt3A_125 = arith.cmpi slt, %scan3A_88, %lt3A : i32
      %convert_element_type3A = arith.extui %lt3A_125 : i1 to i32
      %cond3A = arith.constant 0 : i32
      %cond3A_126 = arith.cmpi ne, %convert_element_type3A, %cond3A : i32
      scf.if %cond3A_126 {
        %add3A_128 = arith.constant 2 : i32
        %add3A_129 = arith.addi %mul3A_90, %add3A_128 : i32
        %dma_start3A_130 = arith.constant 0 : i32
        %dma_start3A_131 = arith.constant 0 : i32
        %dma_start3A_132 = arith.constant 0 : i32
        %dma_start3A_133 = tpu.memref_slice %arg11[%dma_start3A_130, %dma_start3A_131, %dma_start3A_132] : memref<2x128x128xf32, #tpu.memory_space<vmem>> -> memref<1x128x128xf32, #tpu.memory_space<vmem>>
        %dma_start3A_134 = tpu.memref_squeeze %dma_start3A_133 : memref<1x128x128xf32, #tpu.memory_space<vmem>> -> memref<128x128xf32, #tpu.memory_space<vmem>>
        %dma_start3A_135 = arith.constant 0 : i32
        %dma_start3A_136 = tpu.memref_slice %arg9[%add3A_129, %dma_start3A_135] : memref<40x128xi32, #tpu.memory_space<vmem>> -> memref<1x128xi32, #tpu.memory_space<vmem>>
        %dma_start3A_137 = tpu.memref_squeeze %dma_start3A_136 : memref<1x128xi32, #tpu.memory_space<vmem>> -> memref<128xi32, #tpu.memory_space<vmem>>
        %dma_start3A_138 = arith.constant 0 : i32
        %dma_start3A_139 = arith.constant 0 : i32
        %dma_start3A_140 = tpu.memref_slice %arg2[%dma_start3A_138, %dma_start3A_139] : memref<10240x128xf32, #tpu.memory_space<hbm>> -> memref<10240x128xf32, #tpu.memory_space<hbm>>
        tpu.enqueue_indirect_dma source(%dma_start3A_140 : memref<10240x128xf32, #tpu.memory_space<hbm>>) target(%dma_start3A_134 : memref<128x128xf32, #tpu.memory_space<vmem>>) offsets(%dma_start3A_137 : memref<128xi32, #tpu.memory_space<vmem>>) semaphore(%arg13 : memref<!tpu.dma_semaphore, #tpu.memory_space<semaphore_mem>>)
      } else {
      }
      %run_scoped3A_127 = arith.constant 1 : i32
      "tpu.region"() ({
        %run_scoped3A_128 = tpu.sem_alloc : memref<!tpu.dma_semaphore, #tpu.memory_space<semaphore_mem>>
        %dma_start3A_129 = arith.constant 0 : i32
        %dma_start3A_130 = arith.constant 0 : i32
        %dma_start3A_131 = tpu.memref_slice %arg11[%run_scoped3A_127, %dma_start3A_129, %dma_start3A_130] : memref<2x128x128xf32, #tpu.memory_space<vmem>> -> memref<1x128x128xf32, #tpu.memory_space<vmem>>
        %dma_start3A_132 = tpu.memref_squeeze %dma_start3A_131 : memref<1x128x128xf32, #tpu.memory_space<vmem>> -> memref<128x128xf32, #tpu.memory_space<vmem>>
        %dma_start3A_133 = arith.constant 0 : i32
        %dma_start3A_134 = tpu.memref_slice %arg10[%add3A_92, %dma_start3A_133] : memref<40x128xi32, #tpu.memory_space<vmem>> -> memref<1x128xi32, #tpu.memory_space<vmem>>
        %dma_start3A_135 = tpu.memref_squeeze %dma_start3A_134 : memref<1x128xi32, #tpu.memory_space<vmem>> -> memref<128xi32, #tpu.memory_space<vmem>>
        %dma_start3A_136 = arith.constant 0 : i32
        %dma_start3A_137 = arith.constant 0 : i32
        %dma_start3A_138 = tpu.memref_slice %arg12[%dma_start3A_136, %dma_start3A_137] : memref<10240x128xf32, #tpu.memory_space<vmem_shared>> -> memref<10240x128xf32, #tpu.memory_space<vmem_shared>>
        tpu.enqueue_indirect_dma source(%dma_start3A_132 : memref<128x128xf32, #tpu.memory_space<vmem>>) target(%dma_start3A_138 : memref<10240x128xf32, #tpu.memory_space<vmem_shared>>) offsets(%dma_start3A_135 : memref<128xi32, #tpu.memory_space<vmem>>) semaphore(%run_scoped3A_128 : memref<!tpu.dma_semaphore, #tpu.memory_space<semaphore_mem>>) {add = true}
        %dma_wait3A_139 = arith.constant 0 : i32
        %dma_wait3A_140 = arith.constant 0 : i32
        %dma_wait3A_141 = tpu.memref_slice %arg11[%run_scoped3A_127, %dma_wait3A_139, %dma_wait3A_140] : memref<2x128x128xf32, #tpu.memory_space<vmem>> -> memref<1x128x128xf32, #tpu.memory_space<vmem>>
        %dma_wait3A_142 = tpu.memref_squeeze %dma_wait3A_141 : memref<1x128x128xf32, #tpu.memory_space<vmem>> -> memref<128x128xf32, #tpu.memory_space<vmem>>
        %dma_wait3A_143 = arith.constant 0 : i32
        %dma_wait3A_144 = tpu.memref_slice %arg10[%add3A_92, %dma_wait3A_143] : memref<40x128xi32, #tpu.memory_space<vmem>> -> memref<1x128xi32, #tpu.memory_space<vmem>>
        %dma_wait3A_145 = tpu.memref_squeeze %dma_wait3A_144 : memref<1x128xi32, #tpu.memory_space<vmem>> -> memref<128xi32, #tpu.memory_space<vmem>>
        %dma_wait3A_146 = arith.constant 0 : i32
        %dma_wait3A_147 = arith.constant 0 : i32
        %dma_wait3A_148 = tpu.memref_slice %arg12[%dma_wait3A_146, %dma_wait3A_147] : memref<10240x128xf32, #tpu.memory_space<vmem_shared>> -> memref<10240x128xf32, #tpu.memory_space<vmem_shared>>
        tpu.wait_indirect_dma semaphore(%run_scoped3A_128 : memref<!tpu.dma_semaphore, #tpu.memory_space<semaphore_mem>>) src(%dma_wait3A_142 : memref<128x128xf32, #tpu.memory_space<vmem>>) dst(%dma_wait3A_148 : memref<10240x128xf32, #tpu.memory_space<vmem_shared>>)
        tpu.yield
      }) : () -> ()
      "tpu.region"() ({
        %run_scoped3A_128 = tpu.sem_alloc : memref<!tpu.dma_semaphore, #tpu.memory_space<semaphore_mem>>
        %dma_start3A_129 = arith.constant 0 : i32
        %dma_start3A_130 = tpu.memref_slice %arg10[%add3A_92, %dma_start3A_129] : memref<40x128xi32, #tpu.memory_space<vmem>> -> memref<1x128xi32, #tpu.memory_space<vmem>>
        %dma_start3A_131 = tpu.memref_squeeze %dma_start3A_130 : memref<1x128xi32, #tpu.memory_space<vmem>> -> memref<128xi32, #tpu.memory_space<vmem>>
        %dma_start3A_132 = arith.constant 0 : i32
        %dma_start3A_133 = tpu.memref_slice %arg15[%dma_start3A_132] : memref<10240xf32, #tpu.memory_space<vmem_shared>> -> memref<10240xf32, #tpu.memory_space<vmem_shared>>
        tpu.enqueue_indirect_dma source(%arg14 : memref<128xf32, #tpu.memory_space<vmem>>) target(%dma_start3A_133 : memref<10240xf32, #tpu.memory_space<vmem_shared>>) offsets(%dma_start3A_131 : memref<128xi32, #tpu.memory_space<vmem>>) semaphore(%run_scoped3A_128 : memref<!tpu.dma_semaphore, #tpu.memory_space<semaphore_mem>>) {add = true}
        %dma_wait3A_134 = arith.constant 0 : i32
        %dma_wait3A_135 = tpu.memref_slice %arg10[%add3A_92, %dma_wait3A_134] : memref<40x128xi32, #tpu.memory_space<vmem>> -> memref<1x128xi32, #tpu.memory_space<vmem>>
        %dma_wait3A_136 = tpu.memref_squeeze %dma_wait3A_135 : memref<1x128xi32, #tpu.memory_space<vmem>> -> memref<128xi32, #tpu.memory_space<vmem>>
        %dma_wait3A_137 = arith.constant 0 : i32
        %dma_wait3A_138 = tpu.memref_slice %arg15[%dma_wait3A_137] : memref<10240xf32, #tpu.memory_space<vmem_shared>> -> memref<10240xf32, #tpu.memory_space<vmem_shared>>
        tpu.wait_indirect_dma semaphore(%run_scoped3A_128 : memref<!tpu.dma_semaphore, #tpu.memory_space<semaphore_mem>>) src(%arg14 : memref<128xf32, #tpu.memory_space<vmem>>) dst(%dma_wait3A_138 : memref<10240xf32, #tpu.memory_space<vmem_shared>>)
        tpu.yield
      }) : () -> ()
    }
    %scan3A_66 = arith.constant 20 : i32
    "tpu.region"() ({
      %run_scoped3A = tpu.sem_alloc : memref<!tpu.dma_semaphore, #tpu.memory_space<semaphore_mem>>
      %dma_start3A_88 = arith.constant 0 : i32
      %dma_start3A_89 = arith.constant 0 : i32
      %dma_start3A_90 = tpu.memref_slice %arg3[%add3A, %dma_start3A_88, %dma_start3A_89] : memref<32x80x128xi32, #tpu.memory_space<hbm>> -> memref<1x80x128xi32, #tpu.memory_space<hbm>>
      %dma_start3A_91 = tpu.memref_squeeze %dma_start3A_90 : memref<1x80x128xi32, #tpu.memory_space<hbm>> -> memref<80x128xi32, #tpu.memory_space<hbm>>
      %dma_start3A_92 = arith.constant 40 : i32
      %dma_start3A_93 = arith.constant 0 : i32
      %dma_start3A_94 = tpu.memref_slice %dma_start3A_91[%dma_start3A_92, %dma_start3A_93] : memref<80x128xi32, #tpu.memory_space<hbm>> -> memref<40x128xi32, #tpu.memory_space<hbm>>
      %dma_start3A_95 = arith.constant 0 : i32
      %dma_start3A_96 = arith.constant 0 : i32
      %dma_start3A_97 = tpu.memref_slice %arg3[%add3A, %dma_start3A_95, %dma_start3A_96] : memref<32x80x128xi32, #tpu.memory_space<hbm>> -> memref<1x80x128xi32, #tpu.memory_space<hbm>>
      %dma_start3A_98 = tpu.memref_squeeze %dma_start3A_97 : memref<1x80x128xi32, #tpu.memory_space<hbm>> -> memref<80x128xi32, #tpu.memory_space<hbm>>
      %dma_start3A_99 = arith.constant 40 : i32
      %dma_start3A_100 = arith.constant 0 : i32
      %dma_start3A_101 = tpu.memref_slice %dma_start3A_98[%dma_start3A_99, %dma_start3A_100] : memref<80x128xi32, #tpu.memory_space<hbm>> -> memref<40x128xi32, #tpu.memory_space<hbm>>
      tpu.enqueue_dma source(%dma_start3A_101 : memref<40x128xi32, #tpu.memory_space<hbm>>) target(%arg9 : memref<40x128xi32, #tpu.memory_space<vmem>>) target_semaphore(%run_scoped3A : memref<!tpu.dma_semaphore, #tpu.memory_space<semaphore_mem>>)
      %dma_wait3A = arith.constant 0 : i32
      %dma_wait3A_102 = arith.constant 0 : i32
      %dma_wait3A_103 = tpu.memref_slice %arg3[%add3A, %dma_wait3A, %dma_wait3A_102] : memref<32x80x128xi32, #tpu.memory_space<hbm>> -> memref<1x80x128xi32, #tpu.memory_space<hbm>>
      %dma_wait3A_104 = tpu.memref_squeeze %dma_wait3A_103 : memref<1x80x128xi32, #tpu.memory_space<hbm>> -> memref<80x128xi32, #tpu.memory_space<hbm>>
      %dma_wait3A_105 = arith.constant 40 : i32
      %dma_wait3A_106 = arith.constant 0 : i32
      %dma_wait3A_107 = tpu.memref_slice %dma_wait3A_104[%dma_wait3A_105, %dma_wait3A_106] : memref<80x128xi32, #tpu.memory_space<hbm>> -> memref<40x128xi32, #tpu.memory_space<hbm>>
      %dma_wait3A_108 = arith.constant 0 : i32
      %dma_wait3A_109 = arith.constant 0 : i32
      %dma_wait3A_110 = tpu.memref_slice %arg3[%add3A, %dma_wait3A_108, %dma_wait3A_109] : memref<32x80x128xi32, #tpu.memory_space<hbm>> -> memref<1x80x128xi32, #tpu.memory_space<hbm>>
      %dma_wait3A_111 = tpu.memref_squeeze %dma_wait3A_110 : memref<1x80x128xi32, #tpu.memory_space<hbm>> -> memref<80x128xi32, #tpu.memory_space<hbm>>
      %dma_wait3A_112 = arith.constant 40 : i32
      %dma_wait3A_113 = arith.constant 0 : i32
      %dma_wait3A_114 = tpu.memref_slice %dma_wait3A_111[%dma_wait3A_112, %dma_wait3A_113] : memref<80x128xi32, #tpu.memory_space<hbm>> -> memref<40x128xi32, #tpu.memory_space<hbm>>
      tpu.wait_dma2 semaphore(%run_scoped3A : memref<!tpu.dma_semaphore, #tpu.memory_space<semaphore_mem>>) src(%dma_wait3A_114 : memref<40x128xi32, #tpu.memory_space<hbm>>) dst(%arg9 : memref<40x128xi32, #tpu.memory_space<vmem>>)
      tpu.yield
    }) : () -> ()
    "tpu.region"() ({
      %run_scoped3A = tpu.sem_alloc : memref<!tpu.dma_semaphore, #tpu.memory_space<semaphore_mem>>
      %dma_start3A_88 = arith.constant 0 : i32
      %dma_start3A_89 = arith.constant 0 : i32
      %dma_start3A_90 = tpu.memref_slice %arg4[%add3A, %dma_start3A_88, %dma_start3A_89] : memref<32x80x128xi32, #tpu.memory_space<hbm>> -> memref<1x80x128xi32, #tpu.memory_space<hbm>>
      %dma_start3A_91 = tpu.memref_squeeze %dma_start3A_90 : memref<1x80x128xi32, #tpu.memory_space<hbm>> -> memref<80x128xi32, #tpu.memory_space<hbm>>
      %dma_start3A_92 = arith.constant 40 : i32
      %dma_start3A_93 = arith.constant 0 : i32
      %dma_start3A_94 = tpu.memref_slice %dma_start3A_91[%dma_start3A_92, %dma_start3A_93] : memref<80x128xi32, #tpu.memory_space<hbm>> -> memref<40x128xi32, #tpu.memory_space<hbm>>
      %dma_start3A_95 = arith.constant 0 : i32
      %dma_start3A_96 = arith.constant 0 : i32
      %dma_start3A_97 = tpu.memref_slice %arg4[%add3A, %dma_start3A_95, %dma_start3A_96] : memref<32x80x128xi32, #tpu.memory_space<hbm>> -> memref<1x80x128xi32, #tpu.memory_space<hbm>>
      %dma_start3A_98 = tpu.memref_squeeze %dma_start3A_97 : memref<1x80x128xi32, #tpu.memory_space<hbm>> -> memref<80x128xi32, #tpu.memory_space<hbm>>
      %dma_start3A_99 = arith.constant 40 : i32
      %dma_start3A_100 = arith.constant 0 : i32
      %dma_start3A_101 = tpu.memref_slice %dma_start3A_98[%dma_start3A_99, %dma_start3A_100] : memref<80x128xi32, #tpu.memory_space<hbm>> -> memref<40x128xi32, #tpu.memory_space<hbm>>
      tpu.enqueue_dma source(%dma_start3A_101 : memref<40x128xi32, #tpu.memory_space<hbm>>) target(%arg10 : memref<40x128xi32, #tpu.memory_space<vmem>>) target_semaphore(%run_scoped3A : memref<!tpu.dma_semaphore, #tpu.memory_space<semaphore_mem>>)
      %dma_wait3A = arith.constant 0 : i32
      %dma_wait3A_102 = arith.constant 0 : i32
      %dma_wait3A_103 = tpu.memref_slice %arg4[%add3A, %dma_wait3A, %dma_wait3A_102] : memref<32x80x128xi32, #tpu.memory_space<hbm>> -> memref<1x80x128xi32, #tpu.memory_space<hbm>>
      %dma_wait3A_104 = tpu.memref_squeeze %dma_wait3A_103 : memref<1x80x128xi32, #tpu.memory_space<hbm>> -> memref<80x128xi32, #tpu.memory_space<hbm>>
      %dma_wait3A_105 = arith.constant 40 : i32
      %dma_wait3A_106 = arith.constant 0 : i32
      %dma_wait3A_107 = tpu.memref_slice %dma_wait3A_104[%dma_wait3A_105, %dma_wait3A_106] : memref<80x128xi32, #tpu.memory_space<hbm>> -> memref<40x128xi32, #tpu.memory_space<hbm>>
      %dma_wait3A_108 = arith.constant 0 : i32
      %dma_wait3A_109 = arith.constant 0 : i32
      %dma_wait3A_110 = tpu.memref_slice %arg4[%add3A, %dma_wait3A_108, %dma_wait3A_109] : memref<32x80x128xi32, #tpu.memory_space<hbm>> -> memref<1x80x128xi32, #tpu.memory_space<hbm>>
      %dma_wait3A_111 = tpu.memref_squeeze %dma_wait3A_110 : memref<1x80x128xi32, #tpu.memory_space<hbm>> -> memref<80x128xi32, #tpu.memory_space<hbm>>
      %dma_wait3A_112 = arith.constant 40 : i32
      %dma_wait3A_113 = arith.constant 0 : i32
      %dma_wait3A_114 = tpu.memref_slice %dma_wait3A_111[%dma_wait3A_112, %dma_wait3A_113] : memref<80x128xi32, #tpu.memory_space<hbm>> -> memref<40x128xi32, #tpu.memory_space<hbm>>
      tpu.wait_dma2 semaphore(%run_scoped3A : memref<!tpu.dma_semaphore, #tpu.memory_space<semaphore_mem>>) src(%dma_wait3A_114 : memref<40x128xi32, #tpu.memory_space<hbm>>) dst(%arg10 : memref<40x128xi32, #tpu.memory_space<vmem>>)
      tpu.yield
    }) : () -> ()
    %dma_start3A_67 = arith.constant 0 : i32
    %dma_start3A_68 = arith.constant 0 : i32
    %dma_start3A_69 = arith.constant 0 : i32
    %dma_start3A_70 = arith.constant 0 : i32
    %dma_start3A_71 = tpu.memref_slice %arg11[%dma_start3A_68, %dma_start3A_69, %dma_start3A_70] : memref<2x128x128xf32, #tpu.memory_space<vmem>> -> memref<1x128x128xf32, #tpu.memory_space<vmem>>
    %dma_start3A_72 = tpu.memref_squeeze %dma_start3A_71 : memref<1x128x128xf32, #tpu.memory_space<vmem>> -> memref<128x128xf32, #tpu.memory_space<vmem>>
    %dma_start3A_73 = arith.constant 0 : i32
    %dma_start3A_74 = tpu.memref_slice %arg9[%dma_start3A_67, %dma_start3A_73] : memref<40x128xi32, #tpu.memory_space<vmem>> -> memref<1x128xi32, #tpu.memory_space<vmem>>
    %dma_start3A_75 = tpu.memref_squeeze %dma_start3A_74 : memref<1x128xi32, #tpu.memory_space<vmem>> -> memref<128xi32, #tpu.memory_space<vmem>>
    %dma_start3A_76 = arith.constant 0 : i32
    %dma_start3A_77 = arith.constant 0 : i32
    %dma_start3A_78 = tpu.memref_slice %arg2[%dma_start3A_76, %dma_start3A_77] : memref<10240x128xf32, #tpu.memory_space<hbm>> -> memref<10240x128xf32, #tpu.memory_space<hbm>>
    tpu.enqueue_indirect_dma source(%dma_start3A_78 : memref<10240x128xf32, #tpu.memory_space<hbm>>) target(%dma_start3A_72 : memref<128x128xf32, #tpu.memory_space<vmem>>) offsets(%dma_start3A_75 : memref<128xi32, #tpu.memory_space<vmem>>) semaphore(%arg13 : memref<!tpu.dma_semaphore, #tpu.memory_space<semaphore_mem>>)
    %scan3A_79 = arith.constant 0 : i32
    %scan3A_80 = arith.constant 0 : i32
    %scan3A_81 = arith.constant 20 : i32
    %scan3A_82 = arith.addi %scan3A_80, %scan3A_81 : i32
    %scan3A_83 = arith.constant 1 : i32
    scf.for %scan3A_88 = %scan3A_80 to %scan3A_82 step %scan3A_83  : i32 {
      %mul3A_89 = arith.constant 2 : i32
      %mul3A_90 = arith.muli %mul3A_89, %scan3A_88 : i32
      %add3A_91 = arith.constant 1 : i32
      %add3A_92 = arith.addi %mul3A_90, %add3A_91 : i32
      %dma_wait3A = arith.constant 0 : i32
      %dma_wait3A_93 = arith.constant 0 : i32
      %dma_wait3A_94 = arith.constant 0 : i32
      %dma_wait3A_95 = tpu.memref_slice %arg11[%dma_wait3A, %dma_wait3A_93, %dma_wait3A_94] : memref<2x128x128xf32, #tpu.memory_space<vmem>> -> memref<1x128x128xf32, #tpu.memory_space<vmem>>
      %dma_wait3A_96 = tpu.memref_squeeze %dma_wait3A_95 : memref<1x128x128xf32, #tpu.memory_space<vmem>> -> memref<128x128xf32, #tpu.memory_space<vmem>>
      %dma_wait3A_97 = arith.constant 0 : i32
      %dma_wait3A_98 = tpu.memref_slice %arg9[%mul3A_90, %dma_wait3A_97] : memref<40x128xi32, #tpu.memory_space<vmem>> -> memref<1x128xi32, #tpu.memory_space<vmem>>
      %dma_wait3A_99 = tpu.memref_squeeze %dma_wait3A_98 : memref<1x128xi32, #tpu.memory_space<vmem>> -> memref<128xi32, #tpu.memory_space<vmem>>
      %dma_wait3A_100 = arith.constant 0 : i32
      %dma_wait3A_101 = arith.constant 0 : i32
      %dma_wait3A_102 = tpu.memref_slice %arg2[%dma_wait3A_100, %dma_wait3A_101] : memref<10240x128xf32, #tpu.memory_space<hbm>> -> memref<10240x128xf32, #tpu.memory_space<hbm>>
      tpu.wait_indirect_dma semaphore(%arg13 : memref<!tpu.dma_semaphore, #tpu.memory_space<semaphore_mem>>) src(%dma_wait3A_102 : memref<10240x128xf32, #tpu.memory_space<hbm>>) dst(%dma_wait3A_96 : memref<128x128xf32, #tpu.memory_space<vmem>>)
      %dma_start3A_103 = arith.constant 1 : i32
      %dma_start3A_104 = arith.constant 0 : i32
      %dma_start3A_105 = arith.constant 0 : i32
      %dma_start3A_106 = tpu.memref_slice %arg11[%dma_start3A_103, %dma_start3A_104, %dma_start3A_105] : memref<2x128x128xf32, #tpu.memory_space<vmem>> -> memref<1x128x128xf32, #tpu.memory_space<vmem>>
      %dma_start3A_107 = tpu.memref_squeeze %dma_start3A_106 : memref<1x128x128xf32, #tpu.memory_space<vmem>> -> memref<128x128xf32, #tpu.memory_space<vmem>>
      %dma_start3A_108 = arith.constant 0 : i32
      %dma_start3A_109 = tpu.memref_slice %arg9[%add3A_92, %dma_start3A_108] : memref<40x128xi32, #tpu.memory_space<vmem>> -> memref<1x128xi32, #tpu.memory_space<vmem>>
      %dma_start3A_110 = tpu.memref_squeeze %dma_start3A_109 : memref<1x128xi32, #tpu.memory_space<vmem>> -> memref<128xi32, #tpu.memory_space<vmem>>
      %dma_start3A_111 = arith.constant 0 : i32
      %dma_start3A_112 = arith.constant 0 : i32
      %dma_start3A_113 = tpu.memref_slice %arg2[%dma_start3A_111, %dma_start3A_112] : memref<10240x128xf32, #tpu.memory_space<hbm>> -> memref<10240x128xf32, #tpu.memory_space<hbm>>
      tpu.enqueue_indirect_dma source(%dma_start3A_113 : memref<10240x128xf32, #tpu.memory_space<hbm>>) target(%dma_start3A_107 : memref<128x128xf32, #tpu.memory_space<vmem>>) offsets(%dma_start3A_110 : memref<128xi32, #tpu.memory_space<vmem>>) semaphore(%arg13 : memref<!tpu.dma_semaphore, #tpu.memory_space<semaphore_mem>>)
      %run_scoped3A = arith.constant 0 : i32
      "tpu.region"() ({
        %run_scoped3A_128 = tpu.sem_alloc : memref<!tpu.dma_semaphore, #tpu.memory_space<semaphore_mem>>
        %dma_start3A_129 = arith.constant 0 : i32
        %dma_start3A_130 = arith.constant 0 : i32
        %dma_start3A_131 = tpu.memref_slice %arg11[%run_scoped3A, %dma_start3A_129, %dma_start3A_130] : memref<2x128x128xf32, #tpu.memory_space<vmem>> -> memref<1x128x128xf32, #tpu.memory_space<vmem>>
        %dma_start3A_132 = tpu.memref_squeeze %dma_start3A_131 : memref<1x128x128xf32, #tpu.memory_space<vmem>> -> memref<128x128xf32, #tpu.memory_space<vmem>>
        %dma_start3A_133 = arith.constant 0 : i32
        %dma_start3A_134 = tpu.memref_slice %arg10[%mul3A_90, %dma_start3A_133] : memref<40x128xi32, #tpu.memory_space<vmem>> -> memref<1x128xi32, #tpu.memory_space<vmem>>
        %dma_start3A_135 = tpu.memref_squeeze %dma_start3A_134 : memref<1x128xi32, #tpu.memory_space<vmem>> -> memref<128xi32, #tpu.memory_space<vmem>>
        %dma_start3A_136 = arith.constant 0 : i32
        %dma_start3A_137 = arith.constant 0 : i32
        %dma_start3A_138 = tpu.memref_slice %arg12[%dma_start3A_136, %dma_start3A_137] : memref<10240x128xf32, #tpu.memory_space<vmem_shared>> -> memref<10240x128xf32, #tpu.memory_space<vmem_shared>>
        tpu.enqueue_indirect_dma source(%dma_start3A_132 : memref<128x128xf32, #tpu.memory_space<vmem>>) target(%dma_start3A_138 : memref<10240x128xf32, #tpu.memory_space<vmem_shared>>) offsets(%dma_start3A_135 : memref<128xi32, #tpu.memory_space<vmem>>) semaphore(%run_scoped3A_128 : memref<!tpu.dma_semaphore, #tpu.memory_space<semaphore_mem>>) {add = true}
        %dma_wait3A_139 = arith.constant 0 : i32
        %dma_wait3A_140 = arith.constant 0 : i32
        %dma_wait3A_141 = tpu.memref_slice %arg11[%run_scoped3A, %dma_wait3A_139, %dma_wait3A_140] : memref<2x128x128xf32, #tpu.memory_space<vmem>> -> memref<1x128x128xf32, #tpu.memory_space<vmem>>
        %dma_wait3A_142 = tpu.memref_squeeze %dma_wait3A_141 : memref<1x128x128xf32, #tpu.memory_space<vmem>> -> memref<128x128xf32, #tpu.memory_space<vmem>>
        %dma_wait3A_143 = arith.constant 0 : i32
        %dma_wait3A_144 = tpu.memref_slice %arg10[%mul3A_90, %dma_wait3A_143] : memref<40x128xi32, #tpu.memory_space<vmem>> -> memref<1x128xi32, #tpu.memory_space<vmem>>
        %dma_wait3A_145 = tpu.memref_squeeze %dma_wait3A_144 : memref<1x128xi32, #tpu.memory_space<vmem>> -> memref<128xi32, #tpu.memory_space<vmem>>
        %dma_wait3A_146 = arith.constant 0 : i32
        %dma_wait3A_147 = arith.constant 0 : i32
        %dma_wait3A_148 = tpu.memref_slice %arg12[%dma_wait3A_146, %dma_wait3A_147] : memref<10240x128xf32, #tpu.memory_space<vmem_shared>> -> memref<10240x128xf32, #tpu.memory_space<vmem_shared>>
        tpu.wait_indirect_dma semaphore(%run_scoped3A_128 : memref<!tpu.dma_semaphore, #tpu.memory_space<semaphore_mem>>) src(%dma_wait3A_142 : memref<128x128xf32, #tpu.memory_space<vmem>>) dst(%dma_wait3A_148 : memref<10240x128xf32, #tpu.memory_space<vmem_shared>>)
        tpu.yield
      }) : () -> ()
      "tpu.region"() ({
        %run_scoped3A_128 = tpu.sem_alloc : memref<!tpu.dma_semaphore, #tpu.memory_space<semaphore_mem>>
        %dma_start3A_129 = arith.constant 0 : i32
        %dma_start3A_130 = tpu.memref_slice %arg10[%mul3A_90, %dma_start3A_129] : memref<40x128xi32, #tpu.memory_space<vmem>> -> memref<1x128xi32, #tpu.memory_space<vmem>>
        %dma_start3A_131 = tpu.memref_squeeze %dma_start3A_130 : memref<1x128xi32, #tpu.memory_space<vmem>> -> memref<128xi32, #tpu.memory_space<vmem>>
        %dma_start3A_132 = arith.constant 0 : i32
        %dma_start3A_133 = tpu.memref_slice %arg15[%dma_start3A_132] : memref<10240xf32, #tpu.memory_space<vmem_shared>> -> memref<10240xf32, #tpu.memory_space<vmem_shared>>
        tpu.enqueue_indirect_dma source(%arg14 : memref<128xf32, #tpu.memory_space<vmem>>) target(%dma_start3A_133 : memref<10240xf32, #tpu.memory_space<vmem_shared>>) offsets(%dma_start3A_131 : memref<128xi32, #tpu.memory_space<vmem>>) semaphore(%run_scoped3A_128 : memref<!tpu.dma_semaphore, #tpu.memory_space<semaphore_mem>>) {add = true}
        %dma_wait3A_134 = arith.constant 0 : i32
        %dma_wait3A_135 = tpu.memref_slice %arg10[%mul3A_90, %dma_wait3A_134] : memref<40x128xi32, #tpu.memory_space<vmem>> -> memref<1x128xi32, #tpu.memory_space<vmem>>
        %dma_wait3A_136 = tpu.memref_squeeze %dma_wait3A_135 : memref<1x128xi32, #tpu.memory_space<vmem>> -> memref<128xi32, #tpu.memory_space<vmem>>
        %dma_wait3A_137 = arith.constant 0 : i32
        %dma_wait3A_138 = tpu.memref_slice %arg15[%dma_wait3A_137] : memref<10240xf32, #tpu.memory_space<vmem_shared>> -> memref<10240xf32, #tpu.memory_space<vmem_shared>>
        tpu.wait_indirect_dma semaphore(%run_scoped3A_128 : memref<!tpu.dma_semaphore, #tpu.memory_space<semaphore_mem>>) src(%arg14 : memref<128xf32, #tpu.memory_space<vmem>>) dst(%dma_wait3A_138 : memref<10240xf32, #tpu.memory_space<vmem_shared>>)
        tpu.yield
      }) : () -> ()
      %dma_wait3A_114 = arith.constant 1 : i32
      %dma_wait3A_115 = arith.constant 0 : i32
      %dma_wait3A_116 = arith.constant 0 : i32
      %dma_wait3A_117 = tpu.memref_slice %arg11[%dma_wait3A_114, %dma_wait3A_115, %dma_wait3A_116] : memref<2x128x128xf32, #tpu.memory_space<vmem>> -> memref<1x128x128xf32, #tpu.memory_space<vmem>>
      %dma_wait3A_118 = tpu.memref_squeeze %dma_wait3A_117 : memref<1x128x128xf32, #tpu.memory_space<vmem>> -> memref<128x128xf32, #tpu.memory_space<vmem>>
      %dma_wait3A_119 = arith.constant 0 : i32
      %dma_wait3A_120 = tpu.memref_slice %arg9[%add3A_92, %dma_wait3A_119] : memref<40x128xi32, #tpu.memory_space<vmem>> -> memref<1x128xi32, #tpu.memory_space<vmem>>
      %dma_wait3A_121 = tpu.memref_squeeze %dma_wait3A_120 : memref<1x128xi32, #tpu.memory_space<vmem>> -> memref<128xi32, #tpu.memory_space<vmem>>
      %dma_wait3A_122 = arith.constant 0 : i32
      %dma_wait3A_123 = arith.constant 0 : i32
      %dma_wait3A_124 = tpu.memref_slice %arg2[%dma_wait3A_122, %dma_wait3A_123] : memref<10240x128xf32, #tpu.memory_space<hbm>> -> memref<10240x128xf32, #tpu.memory_space<hbm>>
      tpu.wait_indirect_dma semaphore(%arg13 : memref<!tpu.dma_semaphore, #tpu.memory_space<semaphore_mem>>) src(%dma_wait3A_124 : memref<10240x128xf32, #tpu.memory_space<hbm>>) dst(%dma_wait3A_118 : memref<128x128xf32, #tpu.memory_space<vmem>>)
      %lt3A = arith.constant 19 : i32
      %lt3A_125 = arith.cmpi slt, %scan3A_88, %lt3A : i32
      %convert_element_type3A = arith.extui %lt3A_125 : i1 to i32
      %cond3A = arith.constant 0 : i32
      %cond3A_126 = arith.cmpi ne, %convert_element_type3A, %cond3A : i32
      scf.if %cond3A_126 {
        %add3A_128 = arith.constant 2 : i32
        %add3A_129 = arith.addi %mul3A_90, %add3A_128 : i32
        %dma_start3A_130 = arith.constant 0 : i32
        %dma_start3A_131 = arith.constant 0 : i32
        %dma_start3A_132 = arith.constant 0 : i32
        %dma_start3A_133 = tpu.memref_slice %arg11[%dma_start3A_130, %dma_start3A_131, %dma_start3A_132] : memref<2x128x128xf32, #tpu.memory_space<vmem>> -> memref<1x128x128xf32, #tpu.memory_space<vmem>>
        %dma_start3A_134 = tpu.memref_squeeze %dma_start3A_133 : memref<1x128x128xf32, #tpu.memory_space<vmem>> -> memref<128x128xf32, #tpu.memory_space<vmem>>
        %dma_start3A_135 = arith.constant 0 : i32
        %dma_start3A_136 = tpu.memref_slice %arg9[%add3A_129, %dma_start3A_135] : memref<40x128xi32, #tpu.memory_space<vmem>> -> memref<1x128xi32, #tpu.memory_space<vmem>>
        %dma_start3A_137 = tpu.memref_squeeze %dma_start3A_136 : memref<1x128xi32, #tpu.memory_space<vmem>> -> memref<128xi32, #tpu.memory_space<vmem>>
        %dma_start3A_138 = arith.constant 0 : i32
        %dma_start3A_139 = arith.constant 0 : i32
        %dma_start3A_140 = tpu.memref_slice %arg2[%dma_start3A_138, %dma_start3A_139] : memref<10240x128xf32, #tpu.memory_space<hbm>> -> memref<10240x128xf32, #tpu.memory_space<hbm>>
        tpu.enqueue_indirect_dma source(%dma_start3A_140 : memref<10240x128xf32, #tpu.memory_space<hbm>>) target(%dma_start3A_134 : memref<128x128xf32, #tpu.memory_space<vmem>>) offsets(%dma_start3A_137 : memref<128xi32, #tpu.memory_space<vmem>>) semaphore(%arg13 : memref<!tpu.dma_semaphore, #tpu.memory_space<semaphore_mem>>)
      } else {
      }
      %run_scoped3A_127 = arith.constant 1 : i32
      "tpu.region"() ({
        %run_scoped3A_128 = tpu.sem_alloc : memref<!tpu.dma_semaphore, #tpu.memory_space<semaphore_mem>>
        %dma_start3A_129 = arith.constant 0 : i32
        %dma_start3A_130 = arith.constant 0 : i32
        %dma_start3A_131 = tpu.memref_slice %arg11[%run_scoped3A_127, %dma_start3A_129, %dma_start3A_130] : memref<2x128x128xf32, #tpu.memory_space<vmem>> -> memref<1x128x128xf32, #tpu.memory_space<vmem>>
        %dma_start3A_132 = tpu.memref_squeeze %dma_start3A_131 : memref<1x128x128xf32, #tpu.memory_space<vmem>> -> memref<128x128xf32, #tpu.memory_space<vmem>>
        %dma_start3A_133 = arith.constant 0 : i32
        %dma_start3A_134 = tpu.memref_slice %arg10[%add3A_92, %dma_start3A_133] : memref<40x128xi32, #tpu.memory_space<vmem>> -> memref<1x128xi32, #tpu.memory_space<vmem>>
        %dma_start3A_135 = tpu.memref_squeeze %dma_start3A_134 : memref<1x128xi32, #tpu.memory_space<vmem>> -> memref<128xi32, #tpu.memory_space<vmem>>
        %dma_start3A_136 = arith.constant 0 : i32
        %dma_start3A_137 = arith.constant 0 : i32
        %dma_start3A_138 = tpu.memref_slice %arg12[%dma_start3A_136, %dma_start3A_137] : memref<10240x128xf32, #tpu.memory_space<vmem_shared>> -> memref<10240x128xf32, #tpu.memory_space<vmem_shared>>
        tpu.enqueue_indirect_dma source(%dma_start3A_132 : memref<128x128xf32, #tpu.memory_space<vmem>>) target(%dma_start3A_138 : memref<10240x128xf32, #tpu.memory_space<vmem_shared>>) offsets(%dma_start3A_135 : memref<128xi32, #tpu.memory_space<vmem>>) semaphore(%run_scoped3A_128 : memref<!tpu.dma_semaphore, #tpu.memory_space<semaphore_mem>>) {add = true}
        %dma_wait3A_139 = arith.constant 0 : i32
        %dma_wait3A_140 = arith.constant 0 : i32
        %dma_wait3A_141 = tpu.memref_slice %arg11[%run_scoped3A_127, %dma_wait3A_139, %dma_wait3A_140] : memref<2x128x128xf32, #tpu.memory_space<vmem>> -> memref<1x128x128xf32, #tpu.memory_space<vmem>>
        %dma_wait3A_142 = tpu.memref_squeeze %dma_wait3A_141 : memref<1x128x128xf32, #tpu.memory_space<vmem>> -> memref<128x128xf32, #tpu.memory_space<vmem>>
        %dma_wait3A_143 = arith.constant 0 : i32
        %dma_wait3A_144 = tpu.memref_slice %arg10[%add3A_92, %dma_wait3A_143] : memref<40x128xi32, #tpu.memory_space<vmem>> -> memref<1x128xi32, #tpu.memory_space<vmem>>
        %dma_wait3A_145 = tpu.memref_squeeze %dma_wait3A_144 : memref<1x128xi32, #tpu.memory_space<vmem>> -> memref<128xi32, #tpu.memory_space<vmem>>
        %dma_wait3A_146 = arith.constant 0 : i32
        %dma_wait3A_147 = arith.constant 0 : i32
        %dma_wait3A_148 = tpu.memref_slice %arg12[%dma_wait3A_146, %dma_wait3A_147] : memref<10240x128xf32, #tpu.memory_space<vmem_shared>> -> memref<10240x128xf32, #tpu.memory_space<vmem_shared>>
        tpu.wait_indirect_dma semaphore(%run_scoped3A_128 : memref<!tpu.dma_semaphore, #tpu.memory_space<semaphore_mem>>) src(%dma_wait3A_142 : memref<128x128xf32, #tpu.memory_space<vmem>>) dst(%dma_wait3A_148 : memref<10240x128xf32, #tpu.memory_space<vmem_shared>>)
        tpu.yield
      }) : () -> ()
      "tpu.region"() ({
        %run_scoped3A_128 = tpu.sem_alloc : memref<!tpu.dma_semaphore, #tpu.memory_space<semaphore_mem>>
        %dma_start3A_129 = arith.constant 0 : i32
        %dma_start3A_130 = tpu.memref_slice %arg10[%add3A_92, %dma_start3A_129] : memref<40x128xi32, #tpu.memory_space<vmem>> -> memref<1x128xi32, #tpu.memory_space<vmem>>
        %dma_start3A_131 = tpu.memref_squeeze %dma_start3A_130 : memref<1x128xi32, #tpu.memory_space<vmem>> -> memref<128xi32, #tpu.memory_space<vmem>>
        %dma_start3A_132 = arith.constant 0 : i32
        %dma_start3A_133 = tpu.memref_slice %arg15[%dma_start3A_132] : memref<10240xf32, #tpu.memory_space<vmem_shared>> -> memref<10240xf32, #tpu.memory_space<vmem_shared>>
        tpu.enqueue_indirect_dma source(%arg14 : memref<128xf32, #tpu.memory_space<vmem>>) target(%dma_start3A_133 : memref<10240xf32, #tpu.memory_space<vmem_shared>>) offsets(%dma_start3A_131 : memref<128xi32, #tpu.memory_space<vmem>>) semaphore(%run_scoped3A_128 : memref<!tpu.dma_semaphore, #tpu.memory_space<semaphore_mem>>) {add = true}
        %dma_wait3A_134 = arith.constant 0 : i32
        %dma_wait3A_135 = tpu.memref_slice %arg10[%add3A_92, %dma_wait3A_134] : memref<40x128xi32, #tpu.memory_space<vmem>> -> memref<1x128xi32, #tpu.memory_space<vmem>>
        %dma_wait3A_136 = tpu.memref_squeeze %dma_wait3A_135 : memref<1x128xi32, #tpu.memory_space<vmem>> -> memref<128xi32, #tpu.memory_space<vmem>>
        %dma_wait3A_137 = arith.constant 0 : i32
        %dma_wait3A_138 = tpu.memref_slice %arg15[%dma_wait3A_137] : memref<10240xf32, #tpu.memory_space<vmem_shared>> -> memref<10240xf32, #tpu.memory_space<vmem_shared>>
        tpu.wait_indirect_dma semaphore(%run_scoped3A_128 : memref<!tpu.dma_semaphore, #tpu.memory_space<semaphore_mem>>) src(%arg14 : memref<128xf32, #tpu.memory_space<vmem>>) dst(%dma_wait3A_138 : memref<10240xf32, #tpu.memory_space<vmem_shared>>)
        tpu.yield
      }) : () -> ()
    }
    %scan3A_84 = arith.constant 20 : i32
    %barrier3A_85 = arith.constant 0 : index
    tpu.barrier barrier_id(%barrier3A_85)
    %mul3A_86 = arith.constant 640 : i32
    %mul3A_87 = arith.muli %arg1, %mul3A_86 : i32
    "tpu.region"() ({
      %run_scoped3A = tpu.sem_alloc : memref<!tpu.dma_semaphore, #tpu.memory_space<semaphore_mem>>
      %dma_start3A_88 = arith.constant 0 : i32
      %dma_start3A_89 = arith.constant 0 : i32
      %dma_start3A_90 = tpu.memref_slice %arg7[%arg0, %dma_start3A_88, %dma_start3A_89] : memref<2x10240x128xf32, #tpu.memory_space<hbm>> -> memref<1x10240x128xf32, #tpu.memory_space<hbm>>
      %dma_start3A_91 = tpu.memref_squeeze %dma_start3A_90 : memref<1x10240x128xf32, #tpu.memory_space<hbm>> -> memref<10240x128xf32, #tpu.memory_space<hbm>>
      %dma_start3A_92 = arith.constant 0 : i32
      %dma_start3A_93 = tpu.memref_slice %dma_start3A_91[%mul3A_87, %dma_start3A_92] : memref<10240x128xf32, #tpu.memory_space<hbm>> -> memref<640x128xf32, #tpu.memory_space<hbm>>
      %dma_start3A_94 = arith.constant 0 : i32
      %dma_start3A_95 = tpu.memref_slice %arg12[%mul3A_87, %dma_start3A_94] : memref<10240x128xf32, #tpu.memory_space<vmem_shared>> -> memref<640x128xf32, #tpu.memory_space<vmem_shared>>
      tpu.enqueue_dma source(%dma_start3A_95 : memref<640x128xf32, #tpu.memory_space<vmem_shared>>) target(%dma_start3A_93 : memref<640x128xf32, #tpu.memory_space<hbm>>) target_semaphore(%run_scoped3A : memref<!tpu.dma_semaphore, #tpu.memory_space<semaphore_mem>>)
      %dma_wait3A = arith.constant 0 : i32
      %dma_wait3A_96 = arith.constant 0 : i32
      %dma_wait3A_97 = tpu.memref_slice %arg7[%arg0, %dma_wait3A, %dma_wait3A_96] : memref<2x10240x128xf32, #tpu.memory_space<hbm>> -> memref<1x10240x128xf32, #tpu.memory_space<hbm>>
      %dma_wait3A_98 = tpu.memref_squeeze %dma_wait3A_97 : memref<1x10240x128xf32, #tpu.memory_space<hbm>> -> memref<10240x128xf32, #tpu.memory_space<hbm>>
      %dma_wait3A_99 = arith.constant 0 : i32
      %dma_wait3A_100 = tpu.memref_slice %dma_wait3A_98[%mul3A_87, %dma_wait3A_99] : memref<10240x128xf32, #tpu.memory_space<hbm>> -> memref<640x128xf32, #tpu.memory_space<hbm>>
      %dma_wait3A_101 = arith.constant 0 : i32
      %dma_wait3A_102 = tpu.memref_slice %arg12[%mul3A_87, %dma_wait3A_101] : memref<10240x128xf32, #tpu.memory_space<vmem_shared>> -> memref<640x128xf32, #tpu.memory_space<vmem_shared>>
      tpu.wait_dma2 semaphore(%run_scoped3A : memref<!tpu.dma_semaphore, #tpu.memory_space<semaphore_mem>>) src(%dma_wait3A_102 : memref<640x128xf32, #tpu.memory_space<vmem_shared>>) dst(%dma_wait3A_100 : memref<640x128xf32, #tpu.memory_space<hbm>>)
      tpu.yield
    }) : () -> ()
    "tpu.region"() ({
      %run_scoped3A = tpu.sem_alloc : memref<!tpu.dma_semaphore, #tpu.memory_space<semaphore_mem>>
      %dma_start3A_88 = arith.constant 0 : i32
      %dma_start3A_89 = tpu.memref_slice %arg8[%arg0, %dma_start3A_88] : memref<2x10240xf32, #tpu.memory_space<hbm>> -> memref<1x10240xf32, #tpu.memory_space<hbm>>
      %dma_start3A_90 = tpu.memref_squeeze %dma_start3A_89 : memref<1x10240xf32, #tpu.memory_space<hbm>> -> memref<10240xf32, #tpu.memory_space<hbm>>
      %dma_start3A_91 = tpu.memref_slice %dma_start3A_90[%mul3A_87] : memref<10240xf32, #tpu.memory_space<hbm>> -> memref<640xf32, #tpu.memory_space<hbm>>
      %dma_start3A_92 = tpu.memref_slice %arg15[%mul3A_87] : memref<10240xf32, #tpu.memory_space<vmem_shared>> -> memref<640xf32, #tpu.memory_space<vmem_shared>>
      tpu.enqueue_dma source(%dma_start3A_92 : memref<640xf32, #tpu.memory_space<vmem_shared>>) target(%dma_start3A_91 : memref<640xf32, #tpu.memory_space<hbm>>) target_semaphore(%run_scoped3A : memref<!tpu.dma_semaphore, #tpu.memory_space<semaphore_mem>>)
      %dma_wait3A = arith.constant 0 : i32
      %dma_wait3A_93 = tpu.memref_slice %arg8[%arg0, %dma_wait3A] : memref<2x10240xf32, #tpu.memory_space<hbm>> -> memref<1x10240xf32, #tpu.memory_space<hbm>>
      %dma_wait3A_94 = tpu.memref_squeeze %dma_wait3A_93 : memref<1x10240xf32, #tpu.memory_space<hbm>> -> memref<10240xf32, #tpu.memory_space<hbm>>
      %dma_wait3A_95 = tpu.memref_slice %dma_wait3A_94[%mul3A_87] : memref<10240xf32, #tpu.memory_space<hbm>> -> memref<640xf32, #tpu.memory_space<hbm>>
      %dma_wait3A_96 = tpu.memref_slice %arg15[%mul3A_87] : memref<10240xf32, #tpu.memory_space<vmem_shared>> -> memref<640xf32, #tpu.memory_space<vmem_shared>>
      tpu.wait_dma2 semaphore(%run_scoped3A : memref<!tpu.dma_semaphore, #tpu.memory_space<semaphore_mem>>) src(%dma_wait3A_96 : memref<640xf32, #tpu.memory_space<vmem_shared>>) dst(%dma_wait3A_95 : memref<640xf32, #tpu.memory_space<hbm>>)
      tpu.yield
    }) : () -> ()
    return
  }
}

#map = affine_map<(d0, d1) -> (0, 0)>
#map1 = affine_map<(d0, d1) -> (0, 0, 0)>
#map2 = affine_map<(d0, d1) -> (0)>
module attributes {stable_mosaic.version = 14 : i64} {
  func.func @seg(%arg0: i32, %arg1: i32, %arg2: memref<10240x48xf32, #tpu.memory_space<hbm>>, %arg3: memref<32x20x512xi32, #tpu.memory_space<hbm>>, %arg4: memref<32x20x512xi32, #tpu.memory_space<hbm>>, %arg5: memref<640x48xf32, #tpu.memory_space<hbm>>, %arg6: memref<640xf32, #tpu.memory_space<hbm>>, %arg7: memref<2x10240x48xf32, #tpu.memory_space<hbm>>, %arg8: memref<20x512xi32, #tpu.memory_space<vmem>>, %arg9: memref<20x512xi32, #tpu.memory_space<vmem>>, %arg10: memref<2x512x48xf32, #tpu.memory_space<vmem>>, %arg11: memref<10240x48xf32, #tpu.memory_space<vmem_shared>>, %arg12: memref<!tpu.dma_semaphore, #tpu.memory_space<semaphore_mem>>) attributes {dimension_semantics = [#tpu.dimension_semantics<core_parallel>, #tpu.dimension_semantics<subcore_parallel>], iteration_bounds = array<i64: 2, 16>, scalar_prefetch = 0 : i64, scratch_operands = 5 : i64, tpu.core_type = #tpu.core_type<sc_vector_subcore>, window_params = [{transform_indices = #map}, {transform_indices = #map1}, {transform_indices = #map1}, {transform_indices = #map}, {transform_indices = #map2}, {transform_indices = #map1}]} {
    %mul3A = arith.constant 16 : i32
    %mul3A_0 = arith.muli %arg0, %mul3A : i32
    %add3A = arith.addi %mul3A_0, %arg1 : i32
    %mul3A_1 = arith.constant 640 : i32
    %mul3A_2 = arith.muli %arg1, %mul3A_1 : i32
    "tpu.region"() ({
      %run_scoped3A = tpu.sem_alloc : memref<!tpu.dma_semaphore, #tpu.memory_space<semaphore_mem>>
      %dma_start3A_22 = arith.constant 0 : i32
      %dma_start3A_23 = tpu.memref_slice %arg11[%mul3A_2, %dma_start3A_22] : memref<10240x48xf32, #tpu.memory_space<vmem_shared>> -> memref<640x48xf32, #tpu.memory_space<vmem_shared>>
      tpu.enqueue_dma source(%arg5 : memref<640x48xf32, #tpu.memory_space<hbm>>) target(%dma_start3A_23 : memref<640x48xf32, #tpu.memory_space<vmem_shared>>) target_semaphore(%run_scoped3A : memref<!tpu.dma_semaphore, #tpu.memory_space<semaphore_mem>>)
      %dma_wait3A = arith.constant 0 : i32
      %dma_wait3A_24 = tpu.memref_slice %arg11[%mul3A_2, %dma_wait3A] : memref<10240x48xf32, #tpu.memory_space<vmem_shared>> -> memref<640x48xf32, #tpu.memory_space<vmem_shared>>
      tpu.wait_dma2 semaphore(%run_scoped3A : memref<!tpu.dma_semaphore, #tpu.memory_space<semaphore_mem>>) src(%arg5 : memref<640x48xf32, #tpu.memory_space<hbm>>) dst(%dma_wait3A_24 : memref<640x48xf32, #tpu.memory_space<vmem_shared>>)
      tpu.yield
    }) : () -> ()
    "tpu.region"() ({
      %run_scoped3A = tpu.sem_alloc : memref<!tpu.dma_semaphore, #tpu.memory_space<semaphore_mem>>
      %dma_start3A_22 = arith.constant 0 : i32
      %dma_start3A_23 = arith.constant 0 : i32
      %dma_start3A_24 = tpu.memref_slice %arg3[%add3A, %dma_start3A_22, %dma_start3A_23] : memref<32x20x512xi32, #tpu.memory_space<hbm>> -> memref<1x20x512xi32, #tpu.memory_space<hbm>>
      %dma_start3A_25 = tpu.memref_squeeze %dma_start3A_24 : memref<1x20x512xi32, #tpu.memory_space<hbm>> -> memref<20x512xi32, #tpu.memory_space<hbm>>
      %dma_start3A_26 = arith.constant 0 : i32
      %dma_start3A_27 = arith.constant 0 : i32
      %dma_start3A_28 = tpu.memref_slice %dma_start3A_25[%dma_start3A_26, %dma_start3A_27] : memref<20x512xi32, #tpu.memory_space<hbm>> -> memref<20x512xi32, #tpu.memory_space<hbm>>
      %dma_start3A_29 = arith.constant 0 : i32
      %dma_start3A_30 = arith.constant 0 : i32
      %dma_start3A_31 = tpu.memref_slice %arg3[%add3A, %dma_start3A_29, %dma_start3A_30] : memref<32x20x512xi32, #tpu.memory_space<hbm>> -> memref<1x20x512xi32, #tpu.memory_space<hbm>>
      %dma_start3A_32 = tpu.memref_squeeze %dma_start3A_31 : memref<1x20x512xi32, #tpu.memory_space<hbm>> -> memref<20x512xi32, #tpu.memory_space<hbm>>
      %dma_start3A_33 = arith.constant 0 : i32
      %dma_start3A_34 = arith.constant 0 : i32
      %dma_start3A_35 = tpu.memref_slice %dma_start3A_32[%dma_start3A_33, %dma_start3A_34] : memref<20x512xi32, #tpu.memory_space<hbm>> -> memref<20x512xi32, #tpu.memory_space<hbm>>
      tpu.enqueue_dma source(%dma_start3A_35 : memref<20x512xi32, #tpu.memory_space<hbm>>) target(%arg8 : memref<20x512xi32, #tpu.memory_space<vmem>>) target_semaphore(%run_scoped3A : memref<!tpu.dma_semaphore, #tpu.memory_space<semaphore_mem>>)
      %dma_wait3A = arith.constant 0 : i32
      %dma_wait3A_36 = arith.constant 0 : i32
      %dma_wait3A_37 = tpu.memref_slice %arg3[%add3A, %dma_wait3A, %dma_wait3A_36] : memref<32x20x512xi32, #tpu.memory_space<hbm>> -> memref<1x20x512xi32, #tpu.memory_space<hbm>>
      %dma_wait3A_38 = tpu.memref_squeeze %dma_wait3A_37 : memref<1x20x512xi32, #tpu.memory_space<hbm>> -> memref<20x512xi32, #tpu.memory_space<hbm>>
      %dma_wait3A_39 = arith.constant 0 : i32
      %dma_wait3A_40 = arith.constant 0 : i32
      %dma_wait3A_41 = tpu.memref_slice %dma_wait3A_38[%dma_wait3A_39, %dma_wait3A_40] : memref<20x512xi32, #tpu.memory_space<hbm>> -> memref<20x512xi32, #tpu.memory_space<hbm>>
      %dma_wait3A_42 = arith.constant 0 : i32
      %dma_wait3A_43 = arith.constant 0 : i32
      %dma_wait3A_44 = tpu.memref_slice %arg3[%add3A, %dma_wait3A_42, %dma_wait3A_43] : memref<32x20x512xi32, #tpu.memory_space<hbm>> -> memref<1x20x512xi32, #tpu.memory_space<hbm>>
      %dma_wait3A_45 = tpu.memref_squeeze %dma_wait3A_44 : memref<1x20x512xi32, #tpu.memory_space<hbm>> -> memref<20x512xi32, #tpu.memory_space<hbm>>
      %dma_wait3A_46 = arith.constant 0 : i32
      %dma_wait3A_47 = arith.constant 0 : i32
      %dma_wait3A_48 = tpu.memref_slice %dma_wait3A_45[%dma_wait3A_46, %dma_wait3A_47] : memref<20x512xi32, #tpu.memory_space<hbm>> -> memref<20x512xi32, #tpu.memory_space<hbm>>
      tpu.wait_dma2 semaphore(%run_scoped3A : memref<!tpu.dma_semaphore, #tpu.memory_space<semaphore_mem>>) src(%dma_wait3A_48 : memref<20x512xi32, #tpu.memory_space<hbm>>) dst(%arg8 : memref<20x512xi32, #tpu.memory_space<vmem>>)
      tpu.yield
    }) : () -> ()
    "tpu.region"() ({
      %run_scoped3A = tpu.sem_alloc : memref<!tpu.dma_semaphore, #tpu.memory_space<semaphore_mem>>
      %dma_start3A_22 = arith.constant 0 : i32
      %dma_start3A_23 = arith.constant 0 : i32
      %dma_start3A_24 = tpu.memref_slice %arg4[%add3A, %dma_start3A_22, %dma_start3A_23] : memref<32x20x512xi32, #tpu.memory_space<hbm>> -> memref<1x20x512xi32, #tpu.memory_space<hbm>>
      %dma_start3A_25 = tpu.memref_squeeze %dma_start3A_24 : memref<1x20x512xi32, #tpu.memory_space<hbm>> -> memref<20x512xi32, #tpu.memory_space<hbm>>
      %dma_start3A_26 = arith.constant 0 : i32
      %dma_start3A_27 = arith.constant 0 : i32
      %dma_start3A_28 = tpu.memref_slice %dma_start3A_25[%dma_start3A_26, %dma_start3A_27] : memref<20x512xi32, #tpu.memory_space<hbm>> -> memref<20x512xi32, #tpu.memory_space<hbm>>
      %dma_start3A_29 = arith.constant 0 : i32
      %dma_start3A_30 = arith.constant 0 : i32
      %dma_start3A_31 = tpu.memref_slice %arg4[%add3A, %dma_start3A_29, %dma_start3A_30] : memref<32x20x512xi32, #tpu.memory_space<hbm>> -> memref<1x20x512xi32, #tpu.memory_space<hbm>>
      %dma_start3A_32 = tpu.memref_squeeze %dma_start3A_31 : memref<1x20x512xi32, #tpu.memory_space<hbm>> -> memref<20x512xi32, #tpu.memory_space<hbm>>
      %dma_start3A_33 = arith.constant 0 : i32
      %dma_start3A_34 = arith.constant 0 : i32
      %dma_start3A_35 = tpu.memref_slice %dma_start3A_32[%dma_start3A_33, %dma_start3A_34] : memref<20x512xi32, #tpu.memory_space<hbm>> -> memref<20x512xi32, #tpu.memory_space<hbm>>
      tpu.enqueue_dma source(%dma_start3A_35 : memref<20x512xi32, #tpu.memory_space<hbm>>) target(%arg9 : memref<20x512xi32, #tpu.memory_space<vmem>>) target_semaphore(%run_scoped3A : memref<!tpu.dma_semaphore, #tpu.memory_space<semaphore_mem>>)
      %dma_wait3A = arith.constant 0 : i32
      %dma_wait3A_36 = arith.constant 0 : i32
      %dma_wait3A_37 = tpu.memref_slice %arg4[%add3A, %dma_wait3A, %dma_wait3A_36] : memref<32x20x512xi32, #tpu.memory_space<hbm>> -> memref<1x20x512xi32, #tpu.memory_space<hbm>>
      %dma_wait3A_38 = tpu.memref_squeeze %dma_wait3A_37 : memref<1x20x512xi32, #tpu.memory_space<hbm>> -> memref<20x512xi32, #tpu.memory_space<hbm>>
      %dma_wait3A_39 = arith.constant 0 : i32
      %dma_wait3A_40 = arith.constant 0 : i32
      %dma_wait3A_41 = tpu.memref_slice %dma_wait3A_38[%dma_wait3A_39, %dma_wait3A_40] : memref<20x512xi32, #tpu.memory_space<hbm>> -> memref<20x512xi32, #tpu.memory_space<hbm>>
      %dma_wait3A_42 = arith.constant 0 : i32
      %dma_wait3A_43 = arith.constant 0 : i32
      %dma_wait3A_44 = tpu.memref_slice %arg4[%add3A, %dma_wait3A_42, %dma_wait3A_43] : memref<32x20x512xi32, #tpu.memory_space<hbm>> -> memref<1x20x512xi32, #tpu.memory_space<hbm>>
      %dma_wait3A_45 = tpu.memref_squeeze %dma_wait3A_44 : memref<1x20x512xi32, #tpu.memory_space<hbm>> -> memref<20x512xi32, #tpu.memory_space<hbm>>
      %dma_wait3A_46 = arith.constant 0 : i32
      %dma_wait3A_47 = arith.constant 0 : i32
      %dma_wait3A_48 = tpu.memref_slice %dma_wait3A_45[%dma_wait3A_46, %dma_wait3A_47] : memref<20x512xi32, #tpu.memory_space<hbm>> -> memref<20x512xi32, #tpu.memory_space<hbm>>
      tpu.wait_dma2 semaphore(%run_scoped3A : memref<!tpu.dma_semaphore, #tpu.memory_space<semaphore_mem>>) src(%dma_wait3A_48 : memref<20x512xi32, #tpu.memory_space<hbm>>) dst(%arg9 : memref<20x512xi32, #tpu.memory_space<vmem>>)
      tpu.yield
    }) : () -> ()
    %dma_start3A = arith.constant 0 : i32
    %dma_start3A_3 = arith.constant 0 : i32
    %dma_start3A_4 = arith.constant 0 : i32
    %dma_start3A_5 = arith.constant 0 : i32
    %dma_start3A_6 = tpu.memref_slice %arg10[%dma_start3A_3, %dma_start3A_4, %dma_start3A_5] : memref<2x512x48xf32, #tpu.memory_space<vmem>> -> memref<1x512x48xf32, #tpu.memory_space<vmem>>
    %dma_start3A_7 = tpu.memref_squeeze %dma_start3A_6 : memref<1x512x48xf32, #tpu.memory_space<vmem>> -> memref<512x48xf32, #tpu.memory_space<vmem>>
    %dma_start3A_8 = arith.constant 0 : i32
    %dma_start3A_9 = tpu.memref_slice %arg8[%dma_start3A, %dma_start3A_8] : memref<20x512xi32, #tpu.memory_space<vmem>> -> memref<1x512xi32, #tpu.memory_space<vmem>>
    %dma_start3A_10 = tpu.memref_squeeze %dma_start3A_9 : memref<1x512xi32, #tpu.memory_space<vmem>> -> memref<512xi32, #tpu.memory_space<vmem>>
    %dma_start3A_11 = arith.constant 0 : i32
    %dma_start3A_12 = arith.constant 0 : i32
    %dma_start3A_13 = tpu.memref_slice %arg2[%dma_start3A_11, %dma_start3A_12] : memref<10240x48xf32, #tpu.memory_space<hbm>> -> memref<10240x48xf32, #tpu.memory_space<hbm>>
    tpu.enqueue_indirect_dma source(%dma_start3A_13 : memref<10240x48xf32, #tpu.memory_space<hbm>>) target(%dma_start3A_7 : memref<512x48xf32, #tpu.memory_space<vmem>>) offsets(%dma_start3A_10 : memref<512xi32, #tpu.memory_space<vmem>>) semaphore(%arg12 : memref<!tpu.dma_semaphore, #tpu.memory_space<semaphore_mem>>)
    %barrier3A = arith.constant 0 : index
    tpu.barrier barrier_id(%barrier3A)
    %scan3A = arith.constant 0 : i32
    %scan3A_14 = arith.constant 0 : i32
    %scan3A_15 = arith.constant 10 : i32
    %scan3A_16 = arith.addi %scan3A_14, %scan3A_15 : i32
    %scan3A_17 = arith.constant 1 : i32
    scf.for %scan3A_22 = %scan3A_14 to %scan3A_16 step %scan3A_17  : i32 {
      %mul3A_23 = arith.constant 2 : i32
      %mul3A_24 = arith.muli %mul3A_23, %scan3A_22 : i32
      %add3A_25 = arith.constant 1 : i32
      %add3A_26 = arith.addi %mul3A_24, %add3A_25 : i32
      %dma_wait3A = arith.constant 0 : i32
      %dma_wait3A_27 = arith.constant 0 : i32
      %dma_wait3A_28 = arith.constant 0 : i32
      %dma_wait3A_29 = tpu.memref_slice %arg10[%dma_wait3A, %dma_wait3A_27, %dma_wait3A_28] : memref<2x512x48xf32, #tpu.memory_space<vmem>> -> memref<1x512x48xf32, #tpu.memory_space<vmem>>
      %dma_wait3A_30 = tpu.memref_squeeze %dma_wait3A_29 : memref<1x512x48xf32, #tpu.memory_space<vmem>> -> memref<512x48xf32, #tpu.memory_space<vmem>>
      %dma_wait3A_31 = arith.constant 0 : i32
      %dma_wait3A_32 = tpu.memref_slice %arg8[%mul3A_24, %dma_wait3A_31] : memref<20x512xi32, #tpu.memory_space<vmem>> -> memref<1x512xi32, #tpu.memory_space<vmem>>
      %dma_wait3A_33 = tpu.memref_squeeze %dma_wait3A_32 : memref<1x512xi32, #tpu.memory_space<vmem>> -> memref<512xi32, #tpu.memory_space<vmem>>
      %dma_wait3A_34 = arith.constant 0 : i32
      %dma_wait3A_35 = arith.constant 0 : i32
      %dma_wait3A_36 = tpu.memref_slice %arg2[%dma_wait3A_34, %dma_wait3A_35] : memref<10240x48xf32, #tpu.memory_space<hbm>> -> memref<10240x48xf32, #tpu.memory_space<hbm>>
      tpu.wait_indirect_dma semaphore(%arg12 : memref<!tpu.dma_semaphore, #tpu.memory_space<semaphore_mem>>) src(%dma_wait3A_36 : memref<10240x48xf32, #tpu.memory_space<hbm>>) dst(%dma_wait3A_30 : memref<512x48xf32, #tpu.memory_space<vmem>>)
      %dma_start3A_37 = arith.constant 1 : i32
      %dma_start3A_38 = arith.constant 0 : i32
      %dma_start3A_39 = arith.constant 0 : i32
      %dma_start3A_40 = tpu.memref_slice %arg10[%dma_start3A_37, %dma_start3A_38, %dma_start3A_39] : memref<2x512x48xf32, #tpu.memory_space<vmem>> -> memref<1x512x48xf32, #tpu.memory_space<vmem>>
      %dma_start3A_41 = tpu.memref_squeeze %dma_start3A_40 : memref<1x512x48xf32, #tpu.memory_space<vmem>> -> memref<512x48xf32, #tpu.memory_space<vmem>>
      %dma_start3A_42 = arith.constant 0 : i32
      %dma_start3A_43 = tpu.memref_slice %arg8[%add3A_26, %dma_start3A_42] : memref<20x512xi32, #tpu.memory_space<vmem>> -> memref<1x512xi32, #tpu.memory_space<vmem>>
      %dma_start3A_44 = tpu.memref_squeeze %dma_start3A_43 : memref<1x512xi32, #tpu.memory_space<vmem>> -> memref<512xi32, #tpu.memory_space<vmem>>
      %dma_start3A_45 = arith.constant 0 : i32
      %dma_start3A_46 = arith.constant 0 : i32
      %dma_start3A_47 = tpu.memref_slice %arg2[%dma_start3A_45, %dma_start3A_46] : memref<10240x48xf32, #tpu.memory_space<hbm>> -> memref<10240x48xf32, #tpu.memory_space<hbm>>
      tpu.enqueue_indirect_dma source(%dma_start3A_47 : memref<10240x48xf32, #tpu.memory_space<hbm>>) target(%dma_start3A_41 : memref<512x48xf32, #tpu.memory_space<vmem>>) offsets(%dma_start3A_44 : memref<512xi32, #tpu.memory_space<vmem>>) semaphore(%arg12 : memref<!tpu.dma_semaphore, #tpu.memory_space<semaphore_mem>>)
      %run_scoped3A = arith.constant 0 : i32
      "tpu.region"() ({
        %run_scoped3A_62 = tpu.sem_alloc : memref<!tpu.dma_semaphore, #tpu.memory_space<semaphore_mem>>
        %dma_start3A_63 = arith.constant 0 : i32
        %dma_start3A_64 = arith.constant 0 : i32
        %dma_start3A_65 = tpu.memref_slice %arg10[%run_scoped3A, %dma_start3A_63, %dma_start3A_64] : memref<2x512x48xf32, #tpu.memory_space<vmem>> -> memref<1x512x48xf32, #tpu.memory_space<vmem>>
        %dma_start3A_66 = tpu.memref_squeeze %dma_start3A_65 : memref<1x512x48xf32, #tpu.memory_space<vmem>> -> memref<512x48xf32, #tpu.memory_space<vmem>>
        %dma_start3A_67 = arith.constant 0 : i32
        %dma_start3A_68 = tpu.memref_slice %arg9[%mul3A_24, %dma_start3A_67] : memref<20x512xi32, #tpu.memory_space<vmem>> -> memref<1x512xi32, #tpu.memory_space<vmem>>
        %dma_start3A_69 = tpu.memref_squeeze %dma_start3A_68 : memref<1x512xi32, #tpu.memory_space<vmem>> -> memref<512xi32, #tpu.memory_space<vmem>>
        %dma_start3A_70 = arith.constant 0 : i32
        %dma_start3A_71 = arith.constant 0 : i32
        %dma_start3A_72 = tpu.memref_slice %arg11[%dma_start3A_70, %dma_start3A_71] : memref<10240x48xf32, #tpu.memory_space<vmem_shared>> -> memref<10240x48xf32, #tpu.memory_space<vmem_shared>>
        tpu.enqueue_indirect_dma source(%dma_start3A_66 : memref<512x48xf32, #tpu.memory_space<vmem>>) target(%dma_start3A_72 : memref<10240x48xf32, #tpu.memory_space<vmem_shared>>) offsets(%dma_start3A_69 : memref<512xi32, #tpu.memory_space<vmem>>) semaphore(%run_scoped3A_62 : memref<!tpu.dma_semaphore, #tpu.memory_space<semaphore_mem>>) {add = true}
        %dma_wait3A_73 = arith.constant 0 : i32
        %dma_wait3A_74 = arith.constant 0 : i32
        %dma_wait3A_75 = tpu.memref_slice %arg10[%run_scoped3A, %dma_wait3A_73, %dma_wait3A_74] : memref<2x512x48xf32, #tpu.memory_space<vmem>> -> memref<1x512x48xf32, #tpu.memory_space<vmem>>
        %dma_wait3A_76 = tpu.memref_squeeze %dma_wait3A_75 : memref<1x512x48xf32, #tpu.memory_space<vmem>> -> memref<512x48xf32, #tpu.memory_space<vmem>>
        %dma_wait3A_77 = arith.constant 0 : i32
        %dma_wait3A_78 = tpu.memref_slice %arg9[%mul3A_24, %dma_wait3A_77] : memref<20x512xi32, #tpu.memory_space<vmem>> -> memref<1x512xi32, #tpu.memory_space<vmem>>
        %dma_wait3A_79 = tpu.memref_squeeze %dma_wait3A_78 : memref<1x512xi32, #tpu.memory_space<vmem>> -> memref<512xi32, #tpu.memory_space<vmem>>
        %dma_wait3A_80 = arith.constant 0 : i32
        %dma_wait3A_81 = arith.constant 0 : i32
        %dma_wait3A_82 = tpu.memref_slice %arg11[%dma_wait3A_80, %dma_wait3A_81] : memref<10240x48xf32, #tpu.memory_space<vmem_shared>> -> memref<10240x48xf32, #tpu.memory_space<vmem_shared>>
        tpu.wait_indirect_dma semaphore(%run_scoped3A_62 : memref<!tpu.dma_semaphore, #tpu.memory_space<semaphore_mem>>) src(%dma_wait3A_76 : memref<512x48xf32, #tpu.memory_space<vmem>>) dst(%dma_wait3A_82 : memref<10240x48xf32, #tpu.memory_space<vmem_shared>>)
        tpu.yield
      }) : () -> ()
      %dma_wait3A_48 = arith.constant 1 : i32
      %dma_wait3A_49 = arith.constant 0 : i32
      %dma_wait3A_50 = arith.constant 0 : i32
      %dma_wait3A_51 = tpu.memref_slice %arg10[%dma_wait3A_48, %dma_wait3A_49, %dma_wait3A_50] : memref<2x512x48xf32, #tpu.memory_space<vmem>> -> memref<1x512x48xf32, #tpu.memory_space<vmem>>
      %dma_wait3A_52 = tpu.memref_squeeze %dma_wait3A_51 : memref<1x512x48xf32, #tpu.memory_space<vmem>> -> memref<512x48xf32, #tpu.memory_space<vmem>>
      %dma_wait3A_53 = arith.constant 0 : i32
      %dma_wait3A_54 = tpu.memref_slice %arg8[%add3A_26, %dma_wait3A_53] : memref<20x512xi32, #tpu.memory_space<vmem>> -> memref<1x512xi32, #tpu.memory_space<vmem>>
      %dma_wait3A_55 = tpu.memref_squeeze %dma_wait3A_54 : memref<1x512xi32, #tpu.memory_space<vmem>> -> memref<512xi32, #tpu.memory_space<vmem>>
      %dma_wait3A_56 = arith.constant 0 : i32
      %dma_wait3A_57 = arith.constant 0 : i32
      %dma_wait3A_58 = tpu.memref_slice %arg2[%dma_wait3A_56, %dma_wait3A_57] : memref<10240x48xf32, #tpu.memory_space<hbm>> -> memref<10240x48xf32, #tpu.memory_space<hbm>>
      tpu.wait_indirect_dma semaphore(%arg12 : memref<!tpu.dma_semaphore, #tpu.memory_space<semaphore_mem>>) src(%dma_wait3A_58 : memref<10240x48xf32, #tpu.memory_space<hbm>>) dst(%dma_wait3A_52 : memref<512x48xf32, #tpu.memory_space<vmem>>)
      %lt3A = arith.constant 9 : i32
      %lt3A_59 = arith.cmpi slt, %scan3A_22, %lt3A : i32
      %convert_element_type3A = arith.extui %lt3A_59 : i1 to i32
      %cond3A = arith.constant 0 : i32
      %cond3A_60 = arith.cmpi ne, %convert_element_type3A, %cond3A : i32
      scf.if %cond3A_60 {
        %add3A_62 = arith.constant 2 : i32
        %add3A_63 = arith.addi %mul3A_24, %add3A_62 : i32
        %dma_start3A_64 = arith.constant 0 : i32
        %dma_start3A_65 = arith.constant 0 : i32
        %dma_start3A_66 = arith.constant 0 : i32
        %dma_start3A_67 = tpu.memref_slice %arg10[%dma_start3A_64, %dma_start3A_65, %dma_start3A_66] : memref<2x512x48xf32, #tpu.memory_space<vmem>> -> memref<1x512x48xf32, #tpu.memory_space<vmem>>
        %dma_start3A_68 = tpu.memref_squeeze %dma_start3A_67 : memref<1x512x48xf32, #tpu.memory_space<vmem>> -> memref<512x48xf32, #tpu.memory_space<vmem>>
        %dma_start3A_69 = arith.constant 0 : i32
        %dma_start3A_70 = tpu.memref_slice %arg8[%add3A_63, %dma_start3A_69] : memref<20x512xi32, #tpu.memory_space<vmem>> -> memref<1x512xi32, #tpu.memory_space<vmem>>
        %dma_start3A_71 = tpu.memref_squeeze %dma_start3A_70 : memref<1x512xi32, #tpu.memory_space<vmem>> -> memref<512xi32, #tpu.memory_space<vmem>>
        %dma_start3A_72 = arith.constant 0 : i32
        %dma_start3A_73 = arith.constant 0 : i32
        %dma_start3A_74 = tpu.memref_slice %arg2[%dma_start3A_72, %dma_start3A_73] : memref<10240x48xf32, #tpu.memory_space<hbm>> -> memref<10240x48xf32, #tpu.memory_space<hbm>>
        tpu.enqueue_indirect_dma source(%dma_start3A_74 : memref<10240x48xf32, #tpu.memory_space<hbm>>) target(%dma_start3A_68 : memref<512x48xf32, #tpu.memory_space<vmem>>) offsets(%dma_start3A_71 : memref<512xi32, #tpu.memory_space<vmem>>) semaphore(%arg12 : memref<!tpu.dma_semaphore, #tpu.memory_space<semaphore_mem>>)
      } else {
      }
      %run_scoped3A_61 = arith.constant 1 : i32
      "tpu.region"() ({
        %run_scoped3A_62 = tpu.sem_alloc : memref<!tpu.dma_semaphore, #tpu.memory_space<semaphore_mem>>
        %dma_start3A_63 = arith.constant 0 : i32
        %dma_start3A_64 = arith.constant 0 : i32
        %dma_start3A_65 = tpu.memref_slice %arg10[%run_scoped3A_61, %dma_start3A_63, %dma_start3A_64] : memref<2x512x48xf32, #tpu.memory_space<vmem>> -> memref<1x512x48xf32, #tpu.memory_space<vmem>>
        %dma_start3A_66 = tpu.memref_squeeze %dma_start3A_65 : memref<1x512x48xf32, #tpu.memory_space<vmem>> -> memref<512x48xf32, #tpu.memory_space<vmem>>
        %dma_start3A_67 = arith.constant 0 : i32
        %dma_start3A_68 = tpu.memref_slice %arg9[%add3A_26, %dma_start3A_67] : memref<20x512xi32, #tpu.memory_space<vmem>> -> memref<1x512xi32, #tpu.memory_space<vmem>>
        %dma_start3A_69 = tpu.memref_squeeze %dma_start3A_68 : memref<1x512xi32, #tpu.memory_space<vmem>> -> memref<512xi32, #tpu.memory_space<vmem>>
        %dma_start3A_70 = arith.constant 0 : i32
        %dma_start3A_71 = arith.constant 0 : i32
        %dma_start3A_72 = tpu.memref_slice %arg11[%dma_start3A_70, %dma_start3A_71] : memref<10240x48xf32, #tpu.memory_space<vmem_shared>> -> memref<10240x48xf32, #tpu.memory_space<vmem_shared>>
        tpu.enqueue_indirect_dma source(%dma_start3A_66 : memref<512x48xf32, #tpu.memory_space<vmem>>) target(%dma_start3A_72 : memref<10240x48xf32, #tpu.memory_space<vmem_shared>>) offsets(%dma_start3A_69 : memref<512xi32, #tpu.memory_space<vmem>>) semaphore(%run_scoped3A_62 : memref<!tpu.dma_semaphore, #tpu.memory_space<semaphore_mem>>) {add = true}
        %dma_wait3A_73 = arith.constant 0 : i32
        %dma_wait3A_74 = arith.constant 0 : i32
        %dma_wait3A_75 = tpu.memref_slice %arg10[%run_scoped3A_61, %dma_wait3A_73, %dma_wait3A_74] : memref<2x512x48xf32, #tpu.memory_space<vmem>> -> memref<1x512x48xf32, #tpu.memory_space<vmem>>
        %dma_wait3A_76 = tpu.memref_squeeze %dma_wait3A_75 : memref<1x512x48xf32, #tpu.memory_space<vmem>> -> memref<512x48xf32, #tpu.memory_space<vmem>>
        %dma_wait3A_77 = arith.constant 0 : i32
        %dma_wait3A_78 = tpu.memref_slice %arg9[%add3A_26, %dma_wait3A_77] : memref<20x512xi32, #tpu.memory_space<vmem>> -> memref<1x512xi32, #tpu.memory_space<vmem>>
        %dma_wait3A_79 = tpu.memref_squeeze %dma_wait3A_78 : memref<1x512xi32, #tpu.memory_space<vmem>> -> memref<512xi32, #tpu.memory_space<vmem>>
        %dma_wait3A_80 = arith.constant 0 : i32
        %dma_wait3A_81 = arith.constant 0 : i32
        %dma_wait3A_82 = tpu.memref_slice %arg11[%dma_wait3A_80, %dma_wait3A_81] : memref<10240x48xf32, #tpu.memory_space<vmem_shared>> -> memref<10240x48xf32, #tpu.memory_space<vmem_shared>>
        tpu.wait_indirect_dma semaphore(%run_scoped3A_62 : memref<!tpu.dma_semaphore, #tpu.memory_space<semaphore_mem>>) src(%dma_wait3A_76 : memref<512x48xf32, #tpu.memory_space<vmem>>) dst(%dma_wait3A_82 : memref<10240x48xf32, #tpu.memory_space<vmem_shared>>)
        tpu.yield
      }) : () -> ()
    }
    %scan3A_18 = arith.constant 10 : i32
    %barrier3A_19 = arith.constant 0 : index
    tpu.barrier barrier_id(%barrier3A_19)
    %mul3A_20 = arith.constant 640 : i32
    %mul3A_21 = arith.muli %arg1, %mul3A_20 : i32
    "tpu.region"() ({
      %run_scoped3A = tpu.sem_alloc : memref<!tpu.dma_semaphore, #tpu.memory_space<semaphore_mem>>
      %dma_start3A_22 = arith.constant 0 : i32
      %dma_start3A_23 = arith.constant 0 : i32
      %dma_start3A_24 = tpu.memref_slice %arg7[%arg0, %dma_start3A_22, %dma_start3A_23] : memref<2x10240x48xf32, #tpu.memory_space<hbm>> -> memref<1x10240x48xf32, #tpu.memory_space<hbm>>
      %dma_start3A_25 = tpu.memref_squeeze %dma_start3A_24 : memref<1x10240x48xf32, #tpu.memory_space<hbm>> -> memref<10240x48xf32, #tpu.memory_space<hbm>>
      %dma_start3A_26 = arith.constant 0 : i32
      %dma_start3A_27 = tpu.memref_slice %dma_start3A_25[%mul3A_21, %dma_start3A_26] : memref<10240x48xf32, #tpu.memory_space<hbm>> -> memref<640x48xf32, #tpu.memory_space<hbm>>
      %dma_start3A_28 = arith.constant 0 : i32
      %dma_start3A_29 = tpu.memref_slice %arg11[%mul3A_21, %dma_start3A_28] : memref<10240x48xf32, #tpu.memory_space<vmem_shared>> -> memref<640x48xf32, #tpu.memory_space<vmem_shared>>
      tpu.enqueue_dma source(%dma_start3A_29 : memref<640x48xf32, #tpu.memory_space<vmem_shared>>) target(%dma_start3A_27 : memref<640x48xf32, #tpu.memory_space<hbm>>) target_semaphore(%run_scoped3A : memref<!tpu.dma_semaphore, #tpu.memory_space<semaphore_mem>>)
      %dma_wait3A = arith.constant 0 : i32
      %dma_wait3A_30 = arith.constant 0 : i32
      %dma_wait3A_31 = tpu.memref_slice %arg7[%arg0, %dma_wait3A, %dma_wait3A_30] : memref<2x10240x48xf32, #tpu.memory_space<hbm>> -> memref<1x10240x48xf32, #tpu.memory_space<hbm>>
      %dma_wait3A_32 = tpu.memref_squeeze %dma_wait3A_31 : memref<1x10240x48xf32, #tpu.memory_space<hbm>> -> memref<10240x48xf32, #tpu.memory_space<hbm>>
      %dma_wait3A_33 = arith.constant 0 : i32
      %dma_wait3A_34 = tpu.memref_slice %dma_wait3A_32[%mul3A_21, %dma_wait3A_33] : memref<10240x48xf32, #tpu.memory_space<hbm>> -> memref<640x48xf32, #tpu.memory_space<hbm>>
      %dma_wait3A_35 = arith.constant 0 : i32
      %dma_wait3A_36 = tpu.memref_slice %arg11[%mul3A_21, %dma_wait3A_35] : memref<10240x48xf32, #tpu.memory_space<vmem_shared>> -> memref<640x48xf32, #tpu.memory_space<vmem_shared>>
      tpu.wait_dma2 semaphore(%run_scoped3A : memref<!tpu.dma_semaphore, #tpu.memory_space<semaphore_mem>>) src(%dma_wait3A_36 : memref<640x48xf32, #tpu.memory_space<vmem_shared>>) dst(%dma_wait3A_34 : memref<640x48xf32, #tpu.memory_space<hbm>>)
      tpu.yield
    }) : () -> ()
    return
  }
}

module attributes {stable_mosaic.version = 14 : i64} {
  func.func @_k0_body(%arg0: i32, %arg1: memref<2x256x128xi32, #tpu.memory_space<vmem>>, %arg2: memref<256x128xi32, #tpu.memory_space<vmem>>, %arg3: memref<256x128xi32, #tpu.memory_space<vmem>>) attributes {dimension_semantics = [#tpu.dimension_semantics<arbitrary>], iteration_bounds = array<i64: 10>, scalar_prefetch = 0 : i64, scratch_operands = 0 : i64, tpu.core_type = #tpu.core_type<tc>, window_params = [{transform_indices = @transform_0, window_bounds = array<i64: 2, 256, 128>}, {transform_indices = @transform_1, window_bounds = array<i64: 256, 128>}, {transform_indices = @transform_2, window_bounds = array<i64: 256, 128>}]} {
    %iota3A = tpu.iota {dimensions = array<i32: 0>} : vector<256x128xi32>
    %mul3A = arith.constant 256 : i32
    %mul3A_0 = arith.muli %arg0, %mul3A : i32
    %add3A = vector.broadcast %mul3A_0 : i32 to vector<256x128xi32>
    %add3A_1 = arith.addi %iota3A, %add3A : vector<256x128xi32>
    %mul3A_2 = arith.constant 128 : i32
    %mul3A_3 = vector.broadcast %mul3A_2 : i32 to vector<256x128xi32>
    %mul3A_4 = arith.muli %add3A_1, %mul3A_3 : vector<256x128xi32>
    %iota3A_5 = tpu.iota {dimensions = array<i32: 1>} : vector<256x128xi32>
    %add3A_6 = arith.addi %mul3A_4, %iota3A_5 : vector<256x128xi32>
    %sub3A = arith.constant 320000 : i32
    %sub3A_7 = vector.broadcast %sub3A : i32 to vector<256x128xi32>
    %sub3A_8 = arith.subi %add3A_6, %sub3A_7 : vector<256x128xi32>
    %jit3A = arith.constant 240 : i32
    %eq3A = arith.constant 0 : i32
    %eq3A_9 = arith.cmpi eq, %jit3A, %eq3A : i32
    %jit3A_10 = arith.constant 1 : i32
    %select_n3A = arith.select %eq3A_9, %jit3A_10, %jit3A : i32
    %rem3A = vector.broadcast %select_n3A : i32 to vector<256x128xi32>
    %rem3A_11 = arith.remsi %sub3A_8, %rem3A : vector<256x128xi32>
    %ne3A = arith.constant 0 : i32
    %ne3A_12 = vector.broadcast %ne3A : i32 to vector<256x128xi32>
    %ne3A_13 = arith.cmpi ne, %rem3A_11, %ne3A_12 : vector<256x128xi32>
    %lt3A = arith.constant 0 : i32
    %lt3A_14 = vector.broadcast %lt3A : i32 to vector<256x128xi32>
    %lt3A_15 = arith.cmpi slt, %rem3A_11, %lt3A_14 : vector<256x128xi32>
    %lt3A_16 = arith.constant 0 : i32
    %lt3A_17 = arith.cmpi slt, %select_n3A, %lt3A_16 : i32
    %ne3A_18 = vector.broadcast %lt3A_17 : i1 to vector<256x128xi1>
    %ne3A_19 = vector.broadcast %ne3A_18 : vector<256x128xi1> to vector<256x128xi1>
    %ne3A_20 = arith.xori %lt3A_15, %ne3A_19 : vector<256x128xi1>
    %and3A = arith.andi %ne3A_20, %ne3A_13 : vector<256x128xi1>
    %add3A_21 = vector.broadcast %select_n3A : i32 to vector<256x128xi32>
    %add3A_22 = arith.addi %rem3A_11, %add3A_21 : vector<256x128xi32>
    %select_n3A_23 = arith.select %and3A, %add3A_22, %rem3A_11 : vector<256x128xi1>, vector<256x128xi32>
    %add3A_24 = arith.constant 10000 : i32
    %add3A_25 = vector.broadcast %add3A_24 : i32 to vector<256x128xi32>
    %add3A_26 = arith.addi %add3A_25, %select_n3A_23 : vector<256x128xi32>
    %lt3A_27 = arith.constant 320000 : i32
    %lt3A_28 = vector.broadcast %lt3A_27 : i32 to vector<256x128xi32>
    %lt3A_29 = arith.cmpi slt, %add3A_6, %lt3A_28 : vector<256x128xi32>
    %get3A = arith.constant 0 : index
    %get3A_30 = arith.constant 0 : index
    %get3A_31 = arith.constant 0 : index
    %get3A_32 = vector.load %arg1[%get3A, %get3A_30, %get3A_31] : memref<2x256x128xi32, #tpu.memory_space<vmem>>, vector<1x256x128xi32>
    %get3A_33 = vector.shape_cast %get3A_32 : vector<1x256x128xi32> to vector<256x128xi32>
    %select_n3A_34 = arith.select %lt3A_29, %get3A_33, %add3A_26 : vector<256x128xi1>, vector<256x128xi32>
    %swap3A = arith.constant 0 : index
    %swap3A_35 = arith.constant 0 : index
    %swap3A_36 = vector.load %arg2[%swap3A, %swap3A_35] : memref<256x128xi32, #tpu.memory_space<vmem>>, vector<256x128xi32>
    tpu.vector_store %arg2[%swap3A, %swap3A_35], %select_n3A_34 {strides = array<i32>} : memref<256x128xi32, #tpu.memory_space<vmem>>, vector<256x128xi32>,
    %get3A_37 = arith.constant 1 : index
    %get3A_38 = arith.constant 0 : index
    %get3A_39 = arith.constant 0 : index
    %get3A_40 = vector.load %arg1[%get3A_37, %get3A_38, %get3A_39] : memref<2x256x128xi32, #tpu.memory_space<vmem>>, vector<1x256x128xi32>
    %get3A_41 = vector.shape_cast %get3A_40 : vector<1x256x128xi32> to vector<256x128xi32>
    %select_n3A_42 = arith.select %lt3A_29, %get3A_41, %add3A_26 : vector<256x128xi1>, vector<256x128xi32>
    %swap3A_43 = arith.constant 0 : index
    %swap3A_44 = arith.constant 0 : index
    %swap3A_45 = vector.load %arg3[%swap3A_43, %swap3A_44] : memref<256x128xi32, #tpu.memory_space<vmem>>, vector<256x128xi32>
    tpu.vector_store %arg3[%swap3A_43, %swap3A_44], %select_n3A_42 {strides = array<i32>} : memref<256x128xi32, #tpu.memory_space<vmem>>, vector<256x128xi32>,
    return
  }
  func.func @transform_0(%arg0: i32) -> (i32, i32, i32) {
    %c0_i32 = arith.constant 0 : i32
    %c0_i32_0 = arith.constant 0 : i32
    %c0_i32_1 = arith.constant 0 : i32
    return %c0_i32, %arg0, %c0_i32_0 : i32, i32, i32
  }
  func.func @transform_1(%arg0: i32) -> (i32, i32) {
    %c0_i32 = arith.constant 0 : i32
    %c0_i32_0 = arith.constant 0 : i32
    return %arg0, %c0_i32 : i32, i32
  }
  func.func @transform_2(%arg0: i32) -> (i32, i32) {
    %c0_i32 = arith.constant 0 : i32
    %c0_i32_0 = arith.constant 0 : i32
    return %arg0, %c0_i32 : i32, i32
  }
}

module attributes {stable_mosaic.version = 14 : i64} {
  func.func @_k1a_body(%arg0: i32, %arg1: memref<1024x128xf32, #tpu.memory_space<vmem>>, %arg2: memref<128x128xf32, #tpu.memory_space<vmem>>, %arg3: memref<1024x128xf32, #tpu.memory_space<vmem>>) attributes {dimension_semantics = [#tpu.dimension_semantics<arbitrary>], iteration_bounds = array<i64: 10>, scalar_prefetch = 0 : i64, scratch_operands = 0 : i64, tpu.core_type = #tpu.core_type<tc>, window_params = [{transform_indices = @transform_0, window_bounds = array<i64: 1024, 128>}, {pipeline_mode = #tpu.pipeline_mode<synchronous>, transform_indices = @transform_1, window_bounds = array<i64: 128, 128>}, {transform_indices = @transform_2, window_bounds = array<i64: 1024, 128>}]} {
    %get3A = arith.constant 0 : index
    %get3A_0 = arith.constant 0 : index
    %get3A_1 = vector.load %arg1[%get3A, %get3A_0] : memref<1024x128xf32, #tpu.memory_space<vmem>>, vector<1024x128xf32>
    %get3A_2 = arith.constant 0 : index
    %get3A_3 = arith.constant 0 : index
    %get3A_4 = vector.load %arg2[%get3A_2, %get3A_3] : memref<128x128xf32, #tpu.memory_space<vmem>>, vector<128x128xf32>
    %dot_general3A = arith.constant dense<0.000000e+00> : vector<1024x128xf32>
    %dot_general3A_5 = tpu.matmul %get3A_1, %get3A_4, %dot_general3A {dimension_numbers = #tpu.dot_dimension_numbers<[1], [0], [0], [1], [0, 0, 1, 1], [], []>, transpose_lhs_hint = false} : vector<1024x128xf32>, vector<128x128xf32>, vector<1024x128xf32> -> vector<1024x128xf32>
    %swap3A = arith.constant 0 : index
    %swap3A_6 = arith.constant 0 : index
    %swap3A_7 = vector.load %arg3[%swap3A, %swap3A_6] : memref<1024x128xf32, #tpu.memory_space<vmem>>, vector<1024x128xf32>
    tpu.vector_store %arg3[%swap3A, %swap3A_6], %dot_general3A_5 {strides = array<i32>} : memref<1024x128xf32, #tpu.memory_space<vmem>>, vector<1024x128xf32>,
    return
  }
  func.func @transform_0(%arg0: i32) -> (i32, i32) {
    %c0_i32 = arith.constant 0 : i32
    %c0_i32_0 = arith.constant 0 : i32
    return %arg0, %c0_i32 : i32, i32
  }
  func.func @transform_1(%arg0: i32) -> (i32, i32) {
    %c0_i32 = arith.constant 0 : i32
    %c0_i32_0 = arith.constant 0 : i32
    %c0_i32_1 = arith.constant 0 : i32
    return %c0_i32, %c0_i32_0 : i32, i32
  }
  func.func @transform_2(%arg0: i32) -> (i32, i32) {
    %c0_i32 = arith.constant 0 : i32
    %c0_i32_0 = arith.constant 0 : i32
    return %arg0, %c0_i32 : i32, i32
  }
}

module attributes {stable_mosaic.version = 14 : i64} {
  func.func @_k1b_body(%arg0: i32, %arg1: memref<1024x128xf32, #tpu.memory_space<vmem>>, %arg2: memref<128x128xf32, #tpu.memory_space<vmem>>, %arg3: memref<1x128xf32, #tpu.memory_space<vmem>>, %arg4: memref<1024x128xf32, #tpu.memory_space<vmem>>) attributes {dimension_semantics = [#tpu.dimension_semantics<arbitrary>], iteration_bounds = array<i64: 10>, scalar_prefetch = 0 : i64, scratch_operands = 0 : i64, tpu.core_type = #tpu.core_type<tc>, window_params = [{transform_indices = @transform_0, window_bounds = array<i64: 1024, 128>}, {pipeline_mode = #tpu.pipeline_mode<synchronous>, transform_indices = @transform_1, window_bounds = array<i64: 128, 128>}, {pipeline_mode = #tpu.pipeline_mode<synchronous>, transform_indices = @transform_2, window_bounds = array<i64: 1, 128>}, {transform_indices = @transform_3, window_bounds = array<i64: 1024, 128>}]} {
    %get3A = arith.constant 0 : index
    %get3A_0 = arith.constant 0 : index
    %get3A_1 = vector.load %arg1[%get3A, %get3A_0] : memref<1024x128xf32, #tpu.memory_space<vmem>>, vector<1024x128xf32>
    %get3A_2 = arith.constant 0 : index
    %get3A_3 = arith.constant 0 : index
    %get3A_4 = vector.load %arg2[%get3A_2, %get3A_3] : memref<128x128xf32, #tpu.memory_space<vmem>>, vector<128x128xf32>
    %dot_general3A = arith.constant dense<0.000000e+00> : vector<1024x128xf32>
    %dot_general3A_5 = tpu.matmul %get3A_1, %get3A_4, %dot_general3A {dimension_numbers = #tpu.dot_dimension_numbers<[1], [0], [0], [1], [0, 0, 1, 1], [], []>, transpose_lhs_hint = false} : vector<1024x128xf32>, vector<128x128xf32>, vector<1024x128xf32> -> vector<1024x128xf32>
    %get3A_6 = arith.constant 0 : index
    %get3A_7 = arith.constant 0 : index
    %get3A_8 = vector.load %arg3[%get3A_6, %get3A_7] : memref<1x128xf32, #tpu.memory_space<vmem>>, vector<1x128xf32>
    %add3A = vector.broadcast %get3A_8 : vector<1x128xf32> to vector<1024x128xf32>
    %add3A_9 = arith.addf %dot_general3A_5, %add3A : vector<1024x128xf32>
    %swap3A = arith.constant 0 : index
    %swap3A_10 = arith.constant 0 : index
    %swap3A_11 = vector.load %arg4[%swap3A, %swap3A_10] : memref<1024x128xf32, #tpu.memory_space<vmem>>, vector<1024x128xf32>
    tpu.vector_store %arg4[%swap3A, %swap3A_10], %add3A_9 {strides = array<i32>} : memref<1024x128xf32, #tpu.memory_space<vmem>>, vector<1024x128xf32>,
    return
  }
  func.func @transform_0(%arg0: i32) -> (i32, i32) {
    %c0_i32 = arith.constant 0 : i32
    %c0_i32_0 = arith.constant 0 : i32
    return %arg0, %c0_i32 : i32, i32
  }
  func.func @transform_1(%arg0: i32) -> (i32, i32) {
    %c0_i32 = arith.constant 0 : i32
    %c0_i32_0 = arith.constant 0 : i32
    %c0_i32_1 = arith.constant 0 : i32
    return %c0_i32, %c0_i32_0 : i32, i32
  }
  func.func @transform_2(%arg0: i32) -> (i32, i32) {
    %c0_i32 = arith.constant 0 : i32
    %c0_i32_0 = arith.constant 0 : i32
    %c0_i32_1 = arith.constant 0 : i32
    return %c0_i32, %c0_i32_0 : i32, i32
  }
  func.func @transform_3(%arg0: i32) -> (i32, i32) {
    %c0_i32 = arith.constant 0 : i32
    %c0_i32_0 = arith.constant 0 : i32
    return %arg0, %c0_i32 : i32, i32
  }
}

module attributes {stable_mosaic.version = 14 : i64} {
  func.func @_k2a_body(%arg0: i32, %arg1: memref<2x1024x128xf32, #tpu.memory_space<vmem>>, %arg2: memref<2x1024x1xf32, #tpu.memory_space<vmem>>, %arg3: memref<1024x128xf32, #tpu.memory_space<vmem>>, %arg4: memref<128x48xf32, #tpu.memory_space<vmem>>, %arg5: memref<1024x128xf32, #tpu.memory_space<vmem>>, %arg6: memref<1024x48xf32, #tpu.memory_space<vmem>>) attributes {dimension_semantics = [#tpu.dimension_semantics<arbitrary>], iteration_bounds = array<i64: 10>, scalar_prefetch = 0 : i64, scratch_operands = 0 : i64, tpu.core_type = #tpu.core_type<tc>, window_params = [{transform_indices = @transform_0, window_bounds = array<i64: 2, 1024, 128>}, {transform_indices = @transform_1, window_bounds = array<i64: 2, 1024, 1>}, {transform_indices = @transform_2, window_bounds = array<i64: 1024, 128>}, {pipeline_mode = #tpu.pipeline_mode<synchronous>, transform_indices = @transform_3, window_bounds = array<i64: 128, 48>}, {transform_indices = @transform_4, window_bounds = array<i64: 1024, 128>}, {transform_indices = @transform_5, window_bounds = array<i64: 1024, 48>}]} {
    %get3A = arith.constant 0 : index
    %get3A_0 = arith.constant 0 : index
    %get3A_1 = arith.constant 0 : index
    %get3A_2 = vector.load %arg1[%get3A, %get3A_0, %get3A_1] : memref<2x1024x128xf32, #tpu.memory_space<vmem>>, vector<1x1024x128xf32>
    %get3A_3 = vector.shape_cast %get3A_2 : vector<1x1024x128xf32> to vector<1024x128xf32>
    %get3A_4 = arith.constant 1 : index
    %get3A_5 = arith.constant 0 : index
    %get3A_6 = arith.constant 0 : index
    %get3A_7 = vector.load %arg1[%get3A_4, %get3A_5, %get3A_6] : memref<2x1024x128xf32, #tpu.memory_space<vmem>>, vector<1x1024x128xf32>
    %get3A_8 = vector.shape_cast %get3A_7 : vector<1x1024x128xf32> to vector<1024x128xf32>
    %add3A = arith.addf %get3A_3, %get3A_8 : vector<1024x128xf32>
    %get3A_9 = arith.constant 0 : index
    %get3A_10 = arith.constant 0 : index
    %get3A_11 = arith.constant 0 : index
    %get3A_12 = vector.load %arg2[%get3A_9, %get3A_10, %get3A_11] : memref<2x1024x1xf32, #tpu.memory_space<vmem>>, vector<1x1024x1xf32>
    %get3A_13 = vector.shape_cast %get3A_12 : vector<1x1024x1xf32> to vector<1024x1xf32>
    %get3A_14 = arith.constant 1 : index
    %get3A_15 = arith.constant 0 : index
    %get3A_16 = arith.constant 0 : index
    %get3A_17 = vector.load %arg2[%get3A_14, %get3A_15, %get3A_16] : memref<2x1024x1xf32, #tpu.memory_space<vmem>>, vector<1x1024x1xf32>
    %get3A_18 = vector.shape_cast %get3A_17 : vector<1x1024x1xf32> to vector<1024x1xf32>
    %add3A_19 = arith.addf %get3A_13, %get3A_18 : vector<1024x1xf32>
    %max3A = arith.constant 1.000000e+00 : f32
    %max3A_20 = vector.broadcast %max3A : f32 to vector<1024x1xf32>
    %max3A_21 = arith.maximumf %add3A_19, %max3A_20 : vector<1024x1xf32>
    %div3A = vector.broadcast %max3A_21 : vector<1024x1xf32> to vector<1024x128xf32>
    %div3A_22 = arith.divf %add3A, %div3A : vector<1024x128xf32>
    %get3A_23 = arith.constant 0 : index
    %get3A_24 = arith.constant 0 : index
    %get3A_25 = vector.load %arg3[%get3A_23, %get3A_24] : memref<1024x128xf32, #tpu.memory_space<vmem>>, vector<1024x128xf32>
    %add3A_26 = arith.addf %div3A_22, %get3A_25 : vector<1024x128xf32>
    %max3A_27 = arith.constant 0.000000e+00 : f32
    %max3A_28 = vector.broadcast %max3A_27 : f32 to vector<1024x128xf32>
    %max3A_29 = arith.maximumf %add3A_26, %max3A_28 : vector<1024x128xf32>
    %swap3A = arith.constant 0 : index
    %swap3A_30 = arith.constant 0 : index
    %swap3A_31 = vector.load %arg5[%swap3A, %swap3A_30] : memref<1024x128xf32, #tpu.memory_space<vmem>>, vector<1024x128xf32>
    tpu.vector_store %arg5[%swap3A, %swap3A_30], %max3A_29 {strides = array<i32>} : memref<1024x128xf32, #tpu.memory_space<vmem>>, vector<1024x128xf32>,
    %get3A_32 = arith.constant 0 : index
    %get3A_33 = arith.constant 0 : index
    %get3A_34 = vector.load %arg4[%get3A_32, %get3A_33] : memref<128x48xf32, #tpu.memory_space<vmem>>, vector<128x48xf32>
    %dot_general3A = arith.constant dense<0.000000e+00> : vector<1024x48xf32>
    %dot_general3A_35 = tpu.matmul %max3A_29, %get3A_34, %dot_general3A {dimension_numbers = #tpu.dot_dimension_numbers<[1], [0], [0], [1], [0, 0, 1, 1], [], []>, transpose_lhs_hint = false} : vector<1024x128xf32>, vector<128x48xf32>, vector<1024x48xf32> -> vector<1024x48xf32>
    %swap3A_36 = arith.constant 0 : index
    %swap3A_37 = arith.constant 0 : index
    %swap3A_38 = vector.load %arg6[%swap3A_36, %swap3A_37] : memref<1024x48xf32, #tpu.memory_space<vmem>>, vector<1024x48xf32>
    tpu.vector_store %arg6[%swap3A_36, %swap3A_37], %dot_general3A_35 {strides = array<i32>} : memref<1024x48xf32, #tpu.memory_space<vmem>>, vector<1024x48xf32>,
    return
  }
  func.func @transform_0(%arg0: i32) -> (i32, i32, i32) {
    %c0_i32 = arith.constant 0 : i32
    %c0_i32_0 = arith.constant 0 : i32
    %c0_i32_1 = arith.constant 0 : i32
    return %c0_i32, %arg0, %c0_i32_0 : i32, i32, i32
  }
  func.func @transform_1(%arg0: i32) -> (i32, i32, i32) {
    %c0_i32 = arith.constant 0 : i32
    %c0_i32_0 = arith.constant 0 : i32
    %c0_i32_1 = arith.constant 0 : i32
    return %c0_i32, %arg0, %c0_i32_0 : i32, i32, i32
  }
  func.func @transform_2(%arg0: i32) -> (i32, i32) {
    %c0_i32 = arith.constant 0 : i32
    %c0_i32_0 = arith.constant 0 : i32
    return %arg0, %c0_i32 : i32, i32
  }
  func.func @transform_3(%arg0: i32) -> (i32, i32) {
    %c0_i32 = arith.constant 0 : i32
    %c0_i32_0 = arith.constant 0 : i32
    %c0_i32_1 = arith.constant 0 : i32
    return %c0_i32, %c0_i32_0 : i32, i32
  }
  func.func @transform_4(%arg0: i32) -> (i32, i32) {
    %c0_i32 = arith.constant 0 : i32
    %c0_i32_0 = arith.constant 0 : i32
    return %arg0, %c0_i32 : i32, i32
  }
  func.func @transform_5(%arg0: i32) -> (i32, i32) {
    %c0_i32 = arith.constant 0 : i32
    %c0_i32_0 = arith.constant 0 : i32
    return %arg0, %c0_i32 : i32, i32
  }
}

module attributes {stable_mosaic.version = 14 : i64} {
  func.func @_k2b_body(%arg0: i32, %arg1: memref<1024x128xf32, #tpu.memory_space<vmem>>, %arg2: memref<128x48xf32, #tpu.memory_space<vmem>>, %arg3: memref<1x48xf32, #tpu.memory_space<vmem>>, %arg4: memref<1024x48xf32, #tpu.memory_space<vmem>>) attributes {dimension_semantics = [#tpu.dimension_semantics<arbitrary>], iteration_bounds = array<i64: 10>, scalar_prefetch = 0 : i64, scratch_operands = 0 : i64, tpu.core_type = #tpu.core_type<tc>, window_params = [{transform_indices = @transform_0, window_bounds = array<i64: 1024, 128>}, {pipeline_mode = #tpu.pipeline_mode<synchronous>, transform_indices = @transform_1, window_bounds = array<i64: 128, 48>}, {pipeline_mode = #tpu.pipeline_mode<synchronous>, transform_indices = @transform_2, window_bounds = array<i64: 1, 48>}, {transform_indices = @transform_3, window_bounds = array<i64: 1024, 48>}]} {
    %get3A = arith.constant 0 : index
    %get3A_0 = arith.constant 0 : index
    %get3A_1 = vector.load %arg1[%get3A, %get3A_0] : memref<1024x128xf32, #tpu.memory_space<vmem>>, vector<1024x128xf32>
    %get3A_2 = arith.constant 0 : index
    %get3A_3 = arith.constant 0 : index
    %get3A_4 = vector.load %arg2[%get3A_2, %get3A_3] : memref<128x48xf32, #tpu.memory_space<vmem>>, vector<128x48xf32>
    %dot_general3A = arith.constant dense<0.000000e+00> : vector<1024x48xf32>
    %dot_general3A_5 = tpu.matmul %get3A_1, %get3A_4, %dot_general3A {dimension_numbers = #tpu.dot_dimension_numbers<[1], [0], [0], [1], [0, 0, 1, 1], [], []>, transpose_lhs_hint = false} : vector<1024x128xf32>, vector<128x48xf32>, vector<1024x48xf32> -> vector<1024x48xf32>
    %get3A_6 = arith.constant 0 : index
    %get3A_7 = arith.constant 0 : index
    %get3A_8 = vector.load %arg3[%get3A_6, %get3A_7] : memref<1x48xf32, #tpu.memory_space<vmem>>, vector<1x48xf32>
    %add3A = vector.broadcast %get3A_8 : vector<1x48xf32> to vector<1024x48xf32>
    %add3A_9 = arith.addf %dot_general3A_5, %add3A : vector<1024x48xf32>
    %swap3A = arith.constant 0 : index
    %swap3A_10 = arith.constant 0 : index
    %swap3A_11 = vector.load %arg4[%swap3A, %swap3A_10] : memref<1024x48xf32, #tpu.memory_space<vmem>>, vector<1024x48xf32>
    tpu.vector_store %arg4[%swap3A, %swap3A_10], %add3A_9 {strides = array<i32>} : memref<1024x48xf32, #tpu.memory_space<vmem>>, vector<1024x48xf32>,
    return
  }
  func.func @transform_0(%arg0: i32) -> (i32, i32) {
    %c0_i32 = arith.constant 0 : i32
    %c0_i32_0 = arith.constant 0 : i32
    return %arg0, %c0_i32 : i32, i32
  }
  func.func @transform_1(%arg0: i32) -> (i32, i32) {
    %c0_i32 = arith.constant 0 : i32
    %c0_i32_0 = arith.constant 0 : i32
    %c0_i32_1 = arith.constant 0 : i32
    return %c0_i32, %c0_i32_0 : i32, i32
  }
  func.func @transform_2(%arg0: i32) -> (i32, i32) {
    %c0_i32 = arith.constant 0 : i32
    %c0_i32_0 = arith.constant 0 : i32
    %c0_i32_1 = arith.constant 0 : i32
    return %c0_i32, %c0_i32_0 : i32, i32
  }
  func.func @transform_3(%arg0: i32) -> (i32, i32) {
    %c0_i32 = arith.constant 0 : i32
    %c0_i32_0 = arith.constant 0 : i32
    return %arg0, %c0_i32 : i32, i32
  }
}

module attributes {stable_mosaic.version = 14 : i64} {
  func.func @_k3_body(%arg0: i32, %arg1: memref<2x2000x48xf32, #tpu.memory_space<vmem>>, %arg2: memref<2x2000x1xf32, #tpu.memory_space<vmem>>, %arg3: memref<2000x48xf32, #tpu.memory_space<vmem>>, %arg4: memref<2000x40xf32, #tpu.memory_space<vmem>>) attributes {dimension_semantics = [#tpu.dimension_semantics<arbitrary>], iteration_bounds = array<i64: 5>, scalar_prefetch = 0 : i64, scratch_operands = 0 : i64, tpu.core_type = #tpu.core_type<tc>, window_params = [{transform_indices = @transform_0, window_bounds = array<i64: 2, 2000, 48>}, {transform_indices = @transform_1, window_bounds = array<i64: 2, 2000, 1>}, {transform_indices = @transform_2, window_bounds = array<i64: 2000, 48>}, {transform_indices = @transform_3, window_bounds = array<i64: 2000, 40>}]} {
    %get3A = arith.constant 0 : index
    %get3A_0 = arith.constant 0 : index
    %get3A_1 = arith.constant 0 : index
    %get3A_2 = vector.load %arg1[%get3A, %get3A_0, %get3A_1] : memref<2x2000x48xf32, #tpu.memory_space<vmem>>, vector<1x2000x48xf32>
    %get3A_3 = vector.shape_cast %get3A_2 : vector<1x2000x48xf32> to vector<2000x48xf32>
    %get3A_4 = arith.constant 1 : index
    %get3A_5 = arith.constant 0 : index
    %get3A_6 = arith.constant 0 : index
    %get3A_7 = vector.load %arg1[%get3A_4, %get3A_5, %get3A_6] : memref<2x2000x48xf32, #tpu.memory_space<vmem>>, vector<1x2000x48xf32>
    %get3A_8 = vector.shape_cast %get3A_7 : vector<1x2000x48xf32> to vector<2000x48xf32>
    %add3A = arith.addf %get3A_3, %get3A_8 : vector<2000x48xf32>
    %get3A_9 = arith.constant 0 : index
    %get3A_10 = arith.constant 0 : index
    %get3A_11 = arith.constant 0 : index
    %get3A_12 = vector.load %arg2[%get3A_9, %get3A_10, %get3A_11] : memref<2x2000x1xf32, #tpu.memory_space<vmem>>, vector<1x2000x1xf32>
    %get3A_13 = vector.shape_cast %get3A_12 : vector<1x2000x1xf32> to vector<2000x1xf32>
    %get3A_14 = arith.constant 1 : index
    %get3A_15 = arith.constant 0 : index
    %get3A_16 = arith.constant 0 : index
    %get3A_17 = vector.load %arg2[%get3A_14, %get3A_15, %get3A_16] : memref<2x2000x1xf32, #tpu.memory_space<vmem>>, vector<1x2000x1xf32>
    %get3A_18 = vector.shape_cast %get3A_17 : vector<1x2000x1xf32> to vector<2000x1xf32>
    %add3A_19 = arith.addf %get3A_13, %get3A_18 : vector<2000x1xf32>
    %max3A = arith.constant 1.000000e+00 : f32
    %max3A_20 = vector.broadcast %max3A : f32 to vector<2000x1xf32>
    %max3A_21 = arith.maximumf %add3A_19, %max3A_20 : vector<2000x1xf32>
    %div3A = vector.broadcast %max3A_21 : vector<2000x1xf32> to vector<2000x48xf32>
    %div3A_22 = arith.divf %add3A, %div3A : vector<2000x48xf32>
    %get3A_23 = arith.constant 0 : index
    %get3A_24 = arith.constant 0 : index
    %get3A_25 = vector.load %arg3[%get3A_23, %get3A_24] : memref<2000x48xf32, #tpu.memory_space<vmem>>, vector<2000x48xf32>
    %add3A_26 = arith.addf %div3A_22, %get3A_25 : vector<2000x48xf32>
    %slice3A = vector.extract_strided_slice %add3A_26 {offsets = [0, 0], sizes = [2000, 40], strides = [1, 1]} : vector<2000x48xf32> to vector<2000x40xf32>
    %swap3A = arith.constant 0 : index
    %swap3A_27 = arith.constant 0 : index
    %swap3A_28 = vector.load %arg4[%swap3A, %swap3A_27] : memref<2000x40xf32, #tpu.memory_space<vmem>>, vector<2000x40xf32>
    tpu.vector_store %arg4[%swap3A, %swap3A_27], %slice3A {strides = array<i32>} : memref<2000x40xf32, #tpu.memory_space<vmem>>, vector<2000x40xf32>,
    return
  }
  func.func @transform_0(%arg0: i32) -> (i32, i32, i32) {
    %c0_i32 = arith.constant 0 : i32
    %c0_i32_0 = arith.constant 0 : i32
    %c0_i32_1 = arith.constant 0 : i32
    return %c0_i32, %arg0, %c0_i32_0 : i32, i32, i32
  }
  func.func @transform_1(%arg0: i32) -> (i32, i32, i32) {
    %c0_i32 = arith.constant 0 : i32
    %c0_i32_0 = arith.constant 0 : i32
    %c0_i32_1 = arith.constant 0 : i32
    return %c0_i32, %arg0, %c0_i32_0 : i32, i32, i32
  }
  func.func @transform_2(%arg0: i32) -> (i32, i32) {
    %c0_i32 = arith.constant 0 : i32
    %c0_i32_0 = arith.constant 0 : i32
    return %arg0, %c0_i32 : i32, i32
  }
  func.func @transform_3(%arg0: i32) -> (i32, i32) {
    %c0_i32 = arith.constant 0 : i32
    %c0_i32_0 = arith.constant 0 : i32
    return %arg0, %c0_i32 : i32, i32
  }
}

</mosaic_0001>

<sc_bundles>
// kernel: kernel.10.cloned.1.call-start
scs
__scs_entry_jumppad:
0x0: {  	(pc) =	sbr.rel $0x88, $3  }
0x1: {  	(tag) =	ssettag $0x0;
	lr =	simm.s32 $0x1  }
0x2: {  	[smem:$0x3F99] =	sst lr;
	_ =	strace $0xD0000000  }
0x3: {  	_ = 	snop  }
0x4: {  	_ = 	snop  }
0x5: {  	_ = 	snop  }
0x6: {  	_ = 	snop  }
0x7: {  	_ = 	snop  }
__scs_overlays_trampoline_lowered:
0x8: {  	[smem:$0x3FA8] =	sst s0  }
0x9: {  	[smem:$0x3FA9] =	sst s1  }
0xa: {  	[smem:$0x3FAA] =	sst s2  }
0xb: {  	[smem:$0x3FAB] =	sst s3  }
0xc: {  	[smem:$0x3FAC] =	sst s4  }
0xd: {  	[smem:$0x3FAD] =	sst s5  }
0xe: {  	[smem:$0x3FAE] =	sst s6  }
0xf: {  	[smem:$0x3FAF] =	sst s7  }
0x10: {  	[smem:$0x3FB0] =	sst s8  }
0x11: {  	[smem:$0x3FB1] =	sst s9;
	s0 =	simm.s32 @!p0 $0x0  }
0x12: {  	s1 =	sld [smem:$0x3F97];
	s0 =	simm.s32 @p0 $0x1  }
0x13: {  	[smem:$0x3FB2] =	sst s0;
	s0 =	simm.s32 @!p1 $0x0  }
0x14: {  	s2 =	sld [smem:$0x3F96];
	s0 =	simm.s32 @p1 $0x1  }
0x15: {  	[smem:$0x3FB3] =	sst s0;
	s0 =	simm.s32 @!p2 $0x0  }
0x16: {  	s3 =	sld [smem:$0x3FDB];
	s0 =	simm.s32 @p2 $0x1  }
0x17: {  	s4 =	simm.s32 $0x1BF5;
	[smem:$0x3FB5] =	sst s0  }
0x18: {  	s0 =	sld [smem:$0x3F98];
	_ =	swait.ge [sflag:s4], $0x0  }
0x19: {  	s7 =	sld [smem:$0x3F99]  }
0x1a: {  	s8 =	sadd.s32 $0xFFFFE003, lr  }
0x1b: {  	s9 =	sadd.s32 $0xFFFFFEF7, lr;
	s5 =	simm.s32 $0xFFFFFFFF;
	p2 =	slt.u32 s8, $0xFFFFF086  }
0x1c: {  	p1 =	slt.u32 s9, $0xF7A;
	s5 =	simm.s32 @!p2 $0x0  }
0x1d: {  	s5 =	simm.s32 @p1 $0x1;
	p0 =	seq.s32 s7, s2  }
0x1e: {  	s7 =	smul.u32 @!p0 $0xF7A, s2;
	p2 =	seq.s32 @!p0 s5, $0x0  }
0x1f: {  	s9 =	smul.u32 $0xF7A, s1;
	s8 =	simm.s32 @!p0 $0x1BF5;
	p2 =	por !p2, p0  }
0x20: {  	[sflag:s8] =	ssyncset.s32 @!p0 $0xFFFFF086;
	s6 =	sadd.s32 @!p0 s3, s7;
	s7 =	simm.s32 @!p0 $0x108  }
0x21: {  	s3 =	sadd.s32 s3, s9;
	s6 =	sadd.s32 @!p0 $0x88, s6;
	s7 =	simm.s32 @p2 $0x1082  }
0x22: {  	[simem:s7], [sflag:s8] =	dma.local @!p0 [hbm:s6], $0xF7A  }
0x23: {  	s9 =	sor.u32 $0xD0000000, s2;
	s6 =	simm.s32 $0x108;
	_ =	swait.ge @!p0 [sflag:s8], $0x0  }
0x24: {  	s3 =	sadd.s32 $0x88, s3;
	s6 =	simm.s32 @!p1 $0x1082;
	[sflag:s4] =	ssyncset.s32 $0xFFFFF086  }
0x25: {  	[simem:s6], [sflag:s4] =	dma.local [hbm:s3], $0xF7A  }
0x26: {  	[smem:$0x3F99] =	sst s1;
	(tag) =	ssettag s2;
	_ =	strace s9  }
0x27: {  	s1 =	sld [smem:$0x3FA9]  }
0x28: {  	s2 =	sld [smem:$0x3FAA]  }
0x29: {  	s4 =	sld [smem:$0x3FAC]  }
0x2a: {  	p0 =	seq.s32 s5, $0x0;
	s5 =	sld [smem:$0x3FAD]  }
0x2b: {  	s6 =	sld [smem:$0x3FAE]  }
0x2c: {  	s7 =	sld [smem:$0x3FAF]  }
0x2d: {  	s3 =	simm.s32 $0x108;
	s8 =	sld [smem:$0x3FB0]  }
0x2e: {  	s3 =	simm.s32 @!p0 $0x1082;
	s9 =	sld [smem:$0x3FB1]  }
0x2f: {  	lr =	sadd.s32 s0, s3;
	s0 =	sld [smem:$0x3FA8]  }
0x30: {  	s3 =	sld [smem:$0x3FAB]  }
0x31: {  	[smem:$0x3FB4] =	sst s10  }
0x32: {  	s10 =	sld [smem:$0x3FB2];
	_ =	sdelay $0x3  }
0x33: {  	p0 =	seq.s32 s10, $0x1;
	s10 =	sld [smem:$0x3FB4];
	_ =	sdelay $0x3  }
0x34: {  	[smem:$0x3FB4] =	sst s10  }
0x35: {  	s10 =	sld [smem:$0x3FB3];
	_ =	sdelay $0x3  }
0x36: {  	p1 =	seq.s32 s10, $0x1;
	s10 =	sld [smem:$0x3FB4];
	_ =	sdelay $0x3  }
0x37: {  	[smem:$0x3FB4] =	sst s10  }
0x38: {  	s10 =	sld [smem:$0x3FB5]  }
0x39: {  	_ = 	snop;
	(pc) =	sbr.ind lr, $3  }
0x3a: {  	_ = 	snop  }
0x3b: {  	_ = 	snop  }
0x3c: {  	p2 =	seq.s32 s10, $0x1;
	s10 =	sld [smem:$0x3FB4]  }
0x3d: {  	_ =	shalt  }
0x3e: {  	_ =	shalt  }
0x3f: {  	_ =	shalt  }
0x40: {  	_ =	shalt  }
0x41: {  	_ =	shalt  }
0x42: {  	_ =	shalt  }
0x43: {  	_ =	shalt  }
0x44: {  	_ =	shalt  }
0x45: {  	_ =	shalt  }
0x46: {  	_ =	shalt  }
0x47: {  	_ =	shalt  }
0x48: {  	_ =	shalt  }
0x49: {  	_ =	shalt  }
0x4a: {  	_ =	shalt  }
0x4b: {  	_ =	shalt  }
0x4c: {  	_ =	shalt  }
0x4d: {  	_ =	shalt  }
0x4e: {  	_ =	shalt  }
0x4f: {  	_ =	shalt  }
0x50: {  	_ =	shalt  }
0x51: {  	_ =	shalt  }
0x52: {  	_ =	shalt  }
0x53: {  	_ =	shalt  }
0x54: {  	_ =	shalt  }
0x55: {  	_ =	shalt  }
0x56: {  	_ =	shalt  }
0x57: {  	_ =	shalt  }
0x58: {  	_ =	shalt  }
0x59: {  	_ =	shalt  }
0x5a: {  	_ =	shalt  }
0x5b: {  	_ =	shalt  }
0x5c: {  	_ =	shalt  }
0x5d: {  	_ =	shalt  }
0x5e: {  	_ =	shalt  }
0x5f: {  	_ =	shalt  }
0x60: {  	_ =	shalt  }
0x61: {  	_ =	shalt  }
0x62: {  	_ =	shalt  }
0x63: {  	_ =	shalt  }
0x64: {  	_ =	shalt  }
0x65: {  	_ =	shalt  }
0x66: {  	_ =	shalt  }
0x67: {  	_ =	shalt  }
0x68: {  	_ =	shalt  }
0x69: {  	_ =	shalt  }
0x6a: {  	_ =	shalt  }
0x6b: {  	_ =	shalt  }
0x6c: {  	_ =	shalt  }
0x6d: {  	_ =	shalt  }
0x6e: {  	_ =	shalt  }
0x6f: {  	_ =	shalt  }
0x70: {  	_ =	shalt  }
0x71: {  	_ =	shalt  }
0x72: {  	_ =	shalt  }
0x73: {  	_ =	shalt  }
0x74: {  	_ =	shalt  }
0x75: {  	_ =	shalt  }
0x76: {  	_ =	shalt  }
0x77: {  	_ =	shalt  }
0x78: {  	_ =	shalt  }
0x79: {  	_ =	shalt  }
0x7a: {  	_ =	shalt  }
0x7b: {  	_ =	shalt  }
0x7c: {  	_ =	shalt  }
0x7d: {  	_ =	shalt  }
0x7e: {  	_ =	shalt  }
0x7f: {  	_ =	shalt  }
0x80: {  	_ =	shalt  }
0x81: {  	_ =	shalt  }
0x82: {  	_ =	shalt  }
0x83: {  	_ =	shalt  }
0x84: {  	_ =	shalt  }
0x85: {  	_ =	shalt  }
0x86: {  	_ =	shalt  }
0x87: {  	_ =	shalt  }
.Lfunc_end0:
.L_simem_size_0:
called_computation_lowered:
.L_overlay_start_0:
0x88: {  	s2 =	sld [smem:$0x3FD9]  }
0x89: {  	s3 =	sld [smem:$0x3FFE];
	_ =	sdelay $0x1  }
0x8a: {  	s1 =	srdreg.scid  }
0x8b: {  	s0 =	sand.u32 $0x1, s1  }
0x8c: {  	s17 =	sshll.u32 s0, $0xA;
	s2 =	sadd.s32 s3, s2  }
0x8d: {  	s2 =	sadd.s32 s2, s17  }
0x8e: {  	[smem:$0x3FC0] =	sst s2  }
0x8f: {  	_ = 	snop  }
0x90: {  	s2 =	sld [smem:$0x3FD0];
	(tm) =	ssettm $0x1  }
0x91: {  	s18 =	sld [smem:$0x3FFB];
	_ =	sdelay $0x3  }
0x92: {  	_ =	strace s18  }
0x93: {  	s3 =	sld [smem:$0x3FFC];
	_ =	sdelay $0x3  }
0x94: {  	_ =	strace s3  }
0x95: {  	s3 =	sld [smem:$0x3FFD];
	_ =	sdelay $0x3  }
0x96: {  	_ =	strace s3  }
0x97: {  	_ =	strace $0x8FFFFFFF  }
0x98: {  	s19 =	sld [smem:$0x3FDB];
	_ =	sdelay $0x1  }
0x99: {  	s4 =	simm.s32 $_scs_section_size  }
0x9a: {  	s5 =	simm.s32 $_size__tile_overlayer_lowered;
	s6 =	simm.s32 $_tile_overlayer_lowered  }
0x9b: {  	s22 =	simm.s32 $0x1BFF;
	s21 =	sshll.u32 s6, $0x1;
	s3 =	sadd.s32 s4, s19  }
0x9c: {  	s7 =	simm.s32 $0x0;
	s20 =	sshll.u32 s5, $0x1;
	s5 =	sadd.s32 s21, s3  }
0x9d: {  	[timem:s7], [sflag:s22] =	dma.local [hbm:s5], s20  }
0x9e: {  	_ =	swait.ge [sflag:s22], s20  }
0x9f: {  	s4 =	ssub.s32 $0x0, s20;
	[sflag:s22] =	ssyncset.done $0x0  }
0xa0: {  	[sflag:s22] =	ssyncadd.s32 s4;
	_ =	sdelay $0x1  }
0xa1: {  	s23 =	simm.s32 $0x1B8B  }
0xa2: {  	_ =	swait.ge [sflag:s23], $0x1  }
0xa3: {  	[sflag:s23] =	ssyncset.done $0x0  }
0xa4: {  	s25 =	simm.s32 $0x1B8E;
	s24 =	sld [smem:$0x3FFE];
	[sflag:s23] =	ssyncadd.s32 $0xFFFFFFFF  }
0xa5: {  	s26 =	simm.s32 $execute0_lowered;
	[smem:$0x3FD2] =	sst s25  }
0xa6: {  	s5 =	sshll.u32 s26, $0x1;
	_ =	strace $0x80000046;
	[dreg:$0x1] =	wrdreg $0xFFFFFFFF  }
0xa7: {  	s28 =	simm.s32 $_size_execute0_lowered;
	s3 =	sadd.s32 s3, s5;
	[dreg:$0x0] =	wrdreg $0x0  }
0xa8: {  	s5 =	sshll.u32 s28, $0x1;
	[dreg:$0x2] =	wrdreg s3  }
0xa9: {  	[dreg:$0x3] =	wrdreg s5  }
0xaa: {  	[dreg:$0x4] =	wrdreg $0xC0  }
0xab: {  	_ =	task [dreg:s7], $0x5FFFF  }
0xac: {  	[dreg:$0x1] =	wrdreg $0xFFFFFFFF  }
0xad: {  	[dreg:$0x0] =	wrdreg $0x60  }
0xae: {  	[dreg:$0x2] =	wrdreg s24  }
0xaf: {  	[dreg:$0x3] =	wrdreg s2  }
0xb0: {  	[dreg:$0x4] =	wrdreg $0xA8000  }
0xb1: {  	[dreg:$0x5] =	wrdreg $0x1E8800  }
0xb2: {  	[dreg:$0x6] =	wrdreg $0x9  }
0xb3: {  	_ =	task.clear_ibuf [dreg:s7], $0x7FFFF;
	_ =	strace $0x90000046  }
0xb4: {  	s29 =	simm.s32 $0x9;
	_ =	strace $0x80000048  }
0xb5: {  	_ =	swait.ge [sflag:s29], $0x1  }
0xb6: {  	[sflag:s29] =	ssyncadd.s32 $0xFFFFFFFF  }
0xb7: {  	_ =	strace $0x90000048  }
0xb8: {  	_ =	sfence  }
0xb9: {  	s30 =	sld [smem:$0x0];
	_ =	sdelay $0x2  }
0xba: {  	s31 =	sshll.u32 s1, $0xD;
	s1 =	sshrl.u32 s1, $0x2  }
0xbb: {  	s3 =	sand.u32 $0x4000, s31;
	s1 =	sadd.s32 s1, s30  }
0xbc: {  	s0 =	sor.u32 s3, s0;
	s1 =	sshll.u32 s1, $0x11  }
0xbd: {  	s0 =	sor.u32 s1, s0  }
0xbe: {  	s0 =	sadd.s32 $0x8F2B, s0  }
0xbf: {  	[sflag:s0] =	ssyncadd.remote.s32 $0x1  }
0xc0: {  	_ =	sfence.sel $0xFFFF  }
0xc1: {  	[dreg:$0x0] =	wrdreg $0xFFFFFFFF;
	(pc) =	sbr.abs _section_cstart, $3  }
0xc2: {  	[dreg:$0x1] =	wrdreg $0xFFFFFFFF  }
0xc3: {  	_ =	task.clear_ibuf [dreg:s7], $0x2FFFF;
	_ =	strace $0x9FFFFFFF  }
0xc4: {  	(tm) =	ssettm $0x7FFFFFFF  }
0xc5: {  	_ =	shalt  }
tec
execute0_lowered:
.L_overlay_start_1:
0x0: {  	(tag) =	ssettag $0x1  }
0x1: {  	s8 =	rddreg [dreg:$0x0]  }
0x2: {  	s9 =	rddreg [dreg:$0x1]  }
0x3: {  	s0 =	srdreg.scid;
	s2 =	rddreg [dreg:$0x2]  }
0x4: {  	s3 =	rddreg [dreg:$0x3];
	s1 =	stileid.u32;
	s4 =	simm.s32 $0x0  }
0x5: {  	s19 =	simm.s32 $0x6800;
	s20 =	simm.s32 $0x1E800;
	s21 =	simm.s32 $0x1380  }
0x6: {  	s28 =	simm.s32 $0x10;
	s29 =	simm.s32 $0x0;
	s15 =	smul.u32 $0x50000, s1  }
0x7: {  	s7 =	sand.u32 $0x1, s0;
	[smem:$0x7FF] =	sst s4;
	s17 =	smul.u32 $0xA00, s1  }
0x8: {  	s6 =	sadd.s32 $0x34600, s8;
	s26 =	sshll.u32 s1, $0x6;
	s22 =	smul.u32 $0x2800, s1  }
0x9: {  	s10 =	sshll.u32 s7, $0x4;
	_ =	strace $0x80000047;
	s13 =	smul.u32 $0x28000, s7  }
0xa: {  	s14 =	ssub.s32 $0x2, s7;
	s7 =	sadd.s32 $0x34400, s8;
	s5 =	sor.u32 s1, s10  }
0xb: {  	s16 =	sshrl.u32 s14, $0x1;
	s18 =	sadd.s32 s10, s8;
	s25 =	sshrl.u32 s15, $0x2  }
0xc: {  	s30 =	sshrl.u32 s17, $0x2;
	s17 =	simm.s32 $0x2800;
	s11 =	smul.u32 $0x500, s5  }
0xd: {  	s5 =	sadd.s32 $0xC400, s8;
	s13 =	sadd.s32 s13, s8;
	s14 =	ssub.s32 s14, s16  }
0xe: {  	s31 =	sadd.s32 s25, s2;
	s15 =	sadd.s32 s30, s3;
	s24 =	sadd.s32 $0x36E00, s18  }
0xf: {  	s25 =	smul.u32 $0xA0, s1;
	s16 =	simm.s32 $0x80;
	s18 =	simm.s32 $0x1  }
0x10: {  	s23 =	sadd.s32 $0x37800, s13;
	s13 =	simm.s32 $0x2;
	s12 =	sadd.s32 s11, s8  }
0x11: {  	s8 =	sor.u32 $0x1C02, s26;
	s9 =	sadd.s32 s9, s11;
	s11 =	smax.u32 s14, $0x1  }
0x12: {  	s14 =	sshrl.u32 s15, $0x3;
	s15 =	simm.s32 $0x1400;
	s22 =	sadd.s32 s22, s23  }
0x13: {  	s23 =	simm.s32 $0x2700;
	s24 =	sadd.s32 s25, s24;
	s25 =	simm.s32 $0x2780  }
0x14: {  	v0 =	vimm.f32 $1.000000000e+00;
	s26 =	simm.s32 $0x20;
	s10 =	sadd.s32 $0x2400, s12;
	s12 =	sshrl.u32 s31, $0x3  }
.LBB2_1:
0x15: {  	[spmem:s12], [sflag:s8] =	dma.local [hbm:s6], $0x2800  }
0x16: {  	_ =	swait.ge [sflag:s13], $0x2800  }
0x17: {  	[sflag:s13] =	ssyncset.done $0x0  }
0x18: {  	[sflag:s13] =	ssyncadd.s32 $0xFFFFD800  }
0x19: {  	[spmem:s14], [sflag:s8] =	dma.local [hbm:s7], $0x50  }
0x1a: {  	_ =	swait.ge [sflag:s13], $0x50  }
0x1b: {  	[sflag:s13] =	ssyncset.done $0x0  }
0x1c: {  	[sflag:s13] =	ssyncadd.s32 $0xFFFFFFB0  }
0x1d: {  	[tilespmem:$0x1E800] =	vst v0  }
0x1e: {  	[tilespmem:$0x1E810] =	vst v0  }
0x1f: {  	[tilespmem:$0x1E820] =	vst v0  }
0x20: {  	[tilespmem:$0x1E830] =	vst v0  }
0x21: {  	[tilespmem:$0x1E840] =	vst v0  }
0x22: {  	[tilespmem:$0x1E850] =	vst v0  }
0x23: {  	[tilespmem:$0x1E860] =	vst v0  }
0x24: {  	[tilespmem:$0x1E870] =	vst v0  }
0x25: {  	[tilespmem:s4], [sflag:$0x2] =	stream.linear.gather [hbm4b:s9+s4], $0x1400, $0x38;
	[tilespmem:$0x1EB00] =	vst v63  }
0x26: {  	_ =	swait.ge [sflag:s13], $0x1400  }
0x27: {  	[sflag:s13] =	ssyncset.done $0x0  }
0x28: {  	[sflag:s13] =	ssyncadd.s32 $0xFFFFEC00  }
0x29: {  	[tilespmem:s15], [sflag:$0x2] =	stream.linear.gather [hbm4b:s10+s4], $0x1400, $0x38;
	[tilespmem:$0x1EB00] =	vst v63  }
0x2a: {  	_ =	swait.ge [sflag:s13], $0x1400  }
0x2b: {  	[sflag:s13] =	ssyncset.done $0x0  }
0x2c: {  	[sflag:s13] =	ssyncadd.s32 $0xFFFFEC00  }
0x2d: {  	[tilespmem:s17], [sflag:$0x1] =	stream.indirect.gather [hbm4b:s5+s16], $0x80, s4, s16, $0xb8;
	[tilespmem:$0x1EB00] =	vst v63  }
0x2e: {  	[bflag:$0x0] =	sbarrier.arrive $0xFFFF  }
0x2f: {  	_ =	swait.ge [sflag:s18], $0x4000  }
0x30: {  	[sflag:s18] =	ssyncset.done $0x0  }
0x31: {  	s30 =	simm.s32 $0x80;
	[sflag:s18] =	ssyncadd.s32 $0xFFFFC000  }
0x32: {  	[tilespmem:s19], [sflag:$0x1] =	stream.indirect.gather [hbm4b:s5+s16], $0x80, s30, s16, $0xb8;
	[tilespmem:$0x1EB00] =	vst v63  }
0x33: {  	s30 =	simm.s32 $0x1400  }
0x34: {  	[spmem:s2] =	stream.indirect.scatter.add.f32 [tilespmem:s17], [sflag:$0x2], $0x80, s30, s16, $0xb8;
	[tilespmem:$0x1EB00] =	vst v63  }
0x35: {  	_ =	swait.ge [sflag:s13], $0x4000  }
0x36: {  	[sflag:s13] =	ssyncset.done $0x0  }
0x37: {  	[sflag:s13] =	ssyncadd.s32 $0xFFFFC000  }
0x38: {  	[spmem:s3] =	stream.indirect.scatter.add.f32 [tilespmem:s20], [sflag:$0x2], $0x1, s30, s16, $0xb8;
	[tilespmem:$0x1EB00] =	vst v63  }
0x39: {  	_ =	swait.ge [sflag:s13], $0x80  }
0x3a: {  	[sflag:s13] =	ssyncset.done $0x0  }
0x3b: {  	[sflag:s13] =	ssyncadd.s32 $0xFFFFFF80  }
0x3c: {  	_ =	swait.ge [sflag:s18], $0x4000  }
0x3d: {  	[sflag:s18] =	ssyncset.done $0x0  }
0x3e: {  	s30 =	simm.s32 $0x100;
	[sflag:s18] =	ssyncadd.s32 $0xFFFFC000  }
0x3f: {  	[tilespmem:s17], [sflag:$0x1] =	stream.indirect.gather [hbm4b:s5+s16], $0x80, s30, s16, $0xb8;
	[tilespmem:$0x1EB00] =	vst v63  }
0x40: {  	s30 =	simm.s32 $0x1480  }
0x41: {  	[spmem:s2] =	stream.indirect.scatter.add.f32 [tilespmem:s19], [sflag:$0x2], $0x80, s30, s16, $0xb8;
	[tilespmem:$0x1EB00] =	vst v63  }
0x42: {  	_ =	swait.ge [sflag:s13], $0x4000  }
0x43: {  	[sflag:s13] =	ssyncset.done $0x0  }
0x44: {  	[sflag:s13] =	ssyncadd.s32 $0xFFFFC000  }
0x45: {  	[spmem:s3] =	stream.indirect.scatter.add.f32 [tilespmem:s20], [sflag:$0x2], $0x1, s30, s16, $0xb8;
	[tilespmem:$0x1EB00] =	vst v63  }
0x46: {  	_ =	swait.ge [sflag:s13], $0x80  }
0x47: {  	s30 =	simm.s32 $0x400;
	[sflag:s13] =	ssyncset.done $0x0  }
.LBB2_2:
0x48: {  	p0 =	sne.s32 s30, $0x4800  }
0x49: {  	[sflag:s13] =	ssyncadd.s32 $0xFFFFFF80;
	s31 =	smov.u32 s30;
	s30 =	sadd.s32 $0x400, s30  }
0x4a: {  	_ =	swait.ge [sflag:s18], $0x4000  }
0x4b: {  	s31 =	sshra.s32 s31, $0x2;
	[sflag:s18] =	ssyncset.done $0x0  }
0x4c: {  	s0 =	sadd.s32 $0x80, s31;
	[sflag:s18] =	ssyncadd.s32 $0xFFFFC000  }
0x4d: {  	[tilespmem:s19], [sflag:$0x1] =	stream.indirect.gather [hbm4b:s5+s16], $0x80, s0, s16, $0xb8;
	[tilespmem:$0x1EB00] =	vst v63  }
0x4e: {  	s0 =	sadd.s32 $0x1400, s31  }
0x4f: {  	[spmem:s2] =	stream.indirect.scatter.add.f32 [tilespmem:s17], [sflag:$0x2], $0x80, s0, s16, $0xb8;
	[tilespmem:$0x1EB00] =	vst v63  }
0x50: {  	_ =	swait.ge [sflag:s13], $0x4000  }
0x51: {  	[sflag:s13] =	ssyncset.done $0x0  }
0x52: {  	[sflag:s13] =	ssyncadd.s32 $0xFFFFC000  }
0x53: {  	[spmem:s3] =	stream.indirect.scatter.add.f32 [tilespmem:s20], [sflag:$0x2], $0x1, s0, s16, $0xb8;
	[tilespmem:$0x1EB00] =	vst v63  }
0x54: {  	_ =	swait.ge [sflag:s13], $0x80  }
0x55: {  	[sflag:s13] =	ssyncset.done $0x0  }
0x56: {  	[sflag:s13] =	ssyncadd.s32 $0xFFFFFF80  }
0x57: {  	_ =	swait.ge [sflag:s18], $0x4000  }
0x58: {  	[sflag:s18] =	ssyncset.done $0x0  }
0x59: {  	s0 =	sadd.s32 $0x100, s31;
	[sflag:s18] =	ssyncadd.s32 $0xFFFFC000  }
0x5a: {  	[tilespmem:s17], [sflag:$0x1] =	stream.indirect.gather [hbm4b:s5+s16], $0x80, s0, s16, $0xb8;
	[tilespmem:$0x1EB00] =	vst v63  }
0x5b: {  	s0 =	sadd.s32 $0x1480, s31  }
0x5c: {  	[spmem:s2] =	stream.indirect.scatter.add.f32 [tilespmem:s19], [sflag:$0x2], $0x80, s0, s16, $0xb8;
	[tilespmem:$0x1EB00] =	vst v63  }
0x5d: {  	_ =	swait.ge [sflag:s13], $0x4000  }
.Ltmp0:
0x5e: {  	[sflag:s13] =	ssyncset.done $0x0;
	(pc) =	sbr.rel @p0 .LBB2_2-.Ltmp0, $4  }
0x5f: {  	[sflag:s13] =	ssyncadd.s32 $0xFFFFC000  }
0x60: {  	[spmem:s3] =	stream.indirect.scatter.add.f32 [tilespmem:s20], [sflag:$0x2], $0x1, s0, s16, $0xb8;
	[tilespmem:$0x1EB00] =	vst v63  }
0x61: {  	_ =	swait.ge [sflag:s13], $0x80  }
0x62: {  	[sflag:s13] =	ssyncset.done $0x0  }
0x63: {  	[sflag:s13] =	ssyncadd.s32 $0xFFFFFF80  }
0x64: {  	_ =	swait.ge [sflag:s18], $0x4000  }
0x65: {  	[sflag:s18] =	ssyncset.done $0x0  }
0x66: {  	[sflag:s18] =	ssyncadd.s32 $0xFFFFC000  }
0x67: {  	[tilespmem:s19], [sflag:$0x1] =	stream.indirect.gather [hbm4b:s5+s16], $0x80, s21, s16, $0xb8;
	[tilespmem:$0x1EB00] =	vst v63  }
0x68: {  	_ = 	snop  }
0x69: {  	[spmem:s2] =	stream.indirect.scatter.add.f32 [tilespmem:s17], [sflag:$0x2], $0x80, s23, s16, $0xb8;
	[tilespmem:$0x1EB00] =	vst v63  }
0x6a: {  	_ =	swait.ge [sflag:s13], $0x4000  }
0x6b: {  	[sflag:s13] =	ssyncset.done $0x0  }
0x6c: {  	[sflag:s13] =	ssyncadd.s32 $0xFFFFC000  }
0x6d: {  	[spmem:s3] =	stream.indirect.scatter.add.f32 [tilespmem:s20], [sflag:$0x2], $0x1, s23, s16, $0xb8;
	[tilespmem:$0x1EB00] =	vst v63  }
0x6e: {  	_ =	swait.ge [sflag:s13], $0x80  }
0x6f: {  	[sflag:s13] =	ssyncset.done $0x0  }
0x70: {  	[sflag:s13] =	ssyncadd.s32 $0xFFFFFF80  }
0x71: {  	_ =	swait.ge [sflag:s18], $0x4000  }
0x72: {  	[sflag:s18] =	ssyncset.done $0x0  }
0x73: {  	[sflag:s18] =	ssyncadd.s32 $0xFFFFC000  }
0x74: {  	[spmem:s2] =	stream.indirect.scatter.add.f32 [tilespmem:s19], [sflag:$0x2], $0x80, s25, s16, $0xb8;
	[tilespmem:$0x1EB00] =	vst v63  }
0x75: {  	_ =	swait.ge [sflag:s13], $0x4000  }
0x76: {  	[sflag:s13] =	ssyncset.done $0x0  }
0x77: {  	[sflag:s13] =	ssyncadd.s32 $0xFFFFC000  }
0x78: {  	[spmem:s3] =	stream.indirect.scatter.add.f32 [tilespmem:s20], [sflag:$0x2], $0x1, s25, s16, $0xb8;
	[tilespmem:$0x1EB00] =	vst v63  }
0x79: {  	_ =	swait.ge [sflag:s13], $0x80  }
0x7a: {  	[sflag:s13] =	ssyncset.done $0x0  }
0x7b: {  	s0 =	sadd.s32 $0x280, s9;
	s30 =	simm.s32 $0x0;
	[sflag:s13] =	ssyncadd.s32 $0xFFFFFF80  }
0x7c: {  	[tilespmem:s30], [sflag:$0x2] =	stream.linear.gather [hbm4b:s0+s30], $0x1400, $0x38;
	[tilespmem:$0x1EB00] =	vst v63  }
0x7d: {  	_ =	swait.ge [sflag:s13], $0x1400  }
0x7e: {  	[sflag:s13] =	ssyncset.done $0x0  }
0x7f: {  	s31 =	sadd.s32 $0x280, s10;
	[sflag:s13] =	ssyncadd.s32 $0xFFFFEC00  }
0x80: {  	[tilespmem:s15], [sflag:$0x2] =	stream.linear.gather [hbm4b:s31+s30], $0x1400, $0x38;
	[tilespmem:$0x1EB00] =	vst v63  }
0x81: {  	_ =	swait.ge [sflag:s13], $0x1400  }
0x82: {  	[sflag:s13] =	ssyncset.done $0x0  }
0x83: {  	[sflag:s13] =	ssyncadd.s32 $0xFFFFEC00  }
0x84: {  	[tilespmem:s17], [sflag:$0x1] =	stream.indirect.gather [hbm4b:s5+s16], $0x80, s30, s16, $0xb8;
	[tilespmem:$0x1EB00] =	vst v63  }
0x85: {  	_ =	swait.ge [sflag:s18], $0x4000  }
0x86: {  	[sflag:s18] =	ssyncset.done $0x0  }
0x87: {  	s31 =	simm.s32 $0x80;
	[sflag:s18] =	ssyncadd.s32 $0xFFFFC000  }
0x88: {  	[tilespmem:s19], [sflag:$0x1] =	stream.indirect.gather [hbm4b:s5+s16], $0x80, s31, s16, $0xb8;
	[tilespmem:$0x1EB00] =	vst v63  }
0x89: {  	s31 =	simm.s32 $0x1400  }
0x8a: {  	[spmem:s2] =	stream.indirect.scatter.add.f32 [tilespmem:s17], [sflag:$0x2], $0x80, s31, s16, $0xb8;
	[tilespmem:$0x1EB00] =	vst v63  }
0x8b: {  	_ =	swait.ge [sflag:s13], $0x4000  }
0x8c: {  	[sflag:s13] =	ssyncset.done $0x0  }
0x8d: {  	[sflag:s13] =	ssyncadd.s32 $0xFFFFC000  }
0x8e: {  	[spmem:s3] =	stream.indirect.scatter.add.f32 [tilespmem:s20], [sflag:$0x2], $0x1, s31, s16, $0xb8;
	[tilespmem:$0x1EB00] =	vst v63  }
0x8f: {  	_ =	swait.ge [sflag:s13], $0x80  }
0x90: {  	[sflag:s13] =	ssyncset.done $0x0  }
0x91: {  	[sflag:s13] =	ssyncadd.s32 $0xFFFFFF80  }
0x92: {  	_ =	swait.ge [sflag:s18], $0x4000  }
0x93: {  	[sflag:s18] =	ssyncset.done $0x0  }
0x94: {  	s31 =	simm.s32 $0x100;
	[sflag:s18] =	ssyncadd.s32 $0xFFFFC000  }
0x95: {  	[tilespmem:s17], [sflag:$0x1] =	stream.indirect.gather [hbm4b:s5+s16], $0x80, s31, s16, $0xb8;
	[tilespmem:$0x1EB00] =	vst v63  }
0x96: {  	s31 =	simm.s32 $0x1480  }
0x97: {  	[spmem:s2] =	stream.indirect.scatter.add.f32 [tilespmem:s19], [sflag:$0x2], $0x80, s31, s16, $0xb8;
	[tilespmem:$0x1EB00] =	vst v63  }
0x98: {  	_ =	swait.ge [sflag:s13], $0x4000  }
0x99: {  	[sflag:s13] =	ssyncset.done $0x0  }
0x9a: {  	[sflag:s13] =	ssyncadd.s32 $0xFFFFC000  }
0x9b: {  	[spmem:s3] =	stream.indirect.scatter.add.f32 [tilespmem:s20], [sflag:$0x2], $0x1, s31, s16, $0xb8;
	[tilespmem:$0x1EB00] =	vst v63  }
0x9c: {  	_ =	swait.ge [sflag:s13], $0x80  }
0x9d: {  	s30 =	simm.s32 $0x400;
	[sflag:s13] =	ssyncset.done $0x0  }
.LBB2_4:
0x9e: {  	p0 =	sne.s32 s30, $0x4800  }
0x9f: {  	[sflag:s13] =	ssyncadd.s32 $0xFFFFFF80;
	s0 =	smov.u32 s30;
	s30 =	sadd.s32 $0x400, s30  }
0xa0: {  	_ =	swait.ge [sflag:s18], $0x4000  }
0xa1: {  	s0 =	sshra.s32 s0, $0x2;
	[sflag:s18] =	ssyncset.done $0x0  }
0xa2: {  	s31 =	sadd.s32 $0x80, s0;
	[sflag:s18] =	ssyncadd.s32 $0xFFFFC000  }
0xa3: {  	[tilespmem:s19], [sflag:$0x1] =	stream.indirect.gather [hbm4b:s5+s16], $0x80, s31, s16, $0xb8;
	[tilespmem:$0x1EB00] =	vst v63  }
0xa4: {  	s31 =	sadd.s32 $0x1400, s0  }
0xa5: {  	[spmem:s2] =	stream.indirect.scatter.add.f32 [tilespmem:s17], [sflag:$0x2], $0x80, s31, s16, $0xb8;
	[tilespmem:$0x1EB00] =	vst v63  }
0xa6: {  	_ =	swait.ge [sflag:s13], $0x4000  }
0xa7: {  	[sflag:s13] =	ssyncset.done $0x0  }
0xa8: {  	[sflag:s13] =	ssyncadd.s32 $0xFFFFC000  }
0xa9: {  	[spmem:s3] =	stream.indirect.scatter.add.f32 [tilespmem:s20], [sflag:$0x2], $0x1, s31, s16, $0xb8;
	[tilespmem:$0x1EB00] =	vst v63  }
0xaa: {  	_ =	swait.ge [sflag:s13], $0x80  }
0xab: {  	[sflag:s13] =	ssyncset.done $0x0  }
0xac: {  	[sflag:s13] =	ssyncadd.s32 $0xFFFFFF80  }
0xad: {  	_ =	swait.ge [sflag:s18], $0x4000  }
0xae: {  	[sflag:s18] =	ssyncset.done $0x0  }
0xaf: {  	s31 =	sadd.s32 $0x100, s0;
	[sflag:s18] =	ssyncadd.s32 $0xFFFFC000  }
0xb0: {  	[tilespmem:s17], [sflag:$0x1] =	stream.indirect.gather [hbm4b:s5+s16], $0x80, s31, s16, $0xb8;
	[tilespmem:$0x1EB00] =	vst v63  }
0xb1: {  	s0 =	sadd.s32 $0x1480, s0  }
0xb2: {  	[spmem:s2] =	stream.indirect.scatter.add.f32 [tilespmem:s19], [sflag:$0x2], $0x80, s0, s16, $0xb8;
	[tilespmem:$0x1EB00] =	vst v63  }
0xb3: {  	_ =	swait.ge [sflag:s13], $0x4000  }
.Ltmp1:
0xb4: {  	[sflag:s13] =	ssyncset.done $0x0;
	(pc) =	sbr.rel @p0 .LBB2_4-.Ltmp1, $4  }
0xb5: {  	[sflag:s13] =	ssyncadd.s32 $0xFFFFC000  }
0xb6: {  	[spmem:s3] =	stream.indirect.scatter.add.f32 [tilespmem:s20], [sflag:$0x2], $0x1, s0, s16, $0xb8;
	[tilespmem:$0x1EB00] =	vst v63  }
0xb7: {  	_ =	swait.ge [sflag:s13], $0x80  }
0xb8: {  	[sflag:s13] =	ssyncset.done $0x0  }
0xb9: {  	[sflag:s13] =	ssyncadd.s32 $0xFFFFFF80  }
0xba: {  	_ =	swait.ge [sflag:s18], $0x4000  }
0xbb: {  	[sflag:s18] =	ssyncset.done $0x0  }
0xbc: {  	[sflag:s18] =	ssyncadd.s32 $0xFFFFC000  }
0xbd: {  	[tilespmem:s19], [sflag:$0x1] =	stream.indirect.gather [hbm4b:s5+s16], $0x80, s21, s16, $0xb8;
	[tilespmem:$0x1EB00] =	vst v63  }
0xbe: {  	_ = 	snop  }
0xbf: {  	[spmem:s2] =	stream.indirect.scatter.add.f32 [tilespmem:s17], [sflag:$0x2], $0x80, s23, s16, $0xb8;
	[tilespmem:$0x1EB00] =	vst v63  }
0xc0: {  	_ =	swait.ge [sflag:s13], $0x4000  }
0xc1: {  	[sflag:s13] =	ssyncset.done $0x0  }
0xc2: {  	[sflag:s13] =	ssyncadd.s32 $0xFFFFC000  }
0xc3: {  	[spmem:s3] =	stream.indirect.scatter.add.f32 [tilespmem:s20], [sflag:$0x2], $0x1, s23, s16, $0xb8;
	[tilespmem:$0x1EB00] =	vst v63  }
0xc4: {  	_ =	swait.ge [sflag:s13], $0x80  }
0xc5: {  	[sflag:s13] =	ssyncset.done $0x0  }
0xc6: {  	[sflag:s13] =	ssyncadd.s32 $0xFFFFFF80  }
0xc7: {  	_ =	swait.ge [sflag:s18], $0x4000  }
0xc8: {  	[sflag:s18] =	ssyncset.done $0x0  }
0xc9: {  	[sflag:s18] =	ssyncadd.s32 $0xFFFFC000  }
0xca: {  	[spmem:s2] =	stream.indirect.scatter.add.f32 [tilespmem:s19], [sflag:$0x2], $0x80, s25, s16, $0xb8;
	[tilespmem:$0x1EB00] =	vst v63  }
0xcb: {  	_ =	swait.ge [sflag:s13], $0x4000  }
0xcc: {  	[sflag:s13] =	ssyncset.done $0x0  }
0xcd: {  	[sflag:s13] =	ssyncadd.s32 $0xFFFFC000  }
0xce: {  	[spmem:s3] =	stream.indirect.scatter.add.f32 [tilespmem:s20], [sflag:$0x2], $0x1, s25, s16, $0xb8;
	[tilespmem:$0x1EB00] =	vst v63  }
0xcf: {  	_ =	swait.ge [sflag:s13], $0x80  }
0xd0: {  	[sflag:s13] =	ssyncset.done $0x0  }
0xd1: {  	[sflag:s13] =	ssyncadd.s32 $0xFFFFFF80  }
0xd2: {  	[bflag:$0x0] =	sbarrier.arrive $0xFFFF  }
0xd3: {  	[hbm:s22], [sflag:s8] =	dma.local [spmem:s12], $0x2800  }
0xd4: {  	s29 =	sadd.s32 $0x1, s29;
	_ =	swait.ge [sflag:s13], $0x2800  }
0xd5: {  	p0 =	sne.s32 s29, s11;
	[sflag:s13] =	ssyncset.done $0x0  }
.Ltmp2:
0xd6: {  	[sflag:s13] =	ssyncadd.s32 $0xFFFFD800;
	(pc) =	sbr.rel @p0 .LBB2_1-.Ltmp2, $4  }
0xd7: {  	[hbm:s24@s26], [sflag:s8] =	dma.strided [spmem:s14@s28], $0x50, s18, $0x10   }
0xd8: {  	_ =	swait.ge [sflag:s13], $0x50  }
0xd9: {  	[sflag:s13] =	ssyncset.done $0x0  }
0xda: {  	[sflag:s13] =	ssyncadd.s32 $0xFFFFFFB0  }
0xdb: {  	_ =	sfence.sel $0x180000  }
0xdc: {  	[bflag:$0x0] =	sbarrier.arrive $0xFFFF  }
0xdd: {  	_ =	strace $0x90000047  }
0xde: {  	[bflag:$0x2] =	sbarrier.arrive $0xFFFF  }
0xdf: {  	p0 =	sne.s32 s1, $0x0;
	s0 =	rddreg [dreg:$0x4]  }
0xe0: {  	s0 =	sadd.s32 @!p0 $0x100000, s0  }
0xe1: {  	[sflag:s0] =	ssyncadd.tile.s32 @!p0 $0x1;
	_ =	shalt  }
.Lfunc_end2:
_tile_overlayer_lowered:
.L_overlay_start_2:
0xe2: {  	(tag) =	ssettag $0x2  }
0xe3: {  	s0 =	rddreg [dreg:$0x0];
	s2 =	stileid.u32  }
0xe4: {  	s1 =	rddreg [dreg:$0x1];
	p0 =	sne.s32 s2, $0x0  }
0xe5: {  	s3 =	rddreg [dreg:$0x2];
	[bflag:$0x3] =	sbarrier.arrive $0xFFFF;
	s2 =	simm.s32 @!p0 $0x1C02  }
0xe6: {  	[timem:s3], [sflag:s2] =	dma.local @!p0 [hbm:s0], s1  }
0xe7: {  	s0 =	simm.s32 @!p0 $0x2  }
0xe8: {  	_ =	swait.ge @!p0 [sflag:s0], s1  }
0xe9: {  	s1 =	ssub.s32 @!p0 $0x0, s1;
	[sflag:s0] =	ssyncset.done @!p0 $0x0  }
0xea: {  	[sflag:s0] =	ssyncadd.s32 @!p0 s1  }
0xeb: {  	[bflag:$0x3] =	sbarrier.arrive $0xFFFF  }
0xec: {  	_ =	shalt  }

// kernel: kernel.13.cloned.1.call-start
scs
__scs_entry_jumppad:
0x0: {  	(pc) =	sbr.rel $0x88, $3  }
0x1: {  	(tag) =	ssettag $0x0;
	lr =	simm.s32 $0x1  }
0x2: {  	[smem:$0x3F99] =	sst lr;
	_ =	strace $0xD0000000  }
0x3: {  	_ = 	snop  }
0x4: {  	_ = 	snop  }
0x5: {  	_ = 	snop  }
0x6: {  	_ = 	snop  }
0x7: {  	_ = 	snop  }
__scs_overlays_trampoline_lowered:
0x8: {  	[smem:$0x3FA8] =	sst s0  }
0x9: {  	[smem:$0x3FA9] =	sst s1  }
0xa: {  	[smem:$0x3FAA] =	sst s2  }
0xb: {  	[smem:$0x3FAB] =	sst s3  }
0xc: {  	[smem:$0x3FAC] =	sst s4  }
0xd: {  	[smem:$0x3FAD] =	sst s5  }
0xe: {  	[smem:$0x3FAE] =	sst s6  }
0xf: {  	[smem:$0x3FAF] =	sst s7  }
0x10: {  	[smem:$0x3FB0] =	sst s8  }
0x11: {  	[smem:$0x3FB1] =	sst s9;
	s0 =	simm.s32 @!p0 $0x0  }
0x12: {  	s1 =	sld [smem:$0x3F97];
	s0 =	simm.s32 @p0 $0x1  }
0x13: {  	[smem:$0x3FB2] =	sst s0;
	s0 =	simm.s32 @!p1 $0x0  }
0x14: {  	s2 =	sld [smem:$0x3F96];
	s0 =	simm.s32 @p1 $0x1  }
0x15: {  	[smem:$0x3FB3] =	sst s0;
	s0 =	simm.s32 @!p2 $0x0  }
0x16: {  	s3 =	sld [smem:$0x3FDB];
	s0 =	simm.s32 @p2 $0x1  }
0x17: {  	s4 =	simm.s32 $0x1BF5;
	[smem:$0x3FB5] =	sst s0  }
0x18: {  	s0 =	sld [smem:$0x3F98];
	_ =	swait.ge [sflag:s4], $0x0  }
0x19: {  	s7 =	sld [smem:$0x3F99]  }
0x1a: {  	s8 =	sadd.s32 $0xFFFFE003, lr  }
0x1b: {  	s9 =	sadd.s32 $0xFFFFFEF7, lr;
	s5 =	simm.s32 $0xFFFFFFFF;
	p2 =	slt.u32 s8, $0xFFFFF086  }
0x1c: {  	p1 =	slt.u32 s9, $0xF7A;
	s5 =	simm.s32 @!p2 $0x0  }
0x1d: {  	s5 =	simm.s32 @p1 $0x1;
	p0 =	seq.s32 s7, s2  }
0x1e: {  	s7 =	smul.u32 @!p0 $0xF7A, s2;
	p2 =	seq.s32 @!p0 s5, $0x0  }
0x1f: {  	s9 =	smul.u32 $0xF7A, s1;
	s8 =	simm.s32 @!p0 $0x1BF5;
	p2 =	por !p2, p0  }
0x20: {  	[sflag:s8] =	ssyncset.s32 @!p0 $0xFFFFF086;
	s6 =	sadd.s32 @!p0 s3, s7;
	s7 =	simm.s32 @!p0 $0x108  }
0x21: {  	s3 =	sadd.s32 s3, s9;
	s6 =	sadd.s32 @!p0 $0x88, s6;
	s7 =	simm.s32 @p2 $0x1082  }
0x22: {  	[simem:s7], [sflag:s8] =	dma.local @!p0 [hbm:s6], $0xF7A  }
0x23: {  	s9 =	sor.u32 $0xD0000000, s2;
	s6 =	simm.s32 $0x108;
	_ =	swait.ge @!p0 [sflag:s8], $0x0  }
0x24: {  	s3 =	sadd.s32 $0x88, s3;
	s6 =	simm.s32 @!p1 $0x1082;
	[sflag:s4] =	ssyncset.s32 $0xFFFFF086  }
0x25: {  	[simem:s6], [sflag:s4] =	dma.local [hbm:s3], $0xF7A  }
0x26: {  	[smem:$0x3F99] =	sst s1;
	(tag) =	ssettag s2;
	_ =	strace s9  }
0x27: {  	s1 =	sld [smem:$0x3FA9]  }
0x28: {  	s2 =	sld [smem:$0x3FAA]  }
0x29: {  	s4 =	sld [smem:$0x3FAC]  }
0x2a: {  	p0 =	seq.s32 s5, $0x0;
	s5 =	sld [smem:$0x3FAD]  }
0x2b: {  	s6 =	sld [smem:$0x3FAE]  }
0x2c: {  	s7 =	sld [smem:$0x3FAF]  }
0x2d: {  	s3 =	simm.s32 $0x108;
	s8 =	sld [smem:$0x3FB0]  }
0x2e: {  	s3 =	simm.s32 @!p0 $0x1082;
	s9 =	sld [smem:$0x3FB1]  }
0x2f: {  	lr =	sadd.s32 s0, s3;
	s0 =	sld [smem:$0x3FA8]  }
0x30: {  	s3 =	sld [smem:$0x3FAB]  }
0x31: {  	[smem:$0x3FB4] =	sst s10  }
0x32: {  	s10 =	sld [smem:$0x3FB2];
	_ =	sdelay $0x3  }
0x33: {  	p0 =	seq.s32 s10, $0x1;
	s10 =	sld [smem:$0x3FB4];
	_ =	sdelay $0x3  }
0x34: {  	[smem:$0x3FB4] =	sst s10  }
0x35: {  	s10 =	sld [smem:$0x3FB3];
	_ =	sdelay $0x3  }
0x36: {  	p1 =	seq.s32 s10, $0x1;
	s10 =	sld [smem:$0x3FB4];
	_ =	sdelay $0x3  }
0x37: {  	[smem:$0x3FB4] =	sst s10  }
0x38: {  	s10 =	sld [smem:$0x3FB5]  }
0x39: {  	_ = 	snop;
	(pc) =	sbr.ind lr, $3  }
0x3a: {  	_ = 	snop  }
0x3b: {  	_ = 	snop  }
0x3c: {  	p2 =	seq.s32 s10, $0x1;
	s10 =	sld [smem:$0x3FB4]  }
0x3d: {  	_ =	shalt  }
0x3e: {  	_ =	shalt  }
0x3f: {  	_ =	shalt  }
0x40: {  	_ =	shalt  }
0x41: {  	_ =	shalt  }
0x42: {  	_ =	shalt  }
0x43: {  	_ =	shalt  }
0x44: {  	_ =	shalt  }
0x45: {  	_ =	shalt  }
0x46: {  	_ =	shalt  }
0x47: {  	_ =	shalt  }
0x48: {  	_ =	shalt  }
0x49: {  	_ =	shalt  }
0x4a: {  	_ =	shalt  }
0x4b: {  	_ =	shalt  }
0x4c: {  	_ =	shalt  }
0x4d: {  	_ =	shalt  }
0x4e: {  	_ =	shalt  }
0x4f: {  	_ =	shalt  }
0x50: {  	_ =	shalt  }
0x51: {  	_ =	shalt  }
0x52: {  	_ =	shalt  }
0x53: {  	_ =	shalt  }
0x54: {  	_ =	shalt  }
0x55: {  	_ =	shalt  }
0x56: {  	_ =	shalt  }
0x57: {  	_ =	shalt  }
0x58: {  	_ =	shalt  }
0x59: {  	_ =	shalt  }
0x5a: {  	_ =	shalt  }
0x5b: {  	_ =	shalt  }
0x5c: {  	_ =	shalt  }
0x5d: {  	_ =	shalt  }
0x5e: {  	_ =	shalt  }
0x5f: {  	_ =	shalt  }
0x60: {  	_ =	shalt  }
0x61: {  	_ =	shalt  }
0x62: {  	_ =	shalt  }
0x63: {  	_ =	shalt  }
0x64: {  	_ =	shalt  }
0x65: {  	_ =	shalt  }
0x66: {  	_ =	shalt  }
0x67: {  	_ =	shalt  }
0x68: {  	_ =	shalt  }
0x69: {  	_ =	shalt  }
0x6a: {  	_ =	shalt  }
0x6b: {  	_ =	shalt  }
0x6c: {  	_ =	shalt  }
0x6d: {  	_ =	shalt  }
0x6e: {  	_ =	shalt  }
0x6f: {  	_ =	shalt  }
0x70: {  	_ =	shalt  }
0x71: {  	_ =	shalt  }
0x72: {  	_ =	shalt  }
0x73: {  	_ =	shalt  }
0x74: {  	_ =	shalt  }
0x75: {  	_ =	shalt  }
0x76: {  	_ =	shalt  }
0x77: {  	_ =	shalt  }
0x78: {  	_ =	shalt  }
0x79: {  	_ =	shalt  }
0x7a: {  	_ =	shalt  }
0x7b: {  	_ =	shalt  }
0x7c: {  	_ =	shalt  }
0x7d: {  	_ =	shalt  }
0x7e: {  	_ =	shalt  }
0x7f: {  	_ =	shalt  }
0x80: {  	_ =	shalt  }
0x81: {  	_ =	shalt  }
0x82: {  	_ =	shalt  }
0x83: {  	_ =	shalt  }
0x84: {  	_ =	shalt  }
0x85: {  	_ =	shalt  }
0x86: {  	_ =	shalt  }
0x87: {  	_ =	shalt  }
.Lfunc_end0:
.L_simem_size_0:
called_computation.1_lowered:
.L_overlay_start_0:
0x88: {  	s2 =	sld [smem:$0x3FD9]  }
0x89: {  	s3 =	sld [smem:$0x3FFE];
	_ =	sdelay $0x1  }
0x8a: {  	s1 =	srdreg.scid  }
0x8b: {  	s0 =	sand.u32 $0x1, s1  }
0x8c: {  	s17 =	sshll.u32 s0, $0xA;
	s2 =	sadd.s32 s3, s2  }
0x8d: {  	s2 =	sadd.s32 s2, s17  }
0x8e: {  	[smem:$0x3FC0] =	sst s2  }
0x8f: {  	_ = 	snop  }
0x90: {  	s2 =	sld [smem:$0x3FD0];
	(tm) =	ssettm $0x1  }
0x91: {  	s18 =	sld [smem:$0x3FFB];
	_ =	sdelay $0x3  }
0x92: {  	_ =	strace s18  }
0x93: {  	s3 =	sld [smem:$0x3FFC];
	_ =	sdelay $0x3  }
0x94: {  	_ =	strace s3  }
0x95: {  	s3 =	sld [smem:$0x3FFD];
	_ =	sdelay $0x3  }
0x96: {  	_ =	strace s3  }
0x97: {  	_ =	strace $0x8FFFFFFF  }
0x98: {  	s19 =	sld [smem:$0x3FDB];
	_ =	sdelay $0x1  }
0x99: {  	s4 =	simm.s32 $_scs_section_size  }
0x9a: {  	s5 =	simm.s32 $_size__tile_overlayer_lowered;
	s6 =	simm.s32 $_tile_overlayer_lowered  }
0x9b: {  	s22 =	simm.s32 $0x1BFF;
	s21 =	sshll.u32 s6, $0x1;
	s3 =	sadd.s32 s4, s19  }
0x9c: {  	s7 =	simm.s32 $0x0;
	s20 =	sshll.u32 s5, $0x1;
	s5 =	sadd.s32 s21, s3  }
0x9d: {  	[timem:s7], [sflag:s22] =	dma.local [hbm:s5], s20  }
0x9e: {  	_ =	swait.ge [sflag:s22], s20  }
0x9f: {  	s4 =	ssub.s32 $0x0, s20;
	[sflag:s22] =	ssyncset.done $0x0  }
0xa0: {  	[sflag:s22] =	ssyncadd.s32 s4;
	_ =	sdelay $0x1  }
0xa1: {  	s23 =	simm.s32 $0x1B8B  }
0xa2: {  	_ =	swait.ge [sflag:s23], $0x1  }
0xa3: {  	[sflag:s23] =	ssyncset.done $0x0  }
0xa4: {  	s25 =	simm.s32 $0x1B8E;
	s24 =	sld [smem:$0x3FFE];
	[sflag:s23] =	ssyncadd.s32 $0xFFFFFFFF  }
0xa5: {  	s26 =	simm.s32 $execute0_lowered;
	[smem:$0x3FD2] =	sst s25  }
0xa6: {  	s5 =	sshll.u32 s26, $0x1;
	_ =	strace $0x80000049;
	[dreg:$0x1] =	wrdreg $0xFFFFFFFF  }
0xa7: {  	s28 =	simm.s32 $_size_execute0_lowered;
	s3 =	sadd.s32 s3, s5;
	[dreg:$0x0] =	wrdreg $0x0  }
0xa8: {  	s5 =	sshll.u32 s28, $0x1;
	[dreg:$0x2] =	wrdreg s3  }
0xa9: {  	[dreg:$0x3] =	wrdreg s5  }
0xaa: {  	[dreg:$0x4] =	wrdreg $0xC0  }
0xab: {  	_ =	task [dreg:s7], $0x5FFFF  }
0xac: {  	[dreg:$0x1] =	wrdreg $0xFFFFFFFF  }
0xad: {  	[dreg:$0x0] =	wrdreg $0x60  }
0xae: {  	[dreg:$0x2] =	wrdreg s24  }
0xaf: {  	[dreg:$0x3] =	wrdreg s2  }
0xb0: {  	[dreg:$0x4] =	wrdreg $0x110000  }
0xb1: {  	[dreg:$0x5] =	wrdreg $0x9  }
0xb2: {  	_ =	task.clear_ibuf [dreg:s7], $0x6FFFF;
	_ =	strace $0x90000049  }
0xb3: {  	s29 =	simm.s32 $0x9;
	_ =	strace $0x8000004B  }
0xb4: {  	_ =	swait.ge [sflag:s29], $0x1  }
0xb5: {  	[sflag:s29] =	ssyncadd.s32 $0xFFFFFFFF  }
0xb6: {  	_ =	strace $0x9000004B  }
0xb7: {  	_ =	sfence  }
0xb8: {  	s30 =	sld [smem:$0x0];
	_ =	sdelay $0x2  }
0xb9: {  	s31 =	sshll.u32 s1, $0xD;
	s1 =	sshrl.u32 s1, $0x2  }
0xba: {  	s3 =	sand.u32 $0x4000, s31;
	s1 =	sadd.s32 s1, s30  }
0xbb: {  	s0 =	sor.u32 s3, s0;
	s1 =	sshll.u32 s1, $0x11  }
0xbc: {  	s0 =	sor.u32 s1, s0  }
0xbd: {  	s0 =	sadd.s32 $0x8F2B, s0  }
0xbe: {  	[sflag:s0] =	ssyncadd.remote.s32 $0x1  }
0xbf: {  	_ =	sfence.sel $0xFFFF  }
0xc0: {  	[dreg:$0x0] =	wrdreg $0xFFFFFFFF;
	(pc) =	sbr.abs _section_cstart, $3  }
0xc1: {  	[dreg:$0x1] =	wrdreg $0xFFFFFFFF  }
0xc2: {  	_ =	task.clear_ibuf [dreg:s7], $0x2FFFF;
	_ =	strace $0x9FFFFFFF  }
0xc3: {  	(tm) =	ssettm $0x7FFFFFFF  }
tec
execute0_lowered:
.L_overlay_start_1:
0x0: {  	(tag) =	ssettag $0x1  }
0x1: {  	s0 =	rddreg [dreg:$0x0]  }
0x2: {  	s3 =	rddreg [dreg:$0x1]  }
0x3: {  	s2 =	rddreg [dreg:$0x2];
	s30 =	simm.s32 $0x0  }
0x4: {  	[smem:$0x7FF] =	sst s30;
	s5 =	sadd.s32 $0x1B400, s0  }
0x5: {  	s8 =	simm.s32 $0x2A00;
	_ =	strace $0x8000004A;
	[dreg:$0x4] =	wrdreg s5  }
0x6: {  	s9 =	simm.s32 $0x600;
	[dreg:$0x8] =	wrdreg s8  }
0x7: {  	s10 =	simm.s32 $0x2C00;
	[dreg:$0x9] =	wrdreg s9  }
0x8: {  	s11 =	simm.s32 $0x800;
	[dreg:$0xa] =	wrdreg s10  }
0x9: {  	s1 =	srdreg.scid;
	s13 =	simm.s32 $0x2E00;
	[dreg:$0xb] =	wrdreg s11  }
0xa: {  	s7 =	stileid.u32;
	s15 =	simm.s32 $0xA00;
	[dreg:$0xc] =	wrdreg s13  }
0xb: {  	s16 =	simm.s32 $0x3000;
	s18 =	simm.s32 $0xC00;
	[dreg:$0xd] =	wrdreg s15  }
0xc: {  	s19 =	simm.s32 $0xE00;
	s20 =	simm.s32 $0x3400;
	[dreg:$0xe] =	wrdreg s16  }
0xd: {  	s21 =	simm.s32 $0x1000;
	s22 =	simm.s32 $0x3600;
	[dreg:$0xf] =	wrdreg s18  }
0xe: {  	s23 =	simm.s32 $0x1200;
	s24 =	simm.s32 $0x3800;
	[dreg:$0x11] =	wrdreg s19  }
0xf: {  	s31 =	simm.s32 $0x2800;
	s25 =	simm.s32 $0x1400;
	[dreg:$0x12] =	wrdreg s20  }
0x10: {  	s26 =	simm.s32 $0x3A00;
	s28 =	simm.s32 $0x1800;
	[dreg:$0x13] =	wrdreg s21  }
0x11: {  	s29 =	simm.s32 $0x3E00;
	p0 =	por $0x0, $0x0;
	[dreg:$0x14] =	wrdreg s22  }
0x12: {  	s1 =	sand.u32 $0x1, s1;
	s14 =	smul.u32 $0x7800, s7;
	[dreg:$0x15] =	wrdreg s23  }
0x13: {  	s4 =	sshll.u32 s1, $0x4;
	s5 =	simm.s32 $0x400;
	[dreg:$0x16] =	wrdreg s24  }
0x14: {  	s8 =	simm.s32 $0x3200;
	[dreg:$0x17] =	wrdreg s25;
	s10 =	simm.s32 $0x5000  }
0x15: {  	[dreg:$0x18] =	wrdreg s26;
	s9 =	simm.s32 $0x1600;
	s25 =	simm.s32 $0x1A00  }
0x16: {  	s26 =	simm.s32 $0x4000;
	s23 =	simm.s32 $0x1C00;
	s24 =	simm.s32 $0x4200  }
0x17: {  	s21 =	simm.s32 $0x1E00;
	s22 =	simm.s32 $0x4400;
	s19 =	simm.s32 $0x2000  }
0x18: {  	s20 =	simm.s32 $0x4600;
	s18 =	simm.s32 $0x4800;
	s4 =	sor.u32 s7, s4  }
0x19: {  	s15 =	simm.s32 $0x2400;
	s16 =	simm.s32 $0x4A00;
	s4 =	smul.u32 $0x500, s4  }
0x1a: {  	s13 =	simm.s32 $0x2600;
	[dreg:$0x7] =	wrdreg s5;
	s17 =	sadd.s32 s14, s2  }
0x1b: {  	s7 =	sshll.u32 s7, $0x6;
	s6 =	sadd.s32 s4, s0;
	s3 =	sadd.s32 s3, s4  }
0x1c: {  	s4 =	sadd.s32 $0x2400, s6;
	s6 =	smul.u32 $0xF000, s1;
	s1 =	ssub.s32 $0x2, s1  }
0x1d: {  	[dreg:$0x10] =	wrdreg s8;
	s11 =	sshrl.u32 s14, $0x3;
	s12 =	sshrl.u32 s1, $0x1  }
0x1e: {  	s8 =	simm.s32 $0x1;
	[dreg:$0x19] =	wrdreg s9;
	s1 =	ssub.s32 s1, s12  }
0x1f: {  	s9 =	simm.s32 $0xB000;
	s14 =	simm.s32 $0x4C00;
	s1 =	smax.u32 s1, $0x1  }
0x20: {  	s5 =	sshrl.u32 s17, $0x3;
	s17 =	simm.s32 $0x2200;
	p1 =	sne.s32 s1, $0x1  }
.Ltmp0:
0x21: {  	[dreg:$0x5] =	wrdreg s3;
	s3 =	sadd.s32 $0xC400, s0;
	(pc) =	sbr.rel @!p1 .LBB2_3-.Ltmp0, $4  }
0x22: {  	[dreg:$0x6] =	wrdreg s4;
	s4 =	sor.u32 $0x1C02, s7;
	s7 =	simm.s32 $0x200  }
0x23: {  	s0 =	sadd.s32 s6, s0;
	s6 =	simm.s32 $0x2;
	s12 =	simm.s32 $0x3C00  }
0x24: {  	s0 =	sadd.s32 $0x34600, s0;
	[dreg:$0x1a] =	wrdreg s12;
	s12 =	simm.s32 $0x4E00  }
0x25: {  	s11 =	sadd.s32 s11, s0;
	s0 =	sadd.s32 $0xFFFFFFFF, s1;
	s1 =	rddreg [dreg:$0x4]  }
0x26: {  	[spmem:s5], [sflag:s4] =	dma.local [hbm:s1], $0xF00  }
0x27: {  	_ =	swait.ge [sflag:s6], $0xF00  }
0x28: {  	[sflag:s6] =	ssyncset.done $0x0  }
0x29: {  	s1 =	rddreg [dreg:$0x5];
	[sflag:s6] =	ssyncadd.s32 $0xFFFFF100  }
0x2a: {  	[tilespmem:s30], [sflag:$0x2] =	stream.linear.gather [hbm4b:s1+s30], $0x2800, $0x38;
	[tilespmem:$0x18800] =	vst v63  }
0x2b: {  	_ =	swait.ge [sflag:s6], $0x2800  }
0x2c: {  	[sflag:s6] =	ssyncset.done $0x0  }
0x2d: {  	s1 =	rddreg [dreg:$0x6];
	[sflag:s6] =	ssyncadd.s32 $0xFFFFD800  }
0x2e: {  	[tilespmem:s31], [sflag:$0x2] =	stream.linear.gather [hbm4b:s1+s30], $0x2800, $0x38;
	[tilespmem:$0x18800] =	vst v63  }
0x2f: {  	_ =	swait.ge [sflag:s6], $0x2800  }
0x30: {  	[sflag:s6] =	ssyncset.done $0x0  }
0x31: {  	[sflag:s6] =	ssyncadd.s32 $0xFFFFD800  }
0x32: {  	[tilespmem:s10], [sflag:$0x1] =	stream.indirect.gather [hbm4b:s3+s7], $0x30, s30, s7, $0xb8;
	[tilespmem:$0x18800] =	vst v63  }
0x33: {  	[bflag:$0x0] =	sbarrier.arrive $0xFFFF  }
0x34: {  	_ =	swait.ge [sflag:s8], $0x6000  }
0x35: {  	[sflag:s8] =	ssyncset.done $0x0  }
0x36: {  	[sflag:s8] =	ssyncadd.s32 $0xFFFFA000  }
0x37: {  	[tilespmem:s9], [sflag:$0x1] =	stream.indirect.gather [hbm4b:s3+s7], $0x30, s7, s7, $0xb8;
	[tilespmem:$0x18800] =	vst v63  }
0x38: {  	_ = 	snop  }
0x39: {  	[spmem:s2] =	stream.indirect.scatter.add.f32 [tilespmem:s10], [sflag:$0x2], $0x30, s31, s7, $0xb8;
	[tilespmem:$0x18800] =	vst v63  }
0x3a: {  	_ =	swait.ge [sflag:s6], $0x6000  }
0x3b: {  	[sflag:s6] =	ssyncset.done $0x0  }
0x3c: {  	[sflag:s6] =	ssyncadd.s32 $0xFFFFA000  }
0x3d: {  	_ =	swait.ge [sflag:s8], $0x6000  }
0x3e: {  	[dreg:$0x1b] =	wrdreg s0;
	[sflag:s8] =	ssyncset.done $0x0  }
0x3f: {  	s1 =	rddreg [dreg:$0x7];
	[sflag:s8] =	ssyncadd.s32 $0xFFFFA000  }
0x40: {  	[tilespmem:s10], [sflag:$0x1] =	stream.indirect.gather [hbm4b:s3+s7], $0x30, s1, s7, $0xb8;
	[tilespmem:$0x18800] =	vst v63  }
0x41: {  	s0 =	rddreg [dreg:$0x8]  }
0x42: {  	[spmem:s2] =	stream.indirect.scatter.add.f32 [tilespmem:s9], [sflag:$0x2], $0x30, s0, s7, $0xb8;
	[tilespmem:$0x18800] =	vst v63  }
0x43: {  	_ =	swait.ge [sflag:s6], $0x6000  }
0x44: {  	[sflag:s6] =	ssyncset.done $0x0  }
0x45: {  	[sflag:s6] =	ssyncadd.s32 $0xFFFFA000  }
0x46: {  	_ =	swait.ge [sflag:s8], $0x6000  }
0x47: {  	[sflag:s8] =	ssyncset.done $0x0  }
0x48: {  	s0 =	rddreg [dreg:$0x9];
	[sflag:s8] =	ssyncadd.s32 $0xFFFFA000  }
0x49: {  	[tilespmem:s9], [sflag:$0x1] =	stream.indirect.gather [hbm4b:s3+s7], $0x30, s0, s7, $0xb8;
	[tilespmem:$0x18800] =	vst v63  }
0x4a: {  	s1 =	rddreg [dreg:$0xa]  }
0x4b: {  	[spmem:s2] =	stream.indirect.scatter.add.f32 [tilespmem:s10], [sflag:$0x2], $0x30, s1, s7, $0xb8;
	[tilespmem:$0x18800] =	vst v63  }
0x4c: {  	_ =	swait.ge [sflag:s6], $0x6000  }
0x4d: {  	[sflag:s6] =	ssyncset.done $0x0  }
0x4e: {  	[sflag:s6] =	ssyncadd.s32 $0xFFFFA000  }
0x4f: {  	_ =	swait.ge [sflag:s8], $0x6000  }
0x50: {  	[sflag:s8] =	ssyncset.done $0x0  }
0x51: {  	s0 =	rddreg [dreg:$0xb];
	[sflag:s8] =	ssyncadd.s32 $0xFFFFA000  }
0x52: {  	[tilespmem:s10], [sflag:$0x1] =	stream.indirect.gather [hbm4b:s3+s7], $0x30, s0, s7, $0xb8;
	[tilespmem:$0x18800] =	vst v63  }
0x53: {  	s1 =	rddreg [dreg:$0xc]  }
0x54: {  	[spmem:s2] =	stream.indirect.scatter.add.f32 [tilespmem:s9], [sflag:$0x2], $0x30, s1, s7, $0xb8;
	[tilespmem:$0x18800] =	vst v63  }
0x55: {  	_ =	swait.ge [sflag:s6], $0x6000  }
0x56: {  	[sflag:s6] =	ssyncset.done $0x0  }
0x57: {  	[sflag:s6] =	ssyncadd.s32 $0xFFFFA000  }
0x58: {  	_ =	swait.ge [sflag:s8], $0x6000  }
0x59: {  	[sflag:s8] =	ssyncset.done $0x0  }
0x5a: {  	s0 =	rddreg [dreg:$0xd];
	[sflag:s8] =	ssyncadd.s32 $0xFFFFA000  }
0x5b: {  	[tilespmem:s9], [sflag:$0x1] =	stream.indirect.gather [hbm4b:s3+s7], $0x30, s0, s7, $0xb8;
	[tilespmem:$0x18800] =	vst v63  }
0x5c: {  	s1 =	rddreg [dreg:$0xe]  }
0x5d: {  	[spmem:s2] =	stream.indirect.scatter.add.f32 [tilespmem:s10], [sflag:$0x2], $0x30, s1, s7, $0xb8;
	[tilespmem:$0x18800] =	vst v63  }
0x5e: {  	_ =	swait.ge [sflag:s6], $0x6000  }
0x5f: {  	[sflag:s6] =	ssyncset.done $0x0  }
0x60: {  	[sflag:s6] =	ssyncadd.s32 $0xFFFFA000  }
0x61: {  	_ =	swait.ge [sflag:s8], $0x6000  }
0x62: {  	[sflag:s8] =	ssyncset.done $0x0  }
0x63: {  	s0 =	rddreg [dreg:$0xf];
	[sflag:s8] =	ssyncadd.s32 $0xFFFFA000  }
0x64: {  	[tilespmem:s10], [sflag:$0x1] =	stream.indirect.gather [hbm4b:s3+s7], $0x30, s0, s7, $0xb8;
	[tilespmem:$0x18800] =	vst v63  }
0x65: {  	s1 =	rddreg [dreg:$0x10]  }
0x66: {  	[spmem:s2] =	stream.indirect.scatter.add.f32 [tilespmem:s9], [sflag:$0x2], $0x30, s1, s7, $0xb8;
	[tilespmem:$0x18800] =	vst v63  }
0x67: {  	_ =	swait.ge [sflag:s6], $0x6000  }
0x68: {  	[sflag:s6] =	ssyncset.done $0x0  }
0x69: {  	[sflag:s6] =	ssyncadd.s32 $0xFFFFA000  }
0x6a: {  	_ =	swait.ge [sflag:s8], $0x6000  }
0x6b: {  	[sflag:s8] =	ssyncset.done $0x0  }
0x6c: {  	s0 =	rddreg [dreg:$0x11];
	[sflag:s8] =	ssyncadd.s32 $0xFFFFA000  }
0x6d: {  	[tilespmem:s9], [sflag:$0x1] =	stream.indirect.gather [hbm4b:s3+s7], $0x30, s0, s7, $0xb8;
	[tilespmem:$0x18800] =	vst v63  }
0x6e: {  	s1 =	rddreg [dreg:$0x12]  }
0x6f: {  	[spmem:s2] =	stream.indirect.scatter.add.f32 [tilespmem:s10], [sflag:$0x2], $0x30, s1, s7, $0xb8;
	[tilespmem:$0x18800] =	vst v63  }
0x70: {  	_ =	swait.ge [sflag:s6], $0x6000  }
0x71: {  	[sflag:s6] =	ssyncset.done $0x0  }
0x72: {  	[sflag:s6] =	ssyncadd.s32 $0xFFFFA000  }
0x73: {  	_ =	swait.ge [sflag:s8], $0x6000  }
0x74: {  	[sflag:s8] =	ssyncset.done $0x0  }
0x75: {  	s0 =	rddreg [dreg:$0x13];
	[sflag:s8] =	ssyncadd.s32 $0xFFFFA000  }
0x76: {  	[tilespmem:s10], [sflag:$0x1] =	stream.indirect.gather [hbm4b:s3+s7], $0x30, s0, s7, $0xb8;
	[tilespmem:$0x18800] =	vst v63  }
0x77: {  	s1 =	rddreg [dreg:$0x14]  }
0x78: {  	[spmem:s2] =	stream.indirect.scatter.add.f32 [tilespmem:s9], [sflag:$0x2], $0x30, s1, s7, $0xb8;
	[tilespmem:$0x18800] =	vst v63  }
0x79: {  	_ =	swait.ge [sflag:s6], $0x6000  }
0x7a: {  	[sflag:s6] =	ssyncset.done $0x0  }
0x7b: {  	[sflag:s6] =	ssyncadd.s32 $0xFFFFA000  }
0x7c: {  	_ =	swait.ge [sflag:s8], $0x6000  }
0x7d: {  	[sflag:s8] =	ssyncset.done $0x0  }
0x7e: {  	s0 =	rddreg [dreg:$0x15];
	[sflag:s8] =	ssyncadd.s32 $0xFFFFA000  }
0x7f: {  	[tilespmem:s9], [sflag:$0x1] =	stream.indirect.gather [hbm4b:s3+s7], $0x30, s0, s7, $0xb8;
	[tilespmem:$0x18800] =	vst v63  }
0x80: {  	s1 =	rddreg [dreg:$0x16]  }
0x81: {  	[spmem:s2] =	stream.indirect.scatter.add.f32 [tilespmem:s10], [sflag:$0x2], $0x30, s1, s7, $0xb8;
	[tilespmem:$0x18800] =	vst v63  }
0x82: {  	_ =	swait.ge [sflag:s6], $0x6000  }
0x83: {  	[sflag:s6] =	ssyncset.done $0x0  }
0x84: {  	[sflag:s6] =	ssyncadd.s32 $0xFFFFA000  }
0x85: {  	_ =	swait.ge [sflag:s8], $0x6000  }
0x86: {  	[sflag:s8] =	ssyncset.done $0x0  }
0x87: {  	s0 =	rddreg [dreg:$0x17];
	[sflag:s8] =	ssyncadd.s32 $0xFFFFA000  }
0x88: {  	[tilespmem:s10], [sflag:$0x1] =	stream.indirect.gather [hbm4b:s3+s7], $0x30, s0, s7, $0xb8;
	[tilespmem:$0x18800] =	vst v63  }
0x89: {  	s1 =	rddreg [dreg:$0x18]  }
0x8a: {  	[spmem:s2] =	stream.indirect.scatter.add.f32 [tilespmem:s9], [sflag:$0x2], $0x30, s1, s7, $0xb8;
	[tilespmem:$0x18800] =	vst v63  }
0x8b: {  	_ =	swait.ge [sflag:s6], $0x6000  }
0x8c: {  	[sflag:s6] =	ssyncset.done $0x0  }
0x8d: {  	[sflag:s6] =	ssyncadd.s32 $0xFFFFA000  }
0x8e: {  	_ =	swait.ge [sflag:s8], $0x6000  }
0x8f: {  	[sflag:s8] =	ssyncset.done $0x0  }
0x90: {  	s0 =	rddreg [dreg:$0x19];
	[sflag:s8] =	ssyncadd.s32 $0xFFFFA000  }
0x91: {  	[tilespmem:s9], [sflag:$0x1] =	stream.indirect.gather [hbm4b:s3+s7], $0x30, s0, s7, $0xb8;
	[tilespmem:$0x18800] =	vst v63  }
0x92: {  	s1 =	rddreg [dreg:$0x1a]  }
0x93: {  	[spmem:s2] =	stream.indirect.scatter.add.f32 [tilespmem:s10], [sflag:$0x2], $0x30, s1, s7, $0xb8;
	[tilespmem:$0x18800] =	vst v63  }
0x94: {  	_ =	swait.ge [sflag:s6], $0x6000  }
0x95: {  	[sflag:s6] =	ssyncset.done $0x0  }
0x96: {  	[sflag:s6] =	ssyncadd.s32 $0xFFFFA000  }
0x97: {  	_ =	swait.ge [sflag:s8], $0x6000  }
0x98: {  	[sflag:s8] =	ssyncset.done $0x0  }
0x99: {  	[sflag:s8] =	ssyncadd.s32 $0xFFFFA000  }
0x9a: {  	[tilespmem:s10], [sflag:$0x1] =	stream.indirect.gather [hbm4b:s3+s7], $0x30, s28, s7, $0xb8;
	[tilespmem:$0x18800] =	vst v63  }
0x9b: {  	_ = 	snop  }
0x9c: {  	[spmem:s2] =	stream.indirect.scatter.add.f32 [tilespmem:s9], [sflag:$0x2], $0x30, s29, s7, $0xb8;
	[tilespmem:$0x18800] =	vst v63  }
0x9d: {  	_ =	swait.ge [sflag:s6], $0x6000  }
0x9e: {  	[sflag:s6] =	ssyncset.done $0x0  }
0x9f: {  	[sflag:s6] =	ssyncadd.s32 $0xFFFFA000  }
0xa0: {  	_ =	swait.ge [sflag:s8], $0x6000  }
0xa1: {  	[sflag:s8] =	ssyncset.done $0x0  }
0xa2: {  	[sflag:s8] =	ssyncadd.s32 $0xFFFFA000  }
0xa3: {  	[tilespmem:s9], [sflag:$0x1] =	stream.indirect.gather [hbm4b:s3+s7], $0x30, s25, s7, $0xb8;
	[tilespmem:$0x18800] =	vst v63  }
0xa4: {  	_ = 	snop  }
0xa5: {  	[spmem:s2] =	stream.indirect.scatter.add.f32 [tilespmem:s10], [sflag:$0x2], $0x30, s26, s7, $0xb8;
	[tilespmem:$0x18800] =	vst v63  }
0xa6: {  	_ =	swait.ge [sflag:s6], $0x6000  }
0xa7: {  	[sflag:s6] =	ssyncset.done $0x0  }
0xa8: {  	[sflag:s6] =	ssyncadd.s32 $0xFFFFA000  }
0xa9: {  	_ =	swait.ge [sflag:s8], $0x6000  }
0xaa: {  	[sflag:s8] =	ssyncset.done $0x0  }
0xab: {  	[sflag:s8] =	ssyncadd.s32 $0xFFFFA000  }
0xac: {  	[tilespmem:s10], [sflag:$0x1] =	stream.indirect.gather [hbm4b:s3+s7], $0x30, s23, s7, $0xb8;
	[tilespmem:$0x18800] =	vst v63  }
0xad: {  	_ = 	snop  }
0xae: {  	[spmem:s2] =	stream.indirect.scatter.add.f32 [tilespmem:s9], [sflag:$0x2], $0x30, s24, s7, $0xb8;
	[tilespmem:$0x18800] =	vst v63  }
0xaf: {  	_ =	swait.ge [sflag:s6], $0x6000  }
0xb0: {  	[sflag:s6] =	ssyncset.done $0x0  }
0xb1: {  	[sflag:s6] =	ssyncadd.s32 $0xFFFFA000  }
0xb2: {  	_ =	swait.ge [sflag:s8], $0x6000  }
0xb3: {  	[sflag:s8] =	ssyncset.done $0x0  }
0xb4: {  	[sflag:s8] =	ssyncadd.s32 $0xFFFFA000  }
0xb5: {  	[tilespmem:s9], [sflag:$0x1] =	stream.indirect.gather [hbm4b:s3+s7], $0x30, s21, s7, $0xb8;
	[tilespmem:$0x18800] =	vst v63  }
0xb6: {  	_ = 	snop  }
0xb7: {  	[spmem:s2] =	stream.indirect.scatter.add.f32 [tilespmem:s10], [sflag:$0x2], $0x30, s22, s7, $0xb8;
	[tilespmem:$0x18800] =	vst v63  }
0xb8: {  	_ =	swait.ge [sflag:s6], $0x6000  }
0xb9: {  	[sflag:s6] =	ssyncset.done $0x0  }
0xba: {  	[sflag:s6] =	ssyncadd.s32 $0xFFFFA000  }
0xbb: {  	_ =	swait.ge [sflag:s8], $0x6000  }
0xbc: {  	[sflag:s8] =	ssyncset.done $0x0  }
0xbd: {  	[sflag:s8] =	ssyncadd.s32 $0xFFFFA000  }
0xbe: {  	[tilespmem:s10], [sflag:$0x1] =	stream.indirect.gather [hbm4b:s3+s7], $0x30, s19, s7, $0xb8;
	[tilespmem:$0x18800] =	vst v63  }
0xbf: {  	_ = 	snop  }
0xc0: {  	[spmem:s2] =	stream.indirect.scatter.add.f32 [tilespmem:s9], [sflag:$0x2], $0x30, s20, s7, $0xb8;
	[tilespmem:$0x18800] =	vst v63  }
0xc1: {  	_ =	swait.ge [sflag:s6], $0x6000  }
0xc2: {  	[sflag:s6] =	ssyncset.done $0x0  }
0xc3: {  	[sflag:s6] =	ssyncadd.s32 $0xFFFFA000  }
0xc4: {  	_ =	swait.ge [sflag:s8], $0x6000  }
0xc5: {  	[sflag:s8] =	ssyncset.done $0x0  }
0xc6: {  	[sflag:s8] =	ssyncadd.s32 $0xFFFFA000  }
0xc7: {  	[tilespmem:s9], [sflag:$0x1] =	stream.indirect.gather [hbm4b:s3+s7], $0x30, s17, s7, $0xb8;
	[tilespmem:$0x18800] =	vst v63  }
0xc8: {  	_ = 	snop  }
0xc9: {  	[spmem:s2] =	stream.indirect.scatter.add.f32 [tilespmem:s10], [sflag:$0x2], $0x30, s18, s7, $0xb8;
	[tilespmem:$0x18800] =	vst v63  }
0xca: {  	_ =	swait.ge [sflag:s6], $0x6000  }
0xcb: {  	[sflag:s6] =	ssyncset.done $0x0  }
0xcc: {  	[sflag:s6] =	ssyncadd.s32 $0xFFFFA000  }
0xcd: {  	_ =	swait.ge [sflag:s8], $0x6000  }
0xce: {  	[sflag:s8] =	ssyncset.done $0x0  }
0xcf: {  	[sflag:s8] =	ssyncadd.s32 $0xFFFFA000  }
0xd0: {  	[tilespmem:s10], [sflag:$0x1] =	stream.indirect.gather [hbm4b:s3+s7], $0x30, s15, s7, $0xb8;
	[tilespmem:$0x18800] =	vst v63  }
0xd1: {  	_ = 	snop  }
0xd2: {  	[spmem:s2] =	stream.indirect.scatter.add.f32 [tilespmem:s9], [sflag:$0x2], $0x30, s16, s7, $0xb8;
	[tilespmem:$0x18800] =	vst v63  }
0xd3: {  	_ =	swait.ge [sflag:s6], $0x6000  }
0xd4: {  	[sflag:s6] =	ssyncset.done $0x0  }
0xd5: {  	[sflag:s6] =	ssyncadd.s32 $0xFFFFA000  }
0xd6: {  	_ =	swait.ge [sflag:s8], $0x6000  }
0xd7: {  	[sflag:s8] =	ssyncset.done $0x0  }
0xd8: {  	[sflag:s8] =	ssyncadd.s32 $0xFFFFA000  }
0xd9: {  	[tilespmem:s9], [sflag:$0x1] =	stream.indirect.gather [hbm4b:s3+s7], $0x30, s13, s7, $0xb8;
	[tilespmem:$0x18800] =	vst v63  }
0xda: {  	_ = 	snop  }
0xdb: {  	[spmem:s2] =	stream.indirect.scatter.add.f32 [tilespmem:s10], [sflag:$0x2], $0x30, s14, s7, $0xb8;
	[tilespmem:$0x18800] =	vst v63  }
0xdc: {  	_ =	swait.ge [sflag:s6], $0x6000  }
0xdd: {  	[sflag:s6] =	ssyncset.done $0x0  }
0xde: {  	[sflag:s6] =	ssyncadd.s32 $0xFFFFA000  }
0xdf: {  	_ =	swait.ge [sflag:s8], $0x6000  }
0xe0: {  	[sflag:s8] =	ssyncset.done $0x0  }
0xe1: {  	[sflag:s8] =	ssyncadd.s32 $0xFFFFA000  }
0xe2: {  	[spmem:s2] =	stream.indirect.scatter.add.f32 [tilespmem:s9], [sflag:$0x2], $0x30, s12, s7, $0xb8;
	[tilespmem:$0x18800] =	vst v63  }
0xe3: {  	_ =	swait.ge [sflag:s6], $0x6000  }
0xe4: {  	[sflag:s6] =	ssyncset.done $0x0  }
0xe5: {  	[sflag:s6] =	ssyncadd.s32 $0xFFFFA000  }
0xe6: {  	[bflag:$0x0] =	sbarrier.arrive $0xFFFF  }
0xe7: {  	[hbm:s11], [sflag:s4] =	dma.local [spmem:s5], $0xF00  }
0xe8: {  	s1 =	rddreg [dreg:$0x1b]  }
0xe9: {  	p1 =	sne.s32 s1, $0x1  }
.Ltmp1:
0xea: {  	_ = 	snop;
	(pc) =	sbr.rel @!p1 .LBB2_3-.Ltmp1, $3  }
0xeb: {  	_ =	sdelay $0x1  }
0xec: {  	p0 =	por $0x1, $0x1;
	_ =	swait.ge [sflag:s6], $0xF00  }
0xed: {  	s0 =	sadd.s32 $0xFFFFFFFF, s1;
	s1 =	rddreg [dreg:$0x4];
	[sflag:s6] =	ssyncset.done $0x0  }
.LBB2_2:
0xee: {  	[sflag:s6] =	ssyncadd.s32 $0xFFFFF100  }
0xef: {  	[spmem:s5], [sflag:s4] =	dma.local [hbm:s1], $0xF00  }
0xf0: {  	_ =	swait.ge [sflag:s6], $0xF00  }
0xf1: {  	[sflag:s6] =	ssyncset.done $0x0  }
0xf2: {  	s12 =	rddreg [dreg:$0x5];
	[sflag:s6] =	ssyncadd.s32 $0xFFFFF100  }
0xf3: {  	[tilespmem:s30], [sflag:$0x2] =	stream.linear.gather [hbm4b:s12+s30], $0x2800, $0x38;
	[tilespmem:$0x18800] =	vst v63  }
0xf4: {  	_ =	swait.ge [sflag:s6], $0x2800  }
0xf5: {  	[sflag:s6] =	ssyncset.done $0x0  }
0xf6: {  	s12 =	rddreg [dreg:$0x6];
	[sflag:s6] =	ssyncadd.s32 $0xFFFFD800  }
0xf7: {  	[tilespmem:s31], [sflag:$0x2] =	stream.linear.gather [hbm4b:s12+s30], $0x2800, $0x38;
	[tilespmem:$0x18800] =	vst v63  }
0xf8: {  	_ =	swait.ge [sflag:s6], $0x2800  }
0xf9: {  	[sflag:s6] =	ssyncset.done $0x0  }
0xfa: {  	[sflag:s6] =	ssyncadd.s32 $0xFFFFD800  }
0xfb: {  	[tilespmem:s10], [sflag:$0x1] =	stream.indirect.gather [hbm4b:s3+s7], $0x30, s30, s7, $0xb8;
	[tilespmem:$0x18800] =	vst v63  }
0xfc: {  	[bflag:$0x0] =	sbarrier.arrive $0xFFFF  }
0xfd: {  	_ =	swait.ge [sflag:s8], $0x6000  }
0xfe: {  	[sflag:s8] =	ssyncset.done $0x0  }
0xff: {  	[sflag:s8] =	ssyncadd.s32 $0xFFFFA000  }
0x100: {  	[tilespmem:s9], [sflag:$0x1] =	stream.indirect.gather [hbm4b:s3+s7], $0x30, s7, s7, $0xb8;
	[tilespmem:$0x18800] =	vst v63  }
0x101: {  	_ = 	snop  }
0x102: {  	[spmem:s2] =	stream.indirect.scatter.add.f32 [tilespmem:s10], [sflag:$0x2], $0x30, s31, s7, $0xb8;
	[tilespmem:$0x18800] =	vst v63  }
0x103: {  	_ =	swait.ge [sflag:s6], $0x6000  }
0x104: {  	[sflag:s6] =	ssyncset.done $0x0  }
0x105: {  	[sflag:s6] =	ssyncadd.s32 $0xFFFFA000  }
0x106: {  	_ =	swait.ge [sflag:s8], $0x6000  }
0x107: {  	[sflag:s8] =	ssyncset.done $0x0  }
0x108: {  	s1 =	rddreg [dreg:$0x7];
	[sflag:s8] =	ssyncadd.s32 $0xFFFFA000  }
0x109: {  	[tilespmem:s10], [sflag:$0x1] =	stream.indirect.gather [hbm4b:s3+s7], $0x30, s1, s7, $0xb8;
	[tilespmem:$0x18800] =	vst v63  }
0x10a: {  	s12 =	rddreg [dreg:$0x8]  }
0x10b: {  	[spmem:s2] =	stream.indirect.scatter.add.f32 [tilespmem:s9], [sflag:$0x2], $0x30, s12, s7, $0xb8;
	[tilespmem:$0x18800] =	vst v63  }
0x10c: {  	_ =	swait.ge [sflag:s6], $0x6000  }
0x10d: {  	[sflag:s6] =	ssyncset.done $0x0  }
0x10e: {  	[sflag:s6] =	ssyncadd.s32 $0xFFFFA000  }
0x10f: {  	_ =	swait.ge [sflag:s8], $0x6000  }
0x110: {  	[sflag:s8] =	ssyncset.done $0x0  }
0x111: {  	s1 =	rddreg [dreg:$0x9];
	[sflag:s8] =	ssyncadd.s32 $0xFFFFA000  }
0x112: {  	[tilespmem:s9], [sflag:$0x1] =	stream.indirect.gather [hbm4b:s3+s7], $0x30, s1, s7, $0xb8;
	[tilespmem:$0x18800] =	vst v63  }
0x113: {  	s12 =	rddreg [dreg:$0xa]  }
0x114: {  	[spmem:s2] =	stream.indirect.scatter.add.f32 [tilespmem:s10], [sflag:$0x2], $0x30, s12, s7, $0xb8;
	[tilespmem:$0x18800] =	vst v63  }
0x115: {  	_ =	swait.ge [sflag:s6], $0x6000  }
0x116: {  	[sflag:s6] =	ssyncset.done $0x0  }
0x117: {  	[sflag:s6] =	ssyncadd.s32 $0xFFFFA000  }
0x118: {  	_ =	swait.ge [sflag:s8], $0x6000  }
0x119: {  	[sflag:s8] =	ssyncset.done $0x0  }
0x11a: {  	s1 =	rddreg [dreg:$0xb];
	[sflag:s8] =	ssyncadd.s32 $0xFFFFA000  }
0x11b: {  	[tilespmem:s10], [sflag:$0x1] =	stream.indirect.gather [hbm4b:s3+s7], $0x30, s1, s7, $0xb8;
	[tilespmem:$0x18800] =	vst v63  }
0x11c: {  	s12 =	rddreg [dreg:$0xc]  }
0x11d: {  	[spmem:s2] =	stream.indirect.scatter.add.f32 [tilespmem:s9], [sflag:$0x2], $0x30, s12, s7, $0xb8;
	[tilespmem:$0x18800] =	vst v63  }
0x11e: {  	_ =	swait.ge [sflag:s6], $0x6000  }
0x11f: {  	[sflag:s6] =	ssyncset.done $0x0  }
0x120: {  	[sflag:s6] =	ssyncadd.s32 $0xFFFFA000  }
0x121: {  	_ =	swait.ge [sflag:s8], $0x6000  }
0x122: {  	[sflag:s8] =	ssyncset.done $0x0  }
0x123: {  	s1 =	rddreg [dreg:$0xd];
	[sflag:s8] =	ssyncadd.s32 $0xFFFFA000  }
0x124: {  	[tilespmem:s9], [sflag:$0x1] =	stream.indirect.gather [hbm4b:s3+s7], $0x30, s1, s7, $0xb8;
	[tilespmem:$0x18800] =	vst v63  }
0x125: {  	s12 =	rddreg [dreg:$0xe]  }
0x126: {  	[spmem:s2] =	stream.indirect.scatter.add.f32 [tilespmem:s10], [sflag:$0x2], $0x30, s12, s7, $0xb8;
	[tilespmem:$0x18800] =	vst v63  }
0x127: {  	_ =	swait.ge [sflag:s6], $0x6000  }
0x128: {  	[sflag:s6] =	ssyncset.done $0x0  }
0x129: {  	[sflag:s6] =	ssyncadd.s32 $0xFFFFA000  }
0x12a: {  	_ =	swait.ge [sflag:s8], $0x6000  }
0x12b: {  	[sflag:s8] =	ssyncset.done $0x0  }
0x12c: {  	s1 =	rddreg [dreg:$0xf];
	[sflag:s8] =	ssyncadd.s32 $0xFFFFA000  }
0x12d: {  	[tilespmem:s10], [sflag:$0x1] =	stream.indirect.gather [hbm4b:s3+s7], $0x30, s1, s7, $0xb8;
	[tilespmem:$0x18800] =	vst v63  }
0x12e: {  	s12 =	rddreg [dreg:$0x10]  }
0x12f: {  	[spmem:s2] =	stream.indirect.scatter.add.f32 [tilespmem:s9], [sflag:$0x2], $0x30, s12, s7, $0xb8;
	[tilespmem:$0x18800] =	vst v63  }
0x130: {  	_ =	swait.ge [sflag:s6], $0x6000  }
0x131: {  	[sflag:s6] =	ssyncset.done $0x0  }
0x132: {  	[sflag:s6] =	ssyncadd.s32 $0xFFFFA000  }
0x133: {  	_ =	swait.ge [sflag:s8], $0x6000  }
0x134: {  	[sflag:s8] =	ssyncset.done $0x0  }
0x135: {  	s1 =	rddreg [dreg:$0x11];
	[sflag:s8] =	ssyncadd.s32 $0xFFFFA000  }
0x136: {  	[tilespmem:s9], [sflag:$0x1] =	stream.indirect.gather [hbm4b:s3+s7], $0x30, s1, s7, $0xb8;
	[tilespmem:$0x18800] =	vst v63  }
0x137: {  	s12 =	rddreg [dreg:$0x12]  }
0x138: {  	[spmem:s2] =	stream.indirect.scatter.add.f32 [tilespmem:s10], [sflag:$0x2], $0x30, s12, s7, $0xb8;
	[tilespmem:$0x18800] =	vst v63  }
0x139: {  	_ =	swait.ge [sflag:s6], $0x6000  }
0x13a: {  	[sflag:s6] =	ssyncset.done $0x0  }
0x13b: {  	[sflag:s6] =	ssyncadd.s32 $0xFFFFA000  }
0x13c: {  	_ =	swait.ge [sflag:s8], $0x6000  }
0x13d: {  	[sflag:s8] =	ssyncset.done $0x0  }
0x13e: {  	s1 =	rddreg [dreg:$0x13];
	[sflag:s8] =	ssyncadd.s32 $0xFFFFA000  }
0x13f: {  	[tilespmem:s10], [sflag:$0x1] =	stream.indirect.gather [hbm4b:s3+s7], $0x30, s1, s7, $0xb8;
	[tilespmem:$0x18800] =	vst v63  }
0x140: {  	s12 =	rddreg [dreg:$0x14]  }
0x141: {  	[spmem:s2] =	stream.indirect.scatter.add.f32 [tilespmem:s9], [sflag:$0x2], $0x30, s12, s7, $0xb8;
	[tilespmem:$0x18800] =	vst v63  }
0x142: {  	_ =	swait.ge [sflag:s6], $0x6000  }
0x143: {  	[sflag:s6] =	ssyncset.done $0x0  }
0x144: {  	[sflag:s6] =	ssyncadd.s32 $0xFFFFA000  }
0x145: {  	_ =	swait.ge [sflag:s8], $0x6000  }
0x146: {  	[sflag:s8] =	ssyncset.done $0x0  }
0x147: {  	s1 =	rddreg [dreg:$0x15];
	[sflag:s8] =	ssyncadd.s32 $0xFFFFA000  }
0x148: {  	[tilespmem:s9], [sflag:$0x1] =	stream.indirect.gather [hbm4b:s3+s7], $0x30, s1, s7, $0xb8;
	[tilespmem:$0x18800] =	vst v63  }
0x149: {  	s12 =	rddreg [dreg:$0x16]  }
0x14a: {  	[spmem:s2] =	stream.indirect.scatter.add.f32 [tilespmem:s10], [sflag:$0x2], $0x30, s12, s7, $0xb8;
	[tilespmem:$0x18800] =	vst v63  }
0x14b: {  	_ =	swait.ge [sflag:s6], $0x6000  }
0x14c: {  	[sflag:s6] =	ssyncset.done $0x0  }
0x14d: {  	[sflag:s6] =	ssyncadd.s32 $0xFFFFA000  }
0x14e: {  	_ =	swait.ge [sflag:s8], $0x6000  }
0x14f: {  	[sflag:s8] =	ssyncset.done $0x0  }
0x150: {  	s1 =	rddreg [dreg:$0x17];
	[sflag:s8] =	ssyncadd.s32 $0xFFFFA000  }
0x151: {  	[tilespmem:s10], [sflag:$0x1] =	stream.indirect.gather [hbm4b:s3+s7], $0x30, s1, s7, $0xb8;
	[tilespmem:$0x18800] =	vst v63  }
0x152: {  	s12 =	rddreg [dreg:$0x18]  }
0x153: {  	[spmem:s2] =	stream.indirect.scatter.add.f32 [tilespmem:s9], [sflag:$0x2], $0x30, s12, s7, $0xb8;
	[tilespmem:$0x18800] =	vst v63  }
0x154: {  	_ =	swait.ge [sflag:s6], $0x6000  }
0x155: {  	[sflag:s6] =	ssyncset.done $0x0  }
0x156: {  	[sflag:s6] =	ssyncadd.s32 $0xFFFFA000  }
0x157: {  	_ =	swait.ge [sflag:s8], $0x6000  }
0x158: {  	[sflag:s8] =	ssyncset.done $0x0  }
0x159: {  	s1 =	rddreg [dreg:$0x19];
	[sflag:s8] =	ssyncadd.s32 $0xFFFFA000  }
0x15a: {  	[tilespmem:s9], [sflag:$0x1] =	stream.indirect.gather [hbm4b:s3+s7], $0x30, s1, s7, $0xb8;
	[tilespmem:$0x18800] =	vst v63  }
0x15b: {  	s12 =	rddreg [dreg:$0x1a]  }
0x15c: {  	[spmem:s2] =	stream.indirect.scatter.add.f32 [tilespmem:s10], [sflag:$0x2], $0x30, s12, s7, $0xb8;
	[tilespmem:$0x18800] =	vst v63  }
0x15d: {  	_ =	swait.ge [sflag:s6], $0x6000  }
0x15e: {  	[sflag:s6] =	ssyncset.done $0x0  }
0x15f: {  	[sflag:s6] =	ssyncadd.s32 $0xFFFFA000  }
0x160: {  	_ =	swait.ge [sflag:s8], $0x6000  }
0x161: {  	[sflag:s8] =	ssyncset.done $0x0  }
0x162: {  	[sflag:s8] =	ssyncadd.s32 $0xFFFFA000  }
0x163: {  	[tilespmem:s10], [sflag:$0x1] =	stream.indirect.gather [hbm4b:s3+s7], $0x30, s28, s7, $0xb8;
	[tilespmem:$0x18800] =	vst v63  }
0x164: {  	_ = 	snop  }
0x165: {  	[spmem:s2] =	stream.indirect.scatter.add.f32 [tilespmem:s9], [sflag:$0x2], $0x30, s29, s7, $0xb8;
	[tilespmem:$0x18800] =	vst v63  }
0x166: {  	_ =	swait.ge [sflag:s6], $0x6000  }
0x167: {  	[sflag:s6] =	ssyncset.done $0x0  }
0x168: {  	[sflag:s6] =	ssyncadd.s32 $0xFFFFA000  }
0x169: {  	_ =	swait.ge [sflag:s8], $0x6000  }
0x16a: {  	[sflag:s8] =	ssyncset.done $0x0  }
0x16b: {  	[sflag:s8] =	ssyncadd.s32 $0xFFFFA000  }
0x16c: {  	[tilespmem:s9], [sflag:$0x1] =	stream.indirect.gather [hbm4b:s3+s7], $0x30, s25, s7, $0xb8;
	[tilespmem:$0x18800] =	vst v63  }
0x16d: {  	_ = 	snop  }
0x16e: {  	[spmem:s2] =	stream.indirect.scatter.add.f32 [tilespmem:s10], [sflag:$0x2], $0x30, s26, s7, $0xb8;
	[tilespmem:$0x18800] =	vst v63  }
0x16f: {  	_ =	swait.ge [sflag:s6], $0x6000  }
0x170: {  	[sflag:s6] =	ssyncset.done $0x0  }
0x171: {  	[sflag:s6] =	ssyncadd.s32 $0xFFFFA000  }
0x172: {  	_ =	swait.ge [sflag:s8], $0x6000  }
0x173: {  	[sflag:s8] =	ssyncset.done $0x0  }
0x174: {  	[sflag:s8] =	ssyncadd.s32 $0xFFFFA000  }
0x175: {  	[tilespmem:s10], [sflag:$0x1] =	stream.indirect.gather [hbm4b:s3+s7], $0x30, s23, s7, $0xb8;
	[tilespmem:$0x18800] =	vst v63  }
0x176: {  	_ = 	snop  }
0x177: {  	[spmem:s2] =	stream.indirect.scatter.add.f32 [tilespmem:s9], [sflag:$0x2], $0x30, s24, s7, $0xb8;
	[tilespmem:$0x18800] =	vst v63  }
0x178: {  	_ =	swait.ge [sflag:s6], $0x6000  }
0x179: {  	[sflag:s6] =	ssyncset.done $0x0  }
0x17a: {  	[sflag:s6] =	ssyncadd.s32 $0xFFFFA000  }
0x17b: {  	_ =	swait.ge [sflag:s8], $0x6000  }
0x17c: {  	[sflag:s8] =	ssyncset.done $0x0  }
0x17d: {  	[sflag:s8] =	ssyncadd.s32 $0xFFFFA000  }
0x17e: {  	[tilespmem:s9], [sflag:$0x1] =	stream.indirect.gather [hbm4b:s3+s7], $0x30, s21, s7, $0xb8;
	[tilespmem:$0x18800] =	vst v63  }
0x17f: {  	_ = 	snop  }
0x180: {  	[spmem:s2] =	stream.indirect.scatter.add.f32 [tilespmem:s10], [sflag:$0x2], $0x30, s22, s7, $0xb8;
	[tilespmem:$0x18800] =	vst v63  }
0x181: {  	_ =	swait.ge [sflag:s6], $0x6000  }
0x182: {  	[sflag:s6] =	ssyncset.done $0x0  }
0x183: {  	[sflag:s6] =	ssyncadd.s32 $0xFFFFA000  }
0x184: {  	_ =	swait.ge [sflag:s8], $0x6000  }
0x185: {  	[sflag:s8] =	ssyncset.done $0x0  }
0x186: {  	[sflag:s8] =	ssyncadd.s32 $0xFFFFA000  }
0x187: {  	[tilespmem:s10], [sflag:$0x1] =	stream.indirect.gather [hbm4b:s3+s7], $0x30, s19, s7, $0xb8;
	[tilespmem:$0x18800] =	vst v63  }
0x188: {  	_ = 	snop  }
0x189: {  	[spmem:s2] =	stream.indirect.scatter.add.f32 [tilespmem:s9], [sflag:$0x2], $0x30, s20, s7, $0xb8;
	[tilespmem:$0x18800] =	vst v63  }
0x18a: {  	_ =	swait.ge [sflag:s6], $0x6000  }
0x18b: {  	[sflag:s6] =	ssyncset.done $0x0  }
0x18c: {  	[sflag:s6] =	ssyncadd.s32 $0xFFFFA000  }
0x18d: {  	_ =	swait.ge [sflag:s8], $0x6000  }
0x18e: {  	[sflag:s8] =	ssyncset.done $0x0  }
0x18f: {  	[sflag:s8] =	ssyncadd.s32 $0xFFFFA000  }
0x190: {  	[tilespmem:s9], [sflag:$0x1] =	stream.indirect.gather [hbm4b:s3+s7], $0x30, s17, s7, $0xb8;
	[tilespmem:$0x18800] =	vst v63  }
0x191: {  	_ = 	snop  }
0x192: {  	[spmem:s2] =	stream.indirect.scatter.add.f32 [tilespmem:s10], [sflag:$0x2], $0x30, s18, s7, $0xb8;
	[tilespmem:$0x18800] =	vst v63  }
0x193: {  	_ =	swait.ge [sflag:s6], $0x6000  }
0x194: {  	[sflag:s6] =	ssyncset.done $0x0  }
0x195: {  	[sflag:s6] =	ssyncadd.s32 $0xFFFFA000  }
0x196: {  	_ =	swait.ge [sflag:s8], $0x6000  }
0x197: {  	[sflag:s8] =	ssyncset.done $0x0  }
0x198: {  	[sflag:s8] =	ssyncadd.s32 $0xFFFFA000  }
0x199: {  	[tilespmem:s10], [sflag:$0x1] =	stream.indirect.gather [hbm4b:s3+s7], $0x30, s15, s7, $0xb8;
	[tilespmem:$0x18800] =	vst v63  }
0x19a: {  	_ = 	snop  }
0x19b: {  	[spmem:s2] =	stream.indirect.scatter.add.f32 [tilespmem:s9], [sflag:$0x2], $0x30, s16, s7, $0xb8;
	[tilespmem:$0x18800] =	vst v63  }
0x19c: {  	_ =	swait.ge [sflag:s6], $0x6000  }
0x19d: {  	[sflag:s6] =	ssyncset.done $0x0  }
0x19e: {  	[sflag:s6] =	ssyncadd.s32 $0xFFFFA000  }
0x19f: {  	_ =	swait.ge [sflag:s8], $0x6000  }
0x1a0: {  	[sflag:s8] =	ssyncset.done $0x0  }
0x1a1: {  	[sflag:s8] =	ssyncadd.s32 $0xFFFFA000  }
0x1a2: {  	[tilespmem:s9], [sflag:$0x1] =	stream.indirect.gather [hbm4b:s3+s7], $0x30, s13, s7, $0xb8;
	[tilespmem:$0x18800] =	vst v63  }
0x1a3: {  	_ = 	snop  }
0x1a4: {  	[spmem:s2] =	stream.indirect.scatter.add.f32 [tilespmem:s10], [sflag:$0x2], $0x30, s14, s7, $0xb8;
	[tilespmem:$0x18800] =	vst v63  }
0x1a5: {  	_ =	swait.ge [sflag:s6], $0x6000  }
0x1a6: {  	[sflag:s6] =	ssyncset.done $0x0  }
0x1a7: {  	[sflag:s6] =	ssyncadd.s32 $0xFFFFA000  }
0x1a8: {  	_ =	swait.ge [sflag:s8], $0x6000  }
0x1a9: {  	[sflag:s8] =	ssyncset.done $0x0  }
0x1aa: {  	s12 =	simm.s32 $0x4E00;
	[sflag:s8] =	ssyncadd.s32 $0xFFFFA000  }
0x1ab: {  	[spmem:s2] =	stream.indirect.scatter.add.f32 [tilespmem:s9], [sflag:$0x2], $0x30, s12, s7, $0xb8;
	[tilespmem:$0x18800] =	vst v63  }
0x1ac: {  	_ =	swait.ge [sflag:s6], $0x6000  }
0x1ad: {  	p1 =	sne.s32 s0, $0x1;
	[sflag:s6] =	ssyncset.done $0x0  }
.Ltmp2:
0x1ae: {  	[sflag:s6] =	ssyncadd.s32 $0xFFFFA000;
	(pc) =	sbr.rel @p1 .LBB2_2-.Ltmp2, $4  }
0x1af: {  	[bflag:$0x0] =	sbarrier.arrive $0xFFFF  }
0x1b0: {  	[hbm:s11], [sflag:s4] =	dma.local [spmem:s5], $0xF00  }
0x1b1: {  	_ =	swait.ge [sflag:s6], $0xF00  }
0x1b2: {  	s0 =	sadd.s32 $0xFFFFFFFF, s0;
	s1 =	rddreg [dreg:$0x4];
	[sflag:s6] =	ssyncset.done $0x0  }
.LBB2_3:
0x1b3: {  	[sflag:s6] =	ssyncadd.s32 @p0 $0xFFFFF100  }
0x1b4: {  	[spmem:s5], [sflag:s4] =	dma.local [hbm:s1], $0xF00  }
0x1b5: {  	_ =	swait.ge [sflag:s6], $0xF00  }
0x1b6: {  	[sflag:s6] =	ssyncset.done $0x0  }
0x1b7: {  	s0 =	rddreg [dreg:$0x5];
	[sflag:s6] =	ssyncadd.s32 $0xFFFFF100  }
0x1b8: {  	[tilespmem:s30], [sflag:$0x2] =	stream.linear.gather [hbm4b:s0+s30], $0x2800, $0x38;
	[tilespmem:$0x18800] =	vst v63  }
0x1b9: {  	_ =	swait.ge [sflag:s6], $0x2800  }
0x1ba: {  	[sflag:s6] =	ssyncset.done $0x0  }
0x1bb: {  	s1 =	rddreg [dreg:$0x6];
	[sflag:s6] =	ssyncadd.s32 $0xFFFFD800  }
0x1bc: {  	[tilespmem:s31], [sflag:$0x2] =	stream.linear.gather [hbm4b:s1+s30], $0x2800, $0x38;
	[tilespmem:$0x18800] =	vst v63  }
0x1bd: {  	_ =	swait.ge [sflag:s6], $0x2800  }
0x1be: {  	[sflag:s6] =	ssyncset.done $0x0  }
0x1bf: {  	[sflag:s6] =	ssyncadd.s32 $0xFFFFD800  }
0x1c0: {  	[tilespmem:s10], [sflag:$0x1] =	stream.indirect.gather [hbm4b:s3+s7], $0x30, s30, s7, $0xb8;
	[tilespmem:$0x18800] =	vst v63  }
0x1c1: {  	[bflag:$0x0] =	sbarrier.arrive $0xFFFF  }
0x1c2: {  	_ =	swait.ge [sflag:s8], $0x6000  }
0x1c3: {  	[sflag:s8] =	ssyncset.done $0x0  }
0x1c4: {  	[sflag:s8] =	ssyncadd.s32 $0xFFFFA000  }
0x1c5: {  	[tilespmem:s9], [sflag:$0x1] =	stream.indirect.gather [hbm4b:s3+s7], $0x30, s7, s7, $0xb8;
	[tilespmem:$0x18800] =	vst v63  }
0x1c6: {  	_ = 	snop  }
0x1c7: {  	[spmem:s2] =	stream.indirect.scatter.add.f32 [tilespmem:s10], [sflag:$0x2], $0x30, s31, s7, $0xb8;
	[tilespmem:$0x18800] =	vst v63  }
0x1c8: {  	_ =	swait.ge [sflag:s6], $0x6000  }
0x1c9: {  	[sflag:s6] =	ssyncset.done $0x0  }
0x1ca: {  	[sflag:s6] =	ssyncadd.s32 $0xFFFFA000  }
0x1cb: {  	_ =	swait.ge [sflag:s8], $0x6000  }
0x1cc: {  	[sflag:s8] =	ssyncset.done $0x0  }
0x1cd: {  	s30 =	rddreg [dreg:$0x7];
	[sflag:s8] =	ssyncadd.s32 $0xFFFFA000  }
0x1ce: {  	[tilespmem:s10], [sflag:$0x1] =	stream.indirect.gather [hbm4b:s3+s7], $0x30, s30, s7, $0xb8;
	[tilespmem:$0x18800] =	vst v63  }
0x1cf: {  	s31 =	rddreg [dreg:$0x8]  }
0x1d0: {  	[spmem:s2] =	stream.indirect.scatter.add.f32 [tilespmem:s9], [sflag:$0x2], $0x30, s31, s7, $0xb8;
	[tilespmem:$0x18800] =	vst v63  }
0x1d1: {  	_ =	swait.ge [sflag:s6], $0x6000  }
0x1d2: {  	[sflag:s6] =	ssyncset.done $0x0  }
0x1d3: {  	[sflag:s6] =	ssyncadd.s32 $0xFFFFA000  }
0x1d4: {  	_ =	swait.ge [sflag:s8], $0x6000  }
0x1d5: {  	[sflag:s8] =	ssyncset.done $0x0  }
0x1d6: {  	s30 =	rddreg [dreg:$0x9];
	[sflag:s8] =	ssyncadd.s32 $0xFFFFA000  }
0x1d7: {  	[tilespmem:s9], [sflag:$0x1] =	stream.indirect.gather [hbm4b:s3+s7], $0x30, s30, s7, $0xb8;
	[tilespmem:$0x18800] =	vst v63  }
0x1d8: {  	s31 =	rddreg [dreg:$0xa]  }
0x1d9: {  	[spmem:s2] =	stream.indirect.scatter.add.f32 [tilespmem:s10], [sflag:$0x2], $0x30, s31, s7, $0xb8;
	[tilespmem:$0x18800] =	vst v63  }
0x1da: {  	_ =	swait.ge [sflag:s6], $0x6000  }
0x1db: {  	[sflag:s6] =	ssyncset.done $0x0  }
0x1dc: {  	[sflag:s6] =	ssyncadd.s32 $0xFFFFA000  }
0x1dd: {  	_ =	swait.ge [sflag:s8], $0x6000  }
0x1de: {  	[sflag:s8] =	ssyncset.done $0x0  }
0x1df: {  	s30 =	rddreg [dreg:$0xb];
	[sflag:s8] =	ssyncadd.s32 $0xFFFFA000  }
0x1e0: {  	[tilespmem:s10], [sflag:$0x1] =	stream.indirect.gather [hbm4b:s3+s7], $0x30, s30, s7, $0xb8;
	[tilespmem:$0x18800] =	vst v63  }
0x1e1: {  	s31 =	rddreg [dreg:$0xc]  }
0x1e2: {  	[spmem:s2] =	stream.indirect.scatter.add.f32 [tilespmem:s9], [sflag:$0x2], $0x30, s31, s7, $0xb8;
	[tilespmem:$0x18800] =	vst v63  }
0x1e3: {  	_ =	swait.ge [sflag:s6], $0x6000  }
0x1e4: {  	[sflag:s6] =	ssyncset.done $0x0  }
0x1e5: {  	[sflag:s6] =	ssyncadd.s32 $0xFFFFA000  }
0x1e6: {  	_ =	swait.ge [sflag:s8], $0x6000  }
0x1e7: {  	[sflag:s8] =	ssyncset.done $0x0  }
0x1e8: {  	s30 =	rddreg [dreg:$0xd];
	[sflag:s8] =	ssyncadd.s32 $0xFFFFA000  }
0x1e9: {  	[tilespmem:s9], [sflag:$0x1] =	stream.indirect.gather [hbm4b:s3+s7], $0x30, s30, s7, $0xb8;
	[tilespmem:$0x18800] =	vst v63  }
0x1ea: {  	s31 =	rddreg [dreg:$0xe]  }
0x1eb: {  	[spmem:s2] =	stream.indirect.scatter.add.f32 [tilespmem:s10], [sflag:$0x2], $0x30, s31, s7, $0xb8;
	[tilespmem:$0x18800] =	vst v63  }
0x1ec: {  	_ =	swait.ge [sflag:s6], $0x6000  }
0x1ed: {  	[sflag:s6] =	ssyncset.done $0x0  }
0x1ee: {  	[sflag:s6] =	ssyncadd.s32 $0xFFFFA000  }
0x1ef: {  	_ =	swait.ge [sflag:s8], $0x6000  }
0x1f0: {  	[sflag:s8] =	ssyncset.done $0x0  }
0x1f1: {  	s30 =	rddreg [dreg:$0xf];
	[sflag:s8] =	ssyncadd.s32 $0xFFFFA000  }
0x1f2: {  	[tilespmem:s10], [sflag:$0x1] =	stream.indirect.gather [hbm4b:s3+s7], $0x30, s30, s7, $0xb8;
	[tilespmem:$0x18800] =	vst v63  }
0x1f3: {  	s31 =	rddreg [dreg:$0x10]  }
0x1f4: {  	[spmem:s2] =	stream.indirect.scatter.add.f32 [tilespmem:s9], [sflag:$0x2], $0x30, s31, s7, $0xb8;
	[tilespmem:$0x18800] =	vst v63  }
0x1f5: {  	_ =	swait.ge [sflag:s6], $0x6000  }
0x1f6: {  	[sflag:s6] =	ssyncset.done $0x0  }
0x1f7: {  	[sflag:s6] =	ssyncadd.s32 $0xFFFFA000  }
0x1f8: {  	_ =	swait.ge [sflag:s8], $0x6000  }
0x1f9: {  	[sflag:s8] =	ssyncset.done $0x0  }
0x1fa: {  	s30 =	rddreg [dreg:$0x11];
	[sflag:s8] =	ssyncadd.s32 $0xFFFFA000  }
0x1fb: {  	[tilespmem:s9], [sflag:$0x1] =	stream.indirect.gather [hbm4b:s3+s7], $0x30, s30, s7, $0xb8;
	[tilespmem:$0x18800] =	vst v63  }
0x1fc: {  	s31 =	rddreg [dreg:$0x12]  }
0x1fd: {  	[spmem:s2] =	stream.indirect.scatter.add.f32 [tilespmem:s10], [sflag:$0x2], $0x30, s31, s7, $0xb8;
	[tilespmem:$0x18800] =	vst v63  }
0x1fe: {  	_ =	swait.ge [sflag:s6], $0x6000  }
0x1ff: {  	[sflag:s6] =	ssyncset.done $0x0  }
0x200: {  	[sflag:s6] =	ssyncadd.s32 $0xFFFFA000  }
0x201: {  	_ =	swait.ge [sflag:s8], $0x6000  }
0x202: {  	[sflag:s8] =	ssyncset.done $0x0  }
0x203: {  	s30 =	rddreg [dreg:$0x13];
	[sflag:s8] =	ssyncadd.s32 $0xFFFFA000  }
0x204: {  	[tilespmem:s10], [sflag:$0x1] =	stream.indirect.gather [hbm4b:s3+s7], $0x30, s30, s7, $0xb8;
	[tilespmem:$0x18800] =	vst v63  }
0x205: {  	s31 =	rddreg [dreg:$0x14]  }
0x206: {  	[spmem:s2] =	stream.indirect.scatter.add.f32 [tilespmem:s9], [sflag:$0x2], $0x30, s31, s7, $0xb8;
	[tilespmem:$0x18800] =	vst v63  }
0x207: {  	_ =	swait.ge [sflag:s6], $0x6000  }
0x208: {  	[sflag:s6] =	ssyncset.done $0x0  }
0x209: {  	[sflag:s6] =	ssyncadd.s32 $0xFFFFA000  }
0x20a: {  	_ =	swait.ge [sflag:s8], $0x6000  }
0x20b: {  	[sflag:s8] =	ssyncset.done $0x0  }
0x20c: {  	s30 =	rddreg [dreg:$0x15];
	[sflag:s8] =	ssyncadd.s32 $0xFFFFA000  }
0x20d: {  	[tilespmem:s9], [sflag:$0x1] =	stream.indirect.gather [hbm4b:s3+s7], $0x30, s30, s7, $0xb8;
	[tilespmem:$0x18800] =	vst v63  }
0x20e: {  	s31 =	rddreg [dreg:$0x16]  }
0x20f: {  	[spmem:s2] =	stream.indirect.scatter.add.f32 [tilespmem:s10], [sflag:$0x2], $0x30, s31, s7, $0xb8;
	[tilespmem:$0x18800] =	vst v63  }
0x210: {  	_ =	swait.ge [sflag:s6], $0x6000  }
0x211: {  	[sflag:s6] =	ssyncset.done $0x0  }
0x212: {  	[sflag:s6] =	ssyncadd.s32 $0xFFFFA000  }
0x213: {  	_ =	swait.ge [sflag:s8], $0x6000  }
0x214: {  	[sflag:s8] =	ssyncset.done $0x0  }
0x215: {  	s30 =	rddreg [dreg:$0x17];
	[sflag:s8] =	ssyncadd.s32 $0xFFFFA000  }
0x216: {  	[tilespmem:s10], [sflag:$0x1] =	stream.indirect.gather [hbm4b:s3+s7], $0x30, s30, s7, $0xb8;
	[tilespmem:$0x18800] =	vst v63  }
0x217: {  	s31 =	rddreg [dreg:$0x18]  }
0x218: {  	[spmem:s2] =	stream.indirect.scatter.add.f32 [tilespmem:s9], [sflag:$0x2], $0x30, s31, s7, $0xb8;
	[tilespmem:$0x18800] =	vst v63  }
0x219: {  	_ =	swait.ge [sflag:s6], $0x6000  }
0x21a: {  	[sflag:s6] =	ssyncset.done $0x0  }
0x21b: {  	[sflag:s6] =	ssyncadd.s32 $0xFFFFA000  }
0x21c: {  	_ =	swait.ge [sflag:s8], $0x6000  }
0x21d: {  	[sflag:s8] =	ssyncset.done $0x0  }
0x21e: {  	s1 =	rddreg [dreg:$0x19];
	[sflag:s8] =	ssyncadd.s32 $0xFFFFA000  }
0x21f: {  	[tilespmem:s9], [sflag:$0x1] =	stream.indirect.gather [hbm4b:s3+s7], $0x30, s1, s7, $0xb8;
	[tilespmem:$0x18800] =	vst v63  }
0x220: {  	s30 =	rddreg [dreg:$0x1a]  }
0x221: {  	[spmem:s2] =	stream.indirect.scatter.add.f32 [tilespmem:s10], [sflag:$0x2], $0x30, s30, s7, $0xb8;
	[tilespmem:$0x18800] =	vst v63  }
0x222: {  	_ =	swait.ge [sflag:s6], $0x6000  }
0x223: {  	[sflag:s6] =	ssyncset.done $0x0  }
0x224: {  	[sflag:s6] =	ssyncadd.s32 $0xFFFFA000  }
0x225: {  	_ =	swait.ge [sflag:s8], $0x6000  }
0x226: {  	[sflag:s8] =	ssyncset.done $0x0  }
0x227: {  	[sflag:s8] =	ssyncadd.s32 $0xFFFFA000  }
0x228: {  	[tilespmem:s10], [sflag:$0x1] =	stream.indirect.gather [hbm4b:s3+s7], $0x30, s28, s7, $0xb8;
	[tilespmem:$0x18800] =	vst v63  }
0x229: {  	_ = 	snop  }
0x22a: {  	[spmem:s2] =	stream.indirect.scatter.add.f32 [tilespmem:s9], [sflag:$0x2], $0x30, s29, s7, $0xb8;
	[tilespmem:$0x18800] =	vst v63  }
0x22b: {  	_ =	swait.ge [sflag:s6], $0x6000  }
0x22c: {  	[sflag:s6] =	ssyncset.done $0x0  }
0x22d: {  	[sflag:s6] =	ssyncadd.s32 $0xFFFFA000  }
0x22e: {  	_ =	swait.ge [sflag:s8], $0x6000  }
0x22f: {  	[sflag:s8] =	ssyncset.done $0x0  }
0x230: {  	[sflag:s8] =	ssyncadd.s32 $0xFFFFA000  }
0x231: {  	[tilespmem:s9], [sflag:$0x1] =	stream.indirect.gather [hbm4b:s3+s7], $0x30, s25, s7, $0xb8;
	[tilespmem:$0x18800] =	vst v63  }
0x232: {  	_ = 	snop  }
0x233: {  	[spmem:s2] =	stream.indirect.scatter.add.f32 [tilespmem:s10], [sflag:$0x2], $0x30, s26, s7, $0xb8;
	[tilespmem:$0x18800] =	vst v63  }
0x234: {  	_ =	swait.ge [sflag:s6], $0x6000  }
0x235: {  	[sflag:s6] =	ssyncset.done $0x0  }
0x236: {  	[sflag:s6] =	ssyncadd.s32 $0xFFFFA000  }
0x237: {  	_ =	swait.ge [sflag:s8], $0x6000  }
0x238: {  	[sflag:s8] =	ssyncset.done $0x0  }
0x239: {  	[sflag:s8] =	ssyncadd.s32 $0xFFFFA000  }
0x23a: {  	[tilespmem:s10], [sflag:$0x1] =	stream.indirect.gather [hbm4b:s3+s7], $0x30, s23, s7, $0xb8;
	[tilespmem:$0x18800] =	vst v63  }
0x23b: {  	_ = 	snop  }
0x23c: {  	[spmem:s2] =	stream.indirect.scatter.add.f32 [tilespmem:s9], [sflag:$0x2], $0x30, s24, s7, $0xb8;
	[tilespmem:$0x18800] =	vst v63  }
0x23d: {  	_ =	swait.ge [sflag:s6], $0x6000  }
0x23e: {  	[sflag:s6] =	ssyncset.done $0x0  }
0x23f: {  	[sflag:s6] =	ssyncadd.s32 $0xFFFFA000  }
0x240: {  	_ =	swait.ge [sflag:s8], $0x6000  }
0x241: {  	[sflag:s8] =	ssyncset.done $0x0  }
0x242: {  	[sflag:s8] =	ssyncadd.s32 $0xFFFFA000  }
0x243: {  	[tilespmem:s9], [sflag:$0x1] =	stream.indirect.gather [hbm4b:s3+s7], $0x30, s21, s7, $0xb8;
	[tilespmem:$0x18800] =	vst v63  }
0x244: {  	_ = 	snop  }
0x245: {  	[spmem:s2] =	stream.indirect.scatter.add.f32 [tilespmem:s10], [sflag:$0x2], $0x30, s22, s7, $0xb8;
	[tilespmem:$0x18800] =	vst v63  }
0x246: {  	_ =	swait.ge [sflag:s6], $0x6000  }
0x247: {  	[sflag:s6] =	ssyncset.done $0x0  }
0x248: {  	[sflag:s6] =	ssyncadd.s32 $0xFFFFA000  }
0x249: {  	_ =	swait.ge [sflag:s8], $0x6000  }
0x24a: {  	[sflag:s8] =	ssyncset.done $0x0  }
0x24b: {  	[sflag:s8] =	ssyncadd.s32 $0xFFFFA000  }
0x24c: {  	[tilespmem:s10], [sflag:$0x1] =	stream.indirect.gather [hbm4b:s3+s7], $0x30, s19, s7, $0xb8;
	[tilespmem:$0x18800] =	vst v63  }
0x24d: {  	_ = 	snop  }
0x24e: {  	[spmem:s2] =	stream.indirect.scatter.add.f32 [tilespmem:s9], [sflag:$0x2], $0x30, s20, s7, $0xb8;
	[tilespmem:$0x18800] =	vst v63  }
0x24f: {  	_ =	swait.ge [sflag:s6], $0x6000  }
0x250: {  	[sflag:s6] =	ssyncset.done $0x0  }
0x251: {  	[sflag:s6] =	ssyncadd.s32 $0xFFFFA000  }
0x252: {  	_ =	swait.ge [sflag:s8], $0x6000  }
0x253: {  	[sflag:s8] =	ssyncset.done $0x0  }
0x254: {  	[sflag:s8] =	ssyncadd.s32 $0xFFFFA000  }
0x255: {  	[tilespmem:s9], [sflag:$0x1] =	stream.indirect.gather [hbm4b:s3+s7], $0x30, s17, s7, $0xb8;
	[tilespmem:$0x18800] =	vst v63  }
0x256: {  	_ = 	snop  }
0x257: {  	[spmem:s2] =	stream.indirect.scatter.add.f32 [tilespmem:s10], [sflag:$0x2], $0x30, s18, s7, $0xb8;
	[tilespmem:$0x18800] =	vst v63  }
0x258: {  	_ =	swait.ge [sflag:s6], $0x6000  }
0x259: {  	[sflag:s6] =	ssyncset.done $0x0  }
0x25a: {  	[sflag:s6] =	ssyncadd.s32 $0xFFFFA000  }
0x25b: {  	_ =	swait.ge [sflag:s8], $0x6000  }
0x25c: {  	[sflag:s8] =	ssyncset.done $0x0  }
0x25d: {  	[sflag:s8] =	ssyncadd.s32 $0xFFFFA000  }
0x25e: {  	[tilespmem:s10], [sflag:$0x1] =	stream.indirect.gather [hbm4b:s3+s7], $0x30, s15, s7, $0xb8;
	[tilespmem:$0x18800] =	vst v63  }
0x25f: {  	_ = 	snop  }
0x260: {  	[spmem:s2] =	stream.indirect.scatter.add.f32 [tilespmem:s9], [sflag:$0x2], $0x30, s16, s7, $0xb8;
	[tilespmem:$0x18800] =	vst v63  }
0x261: {  	_ =	swait.ge [sflag:s6], $0x6000  }
0x262: {  	[sflag:s6] =	ssyncset.done $0x0  }
0x263: {  	[sflag:s6] =	ssyncadd.s32 $0xFFFFA000  }
0x264: {  	_ =	swait.ge [sflag:s8], $0x6000  }
0x265: {  	[sflag:s8] =	ssyncset.done $0x0  }
0x266: {  	[sflag:s8] =	ssyncadd.s32 $0xFFFFA000  }
0x267: {  	[tilespmem:s9], [sflag:$0x1] =	stream.indirect.gather [hbm4b:s3+s7], $0x30, s13, s7, $0xb8;
	[tilespmem:$0x18800] =	vst v63  }
0x268: {  	_ = 	snop  }
0x269: {  	[spmem:s2] =	stream.indirect.scatter.add.f32 [tilespmem:s10], [sflag:$0x2], $0x30, s14, s7, $0xb8;
	[tilespmem:$0x18800] =	vst v63  }
0x26a: {  	_ =	swait.ge [sflag:s6], $0x6000  }
0x26b: {  	[sflag:s6] =	ssyncset.done $0x0  }
0x26c: {  	[sflag:s6] =	ssyncadd.s32 $0xFFFFA000  }
0x26d: {  	_ =	swait.ge [sflag:s8], $0x6000  }
0x26e: {  	[sflag:s8] =	ssyncset.done $0x0  }
0x26f: {  	[sflag:s8] =	ssyncadd.s32 $0xFFFFA000  }
0x270: {  	[spmem:s2] =	stream.indirect.scatter.add.f32 [tilespmem:s9], [sflag:$0x2], $0x30, s12, s7, $0xb8;
	[tilespmem:$0x18800] =	vst v63  }
0x271: {  	_ =	swait.ge [sflag:s6], $0x6000  }
0x272: {  	[sflag:s6] =	ssyncset.done $0x0  }
0x273: {  	[sflag:s6] =	ssyncadd.s32 $0xFFFFA000  }
0x274: {  	[bflag:$0x0] =	sbarrier.arrive $0xFFFF  }
0x275: {  	[hbm:s11], [sflag:s4] =	dma.local [spmem:s5], $0xF00  }
0x276: {  	_ =	swait.ge [sflag:s6], $0xF00  }
0x277: {  	[sflag:s6] =	ssyncset.done $0x0  }
0x278: {  	[sflag:s6] =	ssyncadd.s32 $0xFFFFF100  }
0x279: {  	_ =	sfence.sel $0x180000  }
0x27a: {  	[bflag:$0x0] =	sbarrier.arrive $0xFFFF  }
0x27b: {  	_ =	strace $0x9000004A  }
0x27c: {  	s31 =	stileid.u32;
	[bflag:$0x2] =	sbarrier.arrive $0xFFFF  }
0x27d: {  	p0 =	sne.s32 s31, $0x0;
	s0 =	rddreg [dreg:$0x3]  }
0x27e: {  	s0 =	sadd.s32 @!p0 $0x100000, s0  }
0x27f: {  	[sflag:s0] =	ssyncadd.tile.s32 @!p0 $0x1;
	_ =	shalt  }
.Lfunc_end2:
_tile_overlayer_lowered:
.L_overlay_start_2:
0x280: {  	(tag) =	ssettag $0x2  }
0x281: {  	s0 =	rddreg [dreg:$0x0];
	s2 =	stileid.u32  }
0x282: {  	s1 =	rddreg [dreg:$0x1];
	p0 =	sne.s32 s2, $0x0  }
0x283: {  	s3 =	rddreg [dreg:$0x2];
	[bflag:$0x3] =	sbarrier.arrive $0xFFFF;
	s2 =	simm.s32 @!p0 $0x1C02  }
0x284: {  	[timem:s3], [sflag:s2] =	dma.local @!p0 [hbm:s0], s1  }
0x285: {  	s0 =	simm.s32 @!p0 $0x2  }
0x286: {  	_ =	swait.ge @!p0 [sflag:s0], s1  }
0x287: {  	s1 =	ssub.s32 @!p0 $0x0, s1;
	[sflag:s0] =	ssyncset.done @!p0 $0x0  }
0x288: {  	[sflag:s0] =	ssyncadd.s32 @!p0 s1  }
0x289: {  	[bflag:$0x3] =	sbarrier.arrive $0xFFFF  }
0x28a: {  	_ =	shalt  }

</sc_bundles>
